<compile_context>
chip_gen: v7x
topology: tpu7x:2x2x1
jax: 0.10.2.dev20260603
libtpu: 0.0.44.dev20260713+nightly
codegen_flags: <defaults>
</compile_context>

<pallas_src>
import functools

import jax
import jax.numpy as jnp
from jax import lax
from jax.experimental import pallas as pl
from jax.experimental.pallas import tpu as pltpu
from jax.experimental.pallas import tpu_sc as plsc

NUM_CLASSES = 1000000
EMBEDDING_DIM = 64
BATCH = 16384

_info = plsc.get_sparse_core_info()
_NUM_WORKERS = _info.num_cores * _info.num_subcores
_B_PER_W = BATCH // _NUM_WORKERS

_CHUNK = 128
_N_CHUNKS = _B_PER_W // _CHUNK

_PAIR = 8192
_PAIR_LOG2 = 13
_NBLK = NUM_CLASSES // (2 * _PAIR)
_MAIN = _NBLK * 2 * _PAIR
_MAIN_ROWS = _NBLK * _PAIR
_TAIL_BLKS = 5
_SCRATCH_ROWS = _MAIN_ROWS + _TAIL_BLKS * 64


def _transpose_body(a_ref, b_ref, o_ref):
    o_ref[:, 0:EMBEDDING_DIM] = a_ref[...].T
    o_ref[:, EMBEDDING_DIM:128] = b_ref[...].T


def _tail_body(x_ref, s_ref, o_ref):
    del s_ref
    o_ref[:, 0:EMBEDDING_DIM] = x_ref[:, 0:EMBEDDING_DIM].T
    o_ref[:, EMBEDDING_DIM:128] = x_ref[:, EMBEDDING_DIM:128].T


def _relayout(table_t):
    main = pl.pallas_call(
        _transpose_body,
        grid=(_NBLK,),
        in_specs=[
            pl.BlockSpec((EMBEDDING_DIM, _PAIR), lambda i: (0, 2 * i)),
            pl.BlockSpec((EMBEDDING_DIM, _PAIR), lambda i: (0, 2 * i + 1)),
        ],
        out_specs=pl.BlockSpec((_PAIR, 128), lambda i: (i, 0)),
        out_shape=jax.ShapeDtypeStruct((_SCRATCH_ROWS, 128), jnp.float32),
    )(table_t, table_t)
    return pl.pallas_call(
        _tail_body,
        grid=(_TAIL_BLKS,),
        in_specs=[
            pl.BlockSpec((EMBEDDING_DIM, 128), lambda i: (0, _MAIN // 128 + i)),
            pl.BlockSpec(memory_space=pl.ANY),
        ],
        out_specs=pl.BlockSpec((64, 128), lambda i: (_MAIN_ROWS // 64 + i, 0)),
        out_shape=jax.ShapeDtypeStruct((_SCRATCH_ROWS, 128), jnp.float32),
        input_output_aliases={1: 0},
    )(table_t, main)


def _gather(labels, scratch):
    mesh = plsc.VectorSubcoreMesh(core_axis_name="c", subcore_axis_name="s")

    @functools.partial(
        pl.kernel,
        mesh=mesh,
        out_type=jax.ShapeDtypeStruct((BATCH, EMBEDDING_DIM), jnp.float32),
        scratch_types=[
            pltpu.VMEM((_B_PER_W,), jnp.int32),
            pltpu.VMEM((_B_PER_W,), jnp.int32),
            pltpu.VMEM((_B_PER_W,), jnp.int32),
            pltpu.VMEM((_CHUNK, 128), jnp.float32),
            pltpu.VMEM((_CHUNK, 128), jnp.float32),
            pltpu.VMEM((_CHUNK, EMBEDDING_DIM), jnp.float32),
            pltpu.VMEM((_CHUNK, EMBEDDING_DIM), jnp.float32),
            pltpu.SemaphoreType.DMA((_N_CHUNKS,)),
            pltpu.SemaphoreType.DMA,
        ],
        compiler_params=pltpu.CompilerParams(needs_layout_passes=False),
    )
    def c(labels_hbm, scratch_hbm, out_hbm, idx_v, tidx_v, half_v, rows_a,
          rows_b, out_a, out_b, gsems, ssem):
        wid = lax.axis_index("s") * _info.num_cores + lax.axis_index("c")
        base = wid * _B_PER_W
        pltpu.sync_copy(labels_hbm.at[pl.ds(base, _B_PER_W)], idx_v)
        for i in range(_B_PER_W // 16):
            l = idx_v[pl.ds(i * 16, 16)]
            r_main = lax.bitwise_or(
                lax.shift_left(
                    lax.shift_right_logical(l, _PAIR_LOG2 + 1), _PAIR_LOG2
                ),
                lax.bitwise_and(l, jnp.int32(_PAIR - 1)),
            )
            h_main = lax.bitwise_and(
                lax.shift_right_logical(l, _PAIR_LOG2), jnp.int32(1)
            )
            t = l - _MAIN
            r_tail = (
                _MAIN_ROWS
                + lax.shift_left(lax.shift_right_logical(t, 7), 6)
                + lax.bitwise_and(t, jnp.int32(63))
            )
            h_tail = lax.bitwise_and(
                lax.shift_right_logical(t, 6), jnp.int32(1)
            )
            in_tail = l >= _MAIN
            tidx_v[pl.ds(i * 16, 16)] = jnp.where(in_tail, r_tail, r_main)
            half_v[pl.ds(i * 16, 16)] = (
                jnp.where(in_tail, h_tail, h_main) * EMBEDDING_DIM
            )

        rows_bufs = [rows_a, rows_b]
        out_bufs = [out_a, out_b]
        gathers = {}

        def fire(ch):
            gathers[ch] = pltpu.async_copy(
                scratch_hbm.at[tidx_v.at[pl.ds(ch * _CHUNK, _CHUNK)]],
                rows_bufs[ch % 2],
                gsems.at[ch],
            )

        fire(0)
        fire(1)
        writebacks = []
        for ch in range(_N_CHUNKS):
            cbase = ch * _CHUNK
            rows_v = rows_bufs[ch % 2]
            out_v = out_bufs[ch % 2]
            gathers[ch].wait()
            if ch >= 2:
                writebacks[ch - 2].wait()
            ebs = [
                half_v[pl.ds(cbase + jb * 16, 16)]
                for jb in range(_CHUNK // 16)
            ]

            def colbody(cc, carry, rows_v=rows_v, out_v=out_v, ebs=ebs):
                cvec = jnp.zeros((16,), jnp.int32) + cc
                for jb in range(_CHUNK // 16):
                    j_vec = lax.iota(jnp.int32, 16) + jb * 16
                    vals = plsc.load_gather(rows_v, [j_vec, ebs[jb] + cvec])
                    plsc.store_scatter(out_v, [j_vec, cvec], vals)
                return carry

            lax.fori_loop(0, EMBEDDING_DIM, colbody, 0)
            if ch + 2 < _N_CHUNKS:
                fire(ch + 2)
            writebacks.append(
                pltpu.async_copy(
                    out_v,
                    out_hbm.at[pl.ds(base + cbase, _CHUNK)],
                    ssem,
                )
            )
        for wb in writebacks[-2:]:
            wb.wait()

    return c(labels, scratch)


def kernel(labels, table):
    scratch = _relayout(table.T)
    return _gather(labels.astype(jnp.int32), scratch)

# --- scband reference (transcript-rebuilt; emitter-appended) ---
"""Pipeline reference for scband-label-mapper-21406117004051 (READ-ONLY COPY).

The authoritative reference and input builder live on the scoring server;
editing this copy changes nothing except your own understanding.
"""

import jax, jax.numpy as jnp
import numpy as np

NUM_CLASSES = 1000000
EMBEDDING_DIM = 64
BATCH = 16384

def setup_inputs(seed: int = 0) -> dict:
    key = jax.random.key(seed)
    k_idx, k_tab = jax.random.split(key)
    labels = jax.random.randint(k_idx, (BATCH,), 0, NUM_CLASSES, dtype=jnp.int64 if jax.config.jax_enable_x64 else jnp.int32)
    table = jax.random.normal(k_tab, (NUM_CLASSES, EMBEDDING_DIM), dtype=jnp.float32)
    return {"labels": labels, "table": table}

def reference(labels, table):
    # LabelMapper.forward: embeddings = self.embs(labels)
    embeddings = jnp.take(table, labels, axis=0)
    return embeddings

if __name__ == "__main__":
    import jax
    _d = setup_inputs()
    print(jax.jit(kernel)(*tuple(_d.values())))

</pallas_src>

<mosaic_0001>
#map = affine_map<(d0, d1) -> (0)>
#map1 = affine_map<(d0, d1) -> (0, 0)>
module attributes {stable_mosaic.version = 14 : i64} {
  func.func @c(%arg0: i32, %arg1: i32, %arg2: memref<16384xi32, #tpu.memory_space<hbm>>, %arg3: memref<500032x128xf32, #tpu.memory_space<hbm>>, %arg4: memref<16384x64xf32, #tpu.memory_space<hbm>>, %arg5: memref<512xi32, #tpu.memory_space<vmem>>, %arg6: memref<512xi32, #tpu.memory_space<vmem>>, %arg7: memref<512xi32, #tpu.memory_space<vmem>>, %arg8: memref<128x128xf32, #tpu.memory_space<vmem>>, %arg9: memref<128x128xf32, #tpu.memory_space<vmem>>, %arg10: memref<128x64xf32, #tpu.memory_space<vmem>>, %arg11: memref<128x64xf32, #tpu.memory_space<vmem>>, %arg12: memref<4x!tpu.dma_semaphore, #tpu.memory_space<semaphore_mem>>, %arg13: memref<!tpu.dma_semaphore, #tpu.memory_space<semaphore_mem>>) attributes {dimension_semantics = [#tpu.dimension_semantics<core_parallel>, #tpu.dimension_semantics<subcore_parallel>], iteration_bounds = array<i64: 2, 16>, scalar_prefetch = 0 : i64, scratch_operands = 9 : i64, tpu.core_type = #tpu.core_type<sc_vector_subcore>, window_params = [{transform_indices = #map}, {transform_indices = #map1}, {transform_indices = #map1}]} {
    %mul3A = arith.constant 2 : i32
    %mul3A_0 = arith.muli %arg1, %mul3A : i32
    %add3A = arith.addi %mul3A_0, %arg0 : i32
    %mul3A_1 = arith.constant 512 : i32
    %mul3A_2 = arith.muli %add3A, %mul3A_1 : i32
    "tpu.region"() ({
      %run_scoped3A = tpu.sem_alloc : memref<!tpu.dma_semaphore, #tpu.memory_space<semaphore_mem>>
      %dma_start3A_1847 = tpu.memref_slice %arg2[%mul3A_2] : memref<16384xi32, #tpu.memory_space<hbm>> -> memref<512xi32, #tpu.memory_space<hbm>>
      %dma_start3A_1848 = tpu.memref_slice %arg2[%mul3A_2] : memref<16384xi32, #tpu.memory_space<hbm>> -> memref<512xi32, #tpu.memory_space<hbm>>
      tpu.enqueue_dma source(%dma_start3A_1848 : memref<512xi32, #tpu.memory_space<hbm>>) target(%arg5 : memref<512xi32, #tpu.memory_space<vmem>>) target_semaphore(%run_scoped3A : memref<!tpu.dma_semaphore, #tpu.memory_space<semaphore_mem>>)
      %dma_wait3A_1849 = tpu.memref_slice %arg2[%mul3A_2] : memref<16384xi32, #tpu.memory_space<hbm>> -> memref<512xi32, #tpu.memory_space<hbm>>
      %dma_wait3A_1850 = tpu.memref_slice %arg2[%mul3A_2] : memref<16384xi32, #tpu.memory_space<hbm>> -> memref<512xi32, #tpu.memory_space<hbm>>
      tpu.wait_dma2 semaphore(%run_scoped3A : memref<!tpu.dma_semaphore, #tpu.memory_space<semaphore_mem>>) src(%dma_wait3A_1850 : memref<512xi32, #tpu.memory_space<hbm>>) dst(%arg5 : memref<512xi32, #tpu.memory_space<vmem>>)
      tpu.yield
    }) : () -> ()
    %get3A = arith.constant 0 : index
    %get3A_3 = tpu.vector_load %arg5[%get3A] {strides = array<i32>} : memref<512xi32, #tpu.memory_space<vmem>>, vector<16xi32>,
    %shift_right_logical3A = arith.constant 14 : i32
    %shift_right_logical3A_4 = vector.broadcast %shift_right_logical3A : i32 to vector<16xi32>
    %shift_right_logical3A_5 = arith.shrui %get3A_3, %shift_right_logical3A_4 : vector<16xi32>
    %shift_left3A = arith.constant 13 : i32
    %shift_left3A_6 = vector.broadcast %shift_left3A : i32 to vector<16xi32>
    %shift_left3A_7 = arith.shli %shift_right_logical3A_5, %shift_left3A_6 : vector<16xi32>
    %and3A = arith.constant 8191 : i32
    %and3A_8 = vector.broadcast %and3A : i32 to vector<16xi32>
    %and3A_9 = arith.andi %get3A_3, %and3A_8 : vector<16xi32>
    %or3A = arith.ori %shift_left3A_7, %and3A_9 : vector<16xi32>
    %shift_right_logical3A_10 = arith.constant 13 : i32
    %shift_right_logical3A_11 = vector.broadcast %shift_right_logical3A_10 : i32 to vector<16xi32>
    %shift_right_logical3A_12 = arith.shrui %get3A_3, %shift_right_logical3A_11 : vector<16xi32>
    %and3A_13 = arith.constant 1 : i32
    %and3A_14 = vector.broadcast %and3A_13 : i32 to vector<16xi32>
    %and3A_15 = arith.andi %shift_right_logical3A_12, %and3A_14 : vector<16xi32>
    %sub3A = arith.constant 999424 : i32
    %sub3A_16 = vector.broadcast %sub3A : i32 to vector<16xi32>
    %sub3A_17 = arith.subi %get3A_3, %sub3A_16 : vector<16xi32>
    %shift_right_logical3A_18 = arith.constant 7 : i32
    %shift_right_logical3A_19 = vector.broadcast %shift_right_logical3A_18 : i32 to vector<16xi32>
    %shift_right_logical3A_20 = arith.shrui %sub3A_17, %shift_right_logical3A_19 : vector<16xi32>
    %shift_left3A_21 = arith.constant 6 : i32
    %shift_left3A_22 = vector.broadcast %shift_left3A_21 : i32 to vector<16xi32>
    %shift_left3A_23 = arith.shli %shift_right_logical3A_20, %shift_left3A_22 : vector<16xi32>
    %add3A_24 = arith.constant 499712 : i32
    %add3A_25 = vector.broadcast %add3A_24 : i32 to vector<16xi32>
    %add3A_26 = arith.addi %add3A_25, %shift_left3A_23 : vector<16xi32>
    %and3A_27 = arith.constant 63 : i32
    %and3A_28 = vector.broadcast %and3A_27 : i32 to vector<16xi32>
    %and3A_29 = arith.andi %sub3A_17, %and3A_28 : vector<16xi32>
    %add3A_30 = arith.addi %add3A_26, %and3A_29 : vector<16xi32>
    %shift_right_logical3A_31 = arith.constant 6 : i32
    %shift_right_logical3A_32 = vector.broadcast %shift_right_logical3A_31 : i32 to vector<16xi32>
    %shift_right_logical3A_33 = arith.shrui %sub3A_17, %shift_right_logical3A_32 : vector<16xi32>
    %and3A_34 = arith.constant 1 : i32
    %and3A_35 = vector.broadcast %and3A_34 : i32 to vector<16xi32>
    %and3A_36 = arith.andi %shift_right_logical3A_33, %and3A_35 : vector<16xi32>
    %ge3A = arith.constant 999424 : i32
    %ge3A_37 = vector.broadcast %ge3A : i32 to vector<16xi32>
    %ge3A_38 = arith.cmpi sge, %get3A_3, %ge3A_37 : vector<16xi32>
    %select_n3A = arith.select %ge3A_38, %add3A_30, %or3A : vector<16xi1>, vector<16xi32>
    %swap3A = arith.constant 0 : index
    %swap3A_39 = tpu.vector_load %arg6[%swap3A] {strides = array<i32>} : memref<512xi32, #tpu.memory_space<vmem>>, vector<16xi32>,
    tpu.vector_store %arg6[%swap3A], %select_n3A {strides = array<i32>} : memref<512xi32, #tpu.memory_space<vmem>>, vector<16xi32>,
    %select_n3A_40 = arith.select %ge3A_38, %and3A_36, %and3A_15 : vector<16xi1>, vector<16xi32>
    %mul3A_41 = arith.constant 64 : i32
    %mul3A_42 = vector.broadcast %mul3A_41 : i32 to vector<16xi32>
    %mul3A_43 = arith.muli %select_n3A_40, %mul3A_42 : vector<16xi32>
    %swap3A_44 = arith.constant 0 : index
    %swap3A_45 = tpu.vector_load %arg7[%swap3A_44] {strides = array<i32>} : memref<512xi32, #tpu.memory_space<vmem>>, vector<16xi32>,
    tpu.vector_store %arg7[%swap3A_44], %mul3A_43 {strides = array<i32>} : memref<512xi32, #tpu.memory_space<vmem>>, vector<16xi32>,
    %get3A_46 = arith.constant 16 : index
    %get3A_47 = tpu.vector_load %arg5[%get3A_46] {strides = array<i32>} : memref<512xi32, #tpu.memory_space<vmem>>, vector<16xi32>,
    %shift_right_logical3A_48 = arith.constant 14 : i32
    %shift_right_logical3A_49 = vector.broadcast %shift_right_logical3A_48 : i32 to vector<16xi32>
    %shift_right_logical3A_50 = arith.shrui %get3A_47, %shift_right_logical3A_49 : vector<16xi32>
    %shift_left3A_51 = arith.constant 13 : i32
    %shift_left3A_52 = vector.broadcast %shift_left3A_51 : i32 to vector<16xi32>
    %shift_left3A_53 = arith.shli %shift_right_logical3A_50, %shift_left3A_52 : vector<16xi32>
    %and3A_54 = arith.constant 8191 : i32
    %and3A_55 = vector.broadcast %and3A_54 : i32 to vector<16xi32>
    %and3A_56 = arith.andi %get3A_47, %and3A_55 : vector<16xi32>
    %or3A_57 = arith.ori %shift_left3A_53, %and3A_56 : vector<16xi32>
    %shift_right_logical3A_58 = arith.constant 13 : i32
    %shift_right_logical3A_59 = vector.broadcast %shift_right_logical3A_58 : i32 to vector<16xi32>
    %shift_right_logical3A_60 = arith.shrui %get3A_47, %shift_right_logical3A_59 : vector<16xi32>
    %and3A_61 = arith.constant 1 : i32
    %and3A_62 = vector.broadcast %and3A_61 : i32 to vector<16xi32>
    %and3A_63 = arith.andi %shift_right_logical3A_60, %and3A_62 : vector<16xi32>
    %sub3A_64 = arith.constant 999424 : i32
    %sub3A_65 = vector.broadcast %sub3A_64 : i32 to vector<16xi32>
    %sub3A_66 = arith.subi %get3A_47, %sub3A_65 : vector<16xi32>
    %shift_right_logical3A_67 = arith.constant 7 : i32
    %shift_right_logical3A_68 = vector.broadcast %shift_right_logical3A_67 : i32 to vector<16xi32>
    %shift_right_logical3A_69 = arith.shrui %sub3A_66, %shift_right_logical3A_68 : vector<16xi32>
    %shift_left3A_70 = arith.constant 6 : i32
    %shift_left3A_71 = vector.broadcast %shift_left3A_70 : i32 to vector<16xi32>
    %shift_left3A_72 = arith.shli %shift_right_logical3A_69, %shift_left3A_71 : vector<16xi32>
    %add3A_73 = arith.constant 499712 : i32
    %add3A_74 = vector.broadcast %add3A_73 : i32 to vector<16xi32>
    %add3A_75 = arith.addi %add3A_74, %shift_left3A_72 : vector<16xi32>
    %and3A_76 = arith.constant 63 : i32
    %and3A_77 = vector.broadcast %and3A_76 : i32 to vector<16xi32>
    %and3A_78 = arith.andi %sub3A_66, %and3A_77 : vector<16xi32>
    %add3A_79 = arith.addi %add3A_75, %and3A_78 : vector<16xi32>
    %shift_right_logical3A_80 = arith.constant 6 : i32
    %shift_right_logical3A_81 = vector.broadcast %shift_right_logical3A_80 : i32 to vector<16xi32>
    %shift_right_logical3A_82 = arith.shrui %sub3A_66, %shift_right_logical3A_81 : vector<16xi32>
    %and3A_83 = arith.constant 1 : i32
    %and3A_84 = vector.broadcast %and3A_83 : i32 to vector<16xi32>
    %and3A_85 = arith.andi %shift_right_logical3A_82, %and3A_84 : vector<16xi32>
    %ge3A_86 = arith.constant 999424 : i32
    %ge3A_87 = vector.broadcast %ge3A_86 : i32 to vector<16xi32>
    %ge3A_88 = arith.cmpi sge, %get3A_47, %ge3A_87 : vector<16xi32>
    %select_n3A_89 = arith.select %ge3A_88, %add3A_79, %or3A_57 : vector<16xi1>, vector<16xi32>
    %swap3A_90 = arith.constant 16 : index
    %swap3A_91 = tpu.vector_load %arg6[%swap3A_90] {strides = array<i32>} : memref<512xi32, #tpu.memory_space<vmem>>, vector<16xi32>,
    tpu.vector_store %arg6[%swap3A_90], %select_n3A_89 {strides = array<i32>} : memref<512xi32, #tpu.memory_space<vmem>>, vector<16xi32>,
    %select_n3A_92 = arith.select %ge3A_88, %and3A_85, %and3A_63 : vector<16xi1>, vector<16xi32>
    %mul3A_93 = arith.constant 64 : i32
    %mul3A_94 = vector.broadcast %mul3A_93 : i32 to vector<16xi32>
    %mul3A_95 = arith.muli %select_n3A_92, %mul3A_94 : vector<16xi32>
    %swap3A_96 = arith.constant 16 : index
    %swap3A_97 = tpu.vector_load %arg7[%swap3A_96] {strides = array<i32>} : memref<512xi32, #tpu.memory_space<vmem>>, vector<16xi32>,
    tpu.vector_store %arg7[%swap3A_96], %mul3A_95 {strides = array<i32>} : memref<512xi32, #tpu.memory_space<vmem>>, vector<16xi32>,
    %get3A_98 = arith.constant 32 : index
    %get3A_99 = tpu.vector_load %arg5[%get3A_98] {strides = array<i32>} : memref<512xi32, #tpu.memory_space<vmem>>, vector<16xi32>,
    %shift_right_logical3A_100 = arith.constant 14 : i32
    %shift_right_logical3A_101 = vector.broadcast %shift_right_logical3A_100 : i32 to vector<16xi32>
    %shift_right_logical3A_102 = arith.shrui %get3A_99, %shift_right_logical3A_101 : vector<16xi32>
    %shift_left3A_103 = arith.constant 13 : i32
    %shift_left3A_104 = vector.broadcast %shift_left3A_103 : i32 to vector<16xi32>
    %shift_left3A_105 = arith.shli %shift_right_logical3A_102, %shift_left3A_104 : vector<16xi32>
    %and3A_106 = arith.constant 8191 : i32
    %and3A_107 = vector.broadcast %and3A_106 : i32 to vector<16xi32>
    %and3A_108 = arith.andi %get3A_99, %and3A_107 : vector<16xi32>
    %or3A_109 = arith.ori %shift_left3A_105, %and3A_108 : vector<16xi32>
    %shift_right_logical3A_110 = arith.constant 13 : i32
    %shift_right_logical3A_111 = vector.broadcast %shift_right_logical3A_110 : i32 to vector<16xi32>
    %shift_right_logical3A_112 = arith.shrui %get3A_99, %shift_right_logical3A_111 : vector<16xi32>
    %and3A_113 = arith.constant 1 : i32
    %and3A_114 = vector.broadcast %and3A_113 : i32 to vector<16xi32>
    %and3A_115 = arith.andi %shift_right_logical3A_112, %and3A_114 : vector<16xi32>
    %sub3A_116 = arith.constant 999424 : i32
    %sub3A_117 = vector.broadcast %sub3A_116 : i32 to vector<16xi32>
    %sub3A_118 = arith.subi %get3A_99, %sub3A_117 : vector<16xi32>
    %shift_right_logical3A_119 = arith.constant 7 : i32
    %shift_right_logical3A_120 = vector.broadcast %shift_right_logical3A_119 : i32 to vector<16xi32>
    %shift_right_logical3A_121 = arith.shrui %sub3A_118, %shift_right_logical3A_120 : vector<16xi32>
    %shift_left3A_122 = arith.constant 6 : i32
    %shift_left3A_123 = vector.broadcast %shift_left3A_122 : i32 to vector<16xi32>
    %shift_left3A_124 = arith.shli %shift_right_logical3A_121, %shift_left3A_123 : vector<16xi32>
    %add3A_125 = arith.constant 499712 : i32
    %add3A_126 = vector.broadcast %add3A_125 : i32 to vector<16xi32>
    %add3A_127 = arith.addi %add3A_126, %shift_left3A_124 : vector<16xi32>
    %and3A_128 = arith.constant 63 : i32
    %and3A_129 = vector.broadcast %and3A_128 : i32 to vector<16xi32>
    %and3A_130 = arith.andi %sub3A_118, %and3A_129 : vector<16xi32>
    %add3A_131 = arith.addi %add3A_127, %and3A_130 : vector<16xi32>
    %shift_right_logical3A_132 = arith.constant 6 : i32
    %shift_right_logical3A_133 = vector.broadcast %shift_right_logical3A_132 : i32 to vector<16xi32>
    %shift_right_logical3A_134 = arith.shrui %sub3A_118, %shift_right_logical3A_133 : vector<16xi32>
    %and3A_135 = arith.constant 1 : i32
    %and3A_136 = vector.broadcast %and3A_135 : i32 to vector<16xi32>
    %and3A_137 = arith.andi %shift_right_logical3A_134, %and3A_136 : vector<16xi32>
    %ge3A_138 = arith.constant 999424 : i32
    %ge3A_139 = vector.broadcast %ge3A_138 : i32 to vector<16xi32>
    %ge3A_140 = arith.cmpi sge, %get3A_99, %ge3A_139 : vector<16xi32>
    %select_n3A_141 = arith.select %ge3A_140, %add3A_131, %or3A_109 : vector<16xi1>, vector<16xi32>
    %swap3A_142 = arith.constant 32 : index
    %swap3A_143 = tpu.vector_load %arg6[%swap3A_142] {strides = array<i32>} : memref<512xi32, #tpu.memory_space<vmem>>, vector<16xi32>,
    tpu.vector_store %arg6[%swap3A_142], %select_n3A_141 {strides = array<i32>} : memref<512xi32, #tpu.memory_space<vmem>>, vector<16xi32>,
    %select_n3A_144 = arith.select %ge3A_140, %and3A_137, %and3A_115 : vector<16xi1>, vector<16xi32>
    %mul3A_145 = arith.constant 64 : i32
    %mul3A_146 = vector.broadcast %mul3A_145 : i32 to vector<16xi32>
    %mul3A_147 = arith.muli %select_n3A_144, %mul3A_146 : vector<16xi32>
    %swap3A_148 = arith.constant 32 : index
    %swap3A_149 = tpu.vector_load %arg7[%swap3A_148] {strides = array<i32>} : memref<512xi32, #tpu.memory_space<vmem>>, vector<16xi32>,
    tpu.vector_store %arg7[%swap3A_148], %mul3A_147 {strides = array<i32>} : memref<512xi32, #tpu.memory_space<vmem>>, vector<16xi32>,
    %get3A_150 = arith.constant 48 : index
    %get3A_151 = tpu.vector_load %arg5[%get3A_150] {strides = array<i32>} : memref<512xi32, #tpu.memory_space<vmem>>, vector<16xi32>,
    %shift_right_logical3A_152 = arith.constant 14 : i32
    %shift_right_logical3A_153 = vector.broadcast %shift_right_logical3A_152 : i32 to vector<16xi32>
    %shift_right_logical3A_154 = arith.shrui %get3A_151, %shift_right_logical3A_153 : vector<16xi32>
    %shift_left3A_155 = arith.constant 13 : i32
    %shift_left3A_156 = vector.broadcast %shift_left3A_155 : i32 to vector<16xi32>
    %shift_left3A_157 = arith.shli %shift_right_logical3A_154, %shift_left3A_156 : vector<16xi32>
    %and3A_158 = arith.constant 8191 : i32
    %and3A_159 = vector.broadcast %and3A_158 : i32 to vector<16xi32>
    %and3A_160 = arith.andi %get3A_151, %and3A_159 : vector<16xi32>
    %or3A_161 = arith.ori %shift_left3A_157, %and3A_160 : vector<16xi32>
    %shift_right_logical3A_162 = arith.constant 13 : i32
    %shift_right_logical3A_163 = vector.broadcast %shift_right_logical3A_162 : i32 to vector<16xi32>
    %shift_right_logical3A_164 = arith.shrui %get3A_151, %shift_right_logical3A_163 : vector<16xi32>
    %and3A_165 = arith.constant 1 : i32
    %and3A_166 = vector.broadcast %and3A_165 : i32 to vector<16xi32>
    %and3A_167 = arith.andi %shift_right_logical3A_164, %and3A_166 : vector<16xi32>
    %sub3A_168 = arith.constant 999424 : i32
    %sub3A_169 = vector.broadcast %sub3A_168 : i32 to vector<16xi32>
    %sub3A_170 = arith.subi %get3A_151, %sub3A_169 : vector<16xi32>
    %shift_right_logical3A_171 = arith.constant 7 : i32
    %shift_right_logical3A_172 = vector.broadcast %shift_right_logical3A_171 : i32 to vector<16xi32>
    %shift_right_logical3A_173 = arith.shrui %sub3A_170, %shift_right_logical3A_172 : vector<16xi32>
    %shift_left3A_174 = arith.constant 6 : i32
    %shift_left3A_175 = vector.broadcast %shift_left3A_174 : i32 to vector<16xi32>
    %shift_left3A_176 = arith.shli %shift_right_logical3A_173, %shift_left3A_175 : vector<16xi32>
    %add3A_177 = arith.constant 499712 : i32
    %add3A_178 = vector.broadcast %add3A_177 : i32 to vector<16xi32>
    %add3A_179 = arith.addi %add3A_178, %shift_left3A_176 : vector<16xi32>
    %and3A_180 = arith.constant 63 : i32
    %and3A_181 = vector.broadcast %and3A_180 : i32 to vector<16xi32>
    %and3A_182 = arith.andi %sub3A_170, %and3A_181 : vector<16xi32>
    %add3A_183 = arith.addi %add3A_179, %and3A_182 : vector<16xi32>
    %shift_right_logical3A_184 = arith.constant 6 : i32
    %shift_right_logical3A_185 = vector.broadcast %shift_right_logical3A_184 : i32 to vector<16xi32>
    %shift_right_logical3A_186 = arith.shrui %sub3A_170, %shift_right_logical3A_185 : vector<16xi32>
    %and3A_187 = arith.constant 1 : i32
    %and3A_188 = vector.broadcast %and3A_187 : i32 to vector<16xi32>
    %and3A_189 = arith.andi %shift_right_logical3A_186, %and3A_188 : vector<16xi32>
    %ge3A_190 = arith.constant 999424 : i32
    %ge3A_191 = vector.broadcast %ge3A_190 : i32 to vector<16xi32>
    %ge3A_192 = arith.cmpi sge, %get3A_151, %ge3A_191 : vector<16xi32>
    %select_n3A_193 = arith.select %ge3A_192, %add3A_183, %or3A_161 : vector<16xi1>, vector<16xi32>
    %swap3A_194 = arith.constant 48 : index
    %swap3A_195 = tpu.vector_load %arg6[%swap3A_194] {strides = array<i32>} : memref<512xi32, #tpu.memory_space<vmem>>, vector<16xi32>,
    tpu.vector_store %arg6[%swap3A_194], %select_n3A_193 {strides = array<i32>} : memref<512xi32, #tpu.memory_space<vmem>>, vector<16xi32>,
    %select_n3A_196 = arith.select %ge3A_192, %and3A_189, %and3A_167 : vector<16xi1>, vector<16xi32>
    %mul3A_197 = arith.constant 64 : i32
    %mul3A_198 = vector.broadcast %mul3A_197 : i32 to vector<16xi32>
    %mul3A_199 = arith.muli %select_n3A_196, %mul3A_198 : vector<16xi32>
    %swap3A_200 = arith.constant 48 : index
    %swap3A_201 = tpu.vector_load %arg7[%swap3A_200] {strides = array<i32>} : memref<512xi32, #tpu.memory_space<vmem>>, vector<16xi32>,
    tpu.vector_store %arg7[%swap3A_200], %mul3A_199 {strides = array<i32>} : memref<512xi32, #tpu.memory_space<vmem>>, vector<16xi32>,
    %get3A_202 = arith.constant 64 : index
    %get3A_203 = tpu.vector_load %arg5[%get3A_202] {strides = array<i32>} : memref<512xi32, #tpu.memory_space<vmem>>, vector<16xi32>,
    %shift_right_logical3A_204 = arith.constant 14 : i32
    %shift_right_logical3A_205 = vector.broadcast %shift_right_logical3A_204 : i32 to vector<16xi32>
    %shift_right_logical3A_206 = arith.shrui %get3A_203, %shift_right_logical3A_205 : vector<16xi32>
    %shift_left3A_207 = arith.constant 13 : i32
    %shift_left3A_208 = vector.broadcast %shift_left3A_207 : i32 to vector<16xi32>
    %shift_left3A_209 = arith.shli %shift_right_logical3A_206, %shift_left3A_208 : vector<16xi32>
    %and3A_210 = arith.constant 8191 : i32
    %and3A_211 = vector.broadcast %and3A_210 : i32 to vector<16xi32>
    %and3A_212 = arith.andi %get3A_203, %and3A_211 : vector<16xi32>
    %or3A_213 = arith.ori %shift_left3A_209, %and3A_212 : vector<16xi32>
    %shift_right_logical3A_214 = arith.constant 13 : i32
    %shift_right_logical3A_215 = vector.broadcast %shift_right_logical3A_214 : i32 to vector<16xi32>
    %shift_right_logical3A_216 = arith.shrui %get3A_203, %shift_right_logical3A_215 : vector<16xi32>
    %and3A_217 = arith.constant 1 : i32
    %and3A_218 = vector.broadcast %and3A_217 : i32 to vector<16xi32>
    %and3A_219 = arith.andi %shift_right_logical3A_216, %and3A_218 : vector<16xi32>
    %sub3A_220 = arith.constant 999424 : i32
    %sub3A_221 = vector.broadcast %sub3A_220 : i32 to vector<16xi32>
    %sub3A_222 = arith.subi %get3A_203, %sub3A_221 : vector<16xi32>
    %shift_right_logical3A_223 = arith.constant 7 : i32
    %shift_right_logical3A_224 = vector.broadcast %shift_right_logical3A_223 : i32 to vector<16xi32>
    %shift_right_logical3A_225 = arith.shrui %sub3A_222, %shift_right_logical3A_224 : vector<16xi32>
    %shift_left3A_226 = arith.constant 6 : i32
    %shift_left3A_227 = vector.broadcast %shift_left3A_226 : i32 to vector<16xi32>
    %shift_left3A_228 = arith.shli %shift_right_logical3A_225, %shift_left3A_227 : vector<16xi32>
    %add3A_229 = arith.constant 499712 : i32
    %add3A_230 = vector.broadcast %add3A_229 : i32 to vector<16xi32>
    %add3A_231 = arith.addi %add3A_230, %shift_left3A_228 : vector<16xi32>
    %and3A_232 = arith.constant 63 : i32
    %and3A_233 = vector.broadcast %and3A_232 : i32 to vector<16xi32>
    %and3A_234 = arith.andi %sub3A_222, %and3A_233 : vector<16xi32>
    %add3A_235 = arith.addi %add3A_231, %and3A_234 : vector<16xi32>
    %shift_right_logical3A_236 = arith.constant 6 : i32
    %shift_right_logical3A_237 = vector.broadcast %shift_right_logical3A_236 : i32 to vector<16xi32>
    %shift_right_logical3A_238 = arith.shrui %sub3A_222, %shift_right_logical3A_237 : vector<16xi32>
    %and3A_239 = arith.constant 1 : i32
    %and3A_240 = vector.broadcast %and3A_239 : i32 to vector<16xi32>
    %and3A_241 = arith.andi %shift_right_logical3A_238, %and3A_240 : vector<16xi32>
    %ge3A_242 = arith.constant 999424 : i32
    %ge3A_243 = vector.broadcast %ge3A_242 : i32 to vector<16xi32>
    %ge3A_244 = arith.cmpi sge, %get3A_203, %ge3A_243 : vector<16xi32>
    %select_n3A_245 = arith.select %ge3A_244, %add3A_235, %or3A_213 : vector<16xi1>, vector<16xi32>
    %swap3A_246 = arith.constant 64 : index
    %swap3A_247 = tpu.vector_load %arg6[%swap3A_246] {strides = array<i32>} : memref<512xi32, #tpu.memory_space<vmem>>, vector<16xi32>,
    tpu.vector_store %arg6[%swap3A_246], %select_n3A_245 {strides = array<i32>} : memref<512xi32, #tpu.memory_space<vmem>>, vector<16xi32>,
    %select_n3A_248 = arith.select %ge3A_244, %and3A_241, %and3A_219 : vector<16xi1>, vector<16xi32>
    %mul3A_249 = arith.constant 64 : i32
    %mul3A_250 = vector.broadcast %mul3A_249 : i32 to vector<16xi32>
    %mul3A_251 = arith.muli %select_n3A_248, %mul3A_250 : vector<16xi32>
    %swap3A_252 = arith.constant 64 : index
    %swap3A_253 = tpu.vector_load %arg7[%swap3A_252] {strides = array<i32>} : memref<512xi32, #tpu.memory_space<vmem>>, vector<16xi32>,
    tpu.vector_store %arg7[%swap3A_252], %mul3A_251 {strides = array<i32>} : memref<512xi32, #tpu.memory_space<vmem>>, vector<16xi32>,
    %get3A_254 = arith.constant 80 : index
    %get3A_255 = tpu.vector_load %arg5[%get3A_254] {strides = array<i32>} : memref<512xi32, #tpu.memory_space<vmem>>, vector<16xi32>,
    %shift_right_logical3A_256 = arith.constant 14 : i32
    %shift_right_logical3A_257 = vector.broadcast %shift_right_logical3A_256 : i32 to vector<16xi32>
    %shift_right_logical3A_258 = arith.shrui %get3A_255, %shift_right_logical3A_257 : vector<16xi32>
    %shift_left3A_259 = arith.constant 13 : i32
    %shift_left3A_260 = vector.broadcast %shift_left3A_259 : i32 to vector<16xi32>
    %shift_left3A_261 = arith.shli %shift_right_logical3A_258, %shift_left3A_260 : vector<16xi32>
    %and3A_262 = arith.constant 8191 : i32
    %and3A_263 = vector.broadcast %and3A_262 : i32 to vector<16xi32>
    %and3A_264 = arith.andi %get3A_255, %and3A_263 : vector<16xi32>
    %or3A_265 = arith.ori %shift_left3A_261, %and3A_264 : vector<16xi32>
    %shift_right_logical3A_266 = arith.constant 13 : i32
    %shift_right_logical3A_267 = vector.broadcast %shift_right_logical3A_266 : i32 to vector<16xi32>
    %shift_right_logical3A_268 = arith.shrui %get3A_255, %shift_right_logical3A_267 : vector<16xi32>
    %and3A_269 = arith.constant 1 : i32
    %and3A_270 = vector.broadcast %and3A_269 : i32 to vector<16xi32>
    %and3A_271 = arith.andi %shift_right_logical3A_268, %and3A_270 : vector<16xi32>
    %sub3A_272 = arith.constant 999424 : i32
    %sub3A_273 = vector.broadcast %sub3A_272 : i32 to vector<16xi32>
    %sub3A_274 = arith.subi %get3A_255, %sub3A_273 : vector<16xi32>
    %shift_right_logical3A_275 = arith.constant 7 : i32
    %shift_right_logical3A_276 = vector.broadcast %shift_right_logical3A_275 : i32 to vector<16xi32>
    %shift_right_logical3A_277 = arith.shrui %sub3A_274, %shift_right_logical3A_276 : vector<16xi32>
    %shift_left3A_278 = arith.constant 6 : i32
    %shift_left3A_279 = vector.broadcast %shift_left3A_278 : i32 to vector<16xi32>
    %shift_left3A_280 = arith.shli %shift_right_logical3A_277, %shift_left3A_279 : vector<16xi32>
    %add3A_281 = arith.constant 499712 : i32
    %add3A_282 = vector.broadcast %add3A_281 : i32 to vector<16xi32>
    %add3A_283 = arith.addi %add3A_282, %shift_left3A_280 : vector<16xi32>
    %and3A_284 = arith.constant 63 : i32
    %and3A_285 = vector.broadcast %and3A_284 : i32 to vector<16xi32>
    %and3A_286 = arith.andi %sub3A_274, %and3A_285 : vector<16xi32>
    %add3A_287 = arith.addi %add3A_283, %and3A_286 : vector<16xi32>
    %shift_right_logical3A_288 = arith.constant 6 : i32
    %shift_right_logical3A_289 = vector.broadcast %shift_right_logical3A_288 : i32 to vector<16xi32>
    %shift_right_logical3A_290 = arith.shrui %sub3A_274, %shift_right_logical3A_289 : vector<16xi32>
    %and3A_291 = arith.constant 1 : i32
    %and3A_292 = vector.broadcast %and3A_291 : i32 to vector<16xi32>
    %and3A_293 = arith.andi %shift_right_logical3A_290, %and3A_292 : vector<16xi32>
    %ge3A_294 = arith.constant 999424 : i32
    %ge3A_295 = vector.broadcast %ge3A_294 : i32 to vector<16xi32>
    %ge3A_296 = arith.cmpi sge, %get3A_255, %ge3A_295 : vector<16xi32>
    %select_n3A_297 = arith.select %ge3A_296, %add3A_287, %or3A_265 : vector<16xi1>, vector<16xi32>
    %swap3A_298 = arith.constant 80 : index
    %swap3A_299 = tpu.vector_load %arg6[%swap3A_298] {strides = array<i32>} : memref<512xi32, #tpu.memory_space<vmem>>, vector<16xi32>,
    tpu.vector_store %arg6[%swap3A_298], %select_n3A_297 {strides = array<i32>} : memref<512xi32, #tpu.memory_space<vmem>>, vector<16xi32>,
    %select_n3A_300 = arith.select %ge3A_296, %and3A_293, %and3A_271 : vector<16xi1>, vector<16xi32>
    %mul3A_301 = arith.constant 64 : i32
    %mul3A_302 = vector.broadcast %mul3A_301 : i32 to vector<16xi32>
    %mul3A_303 = arith.muli %select_n3A_300, %mul3A_302 : vector<16xi32>
    %swap3A_304 = arith.constant 80 : index
    %swap3A_305 = tpu.vector_load %arg7[%swap3A_304] {strides = array<i32>} : memref<512xi32, #tpu.memory_space<vmem>>, vector<16xi32>,
    tpu.vector_store %arg7[%swap3A_304], %mul3A_303 {strides = array<i32>} : memref<512xi32, #tpu.memory_space<vmem>>, vector<16xi32>,
    %get3A_306 = arith.constant 96 : index
    %get3A_307 = tpu.vector_load %arg5[%get3A_306] {strides = array<i32>} : memref<512xi32, #tpu.memory_space<vmem>>, vector<16xi32>,
    %shift_right_logical3A_308 = arith.constant 14 : i32
    %shift_right_logical3A_309 = vector.broadcast %shift_right_logical3A_308 : i32 to vector<16xi32>
    %shift_right_logical3A_310 = arith.shrui %get3A_307, %shift_right_logical3A_309 : vector<16xi32>
    %shift_left3A_311 = arith.constant 13 : i32
    %shift_left3A_312 = vector.broadcast %shift_left3A_311 : i32 to vector<16xi32>
    %shift_left3A_313 = arith.shli %shift_right_logical3A_310, %shift_left3A_312 : vector<16xi32>
    %and3A_314 = arith.constant 8191 : i32
    %and3A_315 = vector.broadcast %and3A_314 : i32 to vector<16xi32>
    %and3A_316 = arith.andi %get3A_307, %and3A_315 : vector<16xi32>
    %or3A_317 = arith.ori %shift_left3A_313, %and3A_316 : vector<16xi32>
    %shift_right_logical3A_318 = arith.constant 13 : i32
    %shift_right_logical3A_319 = vector.broadcast %shift_right_logical3A_318 : i32 to vector<16xi32>
    %shift_right_logical3A_320 = arith.shrui %get3A_307, %shift_right_logical3A_319 : vector<16xi32>
    %and3A_321 = arith.constant 1 : i32
    %and3A_322 = vector.broadcast %and3A_321 : i32 to vector<16xi32>
    %and3A_323 = arith.andi %shift_right_logical3A_320, %and3A_322 : vector<16xi32>
    %sub3A_324 = arith.constant 999424 : i32
    %sub3A_325 = vector.broadcast %sub3A_324 : i32 to vector<16xi32>
    %sub3A_326 = arith.subi %get3A_307, %sub3A_325 : vector<16xi32>
    %shift_right_logical3A_327 = arith.constant 7 : i32
    %shift_right_logical3A_328 = vector.broadcast %shift_right_logical3A_327 : i32 to vector<16xi32>
    %shift_right_logical3A_329 = arith.shrui %sub3A_326, %shift_right_logical3A_328 : vector<16xi32>
    %shift_left3A_330 = arith.constant 6 : i32
    %shift_left3A_331 = vector.broadcast %shift_left3A_330 : i32 to vector<16xi32>
    %shift_left3A_332 = arith.shli %shift_right_logical3A_329, %shift_left3A_331 : vector<16xi32>
    %add3A_333 = arith.constant 499712 : i32
    %add3A_334 = vector.broadcast %add3A_333 : i32 to vector<16xi32>
    %add3A_335 = arith.addi %add3A_334, %shift_left3A_332 : vector<16xi32>
    %and3A_336 = arith.constant 63 : i32
    %and3A_337 = vector.broadcast %and3A_336 : i32 to vector<16xi32>
    %and3A_338 = arith.andi %sub3A_326, %and3A_337 : vector<16xi32>
    %add3A_339 = arith.addi %add3A_335, %and3A_338 : vector<16xi32>
    %shift_right_logical3A_340 = arith.constant 6 : i32
    %shift_right_logical3A_341 = vector.broadcast %shift_right_logical3A_340 : i32 to vector<16xi32>
    %shift_right_logical3A_342 = arith.shrui %sub3A_326, %shift_right_logical3A_341 : vector<16xi32>
    %and3A_343 = arith.constant 1 : i32
    %and3A_344 = vector.broadcast %and3A_343 : i32 to vector<16xi32>
    %and3A_345 = arith.andi %shift_right_logical3A_342, %and3A_344 : vector<16xi32>
    %ge3A_346 = arith.constant 999424 : i32
    %ge3A_347 = vector.broadcast %ge3A_346 : i32 to vector<16xi32>
    %ge3A_348 = arith.cmpi sge, %get3A_307, %ge3A_347 : vector<16xi32>
    %select_n3A_349 = arith.select %ge3A_348, %add3A_339, %or3A_317 : vector<16xi1>, vector<16xi32>
    %swap3A_350 = arith.constant 96 : index
    %swap3A_351 = tpu.vector_load %arg6[%swap3A_350] {strides = array<i32>} : memref<512xi32, #tpu.memory_space<vmem>>, vector<16xi32>,
    tpu.vector_store %arg6[%swap3A_350], %select_n3A_349 {strides = array<i32>} : memref<512xi32, #tpu.memory_space<vmem>>, vector<16xi32>,
    %select_n3A_352 = arith.select %ge3A_348, %and3A_345, %and3A_323 : vector<16xi1>, vector<16xi32>
    %mul3A_353 = arith.constant 64 : i32
    %mul3A_354 = vector.broadcast %mul3A_353 : i32 to vector<16xi32>
    %mul3A_355 = arith.muli %select_n3A_352, %mul3A_354 : vector<16xi32>
    %swap3A_356 = arith.constant 96 : index
    %swap3A_357 = tpu.vector_load %arg7[%swap3A_356] {strides = array<i32>} : memref<512xi32, #tpu.memory_space<vmem>>, vector<16xi32>,
    tpu.vector_store %arg7[%swap3A_356], %mul3A_355 {strides = array<i32>} : memref<512xi32, #tpu.memory_space<vmem>>, vector<16xi32>,
    %get3A_358 = arith.constant 112 : index
    %get3A_359 = tpu.vector_load %arg5[%get3A_358] {strides = array<i32>} : memref<512xi32, #tpu.memory_space<vmem>>, vector<16xi32>,
    %shift_right_logical3A_360 = arith.constant 14 : i32
    %shift_right_logical3A_361 = vector.broadcast %shift_right_logical3A_360 : i32 to vector<16xi32>
    %shift_right_logical3A_362 = arith.shrui %get3A_359, %shift_right_logical3A_361 : vector<16xi32>
    %shift_left3A_363 = arith.constant 13 : i32
    %shift_left3A_364 = vector.broadcast %shift_left3A_363 : i32 to vector<16xi32>
    %shift_left3A_365 = arith.shli %shift_right_logical3A_362, %shift_left3A_364 : vector<16xi32>
    %and3A_366 = arith.constant 8191 : i32
    %and3A_367 = vector.broadcast %and3A_366 : i32 to vector<16xi32>
    %and3A_368 = arith.andi %get3A_359, %and3A_367 : vector<16xi32>
    %or3A_369 = arith.ori %shift_left3A_365, %and3A_368 : vector<16xi32>
    %shift_right_logical3A_370 = arith.constant 13 : i32
    %shift_right_logical3A_371 = vector.broadcast %shift_right_logical3A_370 : i32 to vector<16xi32>
    %shift_right_logical3A_372 = arith.shrui %get3A_359, %shift_right_logical3A_371 : vector<16xi32>
    %and3A_373 = arith.constant 1 : i32
    %and3A_374 = vector.broadcast %and3A_373 : i32 to vector<16xi32>
    %and3A_375 = arith.andi %shift_right_logical3A_372, %and3A_374 : vector<16xi32>
    %sub3A_376 = arith.constant 999424 : i32
    %sub3A_377 = vector.broadcast %sub3A_376 : i32 to vector<16xi32>
    %sub3A_378 = arith.subi %get3A_359, %sub3A_377 : vector<16xi32>
    %shift_right_logical3A_379 = arith.constant 7 : i32
    %shift_right_logical3A_380 = vector.broadcast %shift_right_logical3A_379 : i32 to vector<16xi32>
    %shift_right_logical3A_381 = arith.shrui %sub3A_378, %shift_right_logical3A_380 : vector<16xi32>
    %shift_left3A_382 = arith.constant 6 : i32
    %shift_left3A_383 = vector.broadcast %shift_left3A_382 : i32 to vector<16xi32>
    %shift_left3A_384 = arith.shli %shift_right_logical3A_381, %shift_left3A_383 : vector<16xi32>
    %add3A_385 = arith.constant 499712 : i32
    %add3A_386 = vector.broadcast %add3A_385 : i32 to vector<16xi32>
    %add3A_387 = arith.addi %add3A_386, %shift_left3A_384 : vector<16xi32>
    %and3A_388 = arith.constant 63 : i32
    %and3A_389 = vector.broadcast %and3A_388 : i32 to vector<16xi32>
    %and3A_390 = arith.andi %sub3A_378, %and3A_389 : vector<16xi32>
    %add3A_391 = arith.addi %add3A_387, %and3A_390 : vector<16xi32>
    %shift_right_logical3A_392 = arith.constant 6 : i32
    %shift_right_logical3A_393 = vector.broadcast %shift_right_logical3A_392 : i32 to vector<16xi32>
    %shift_right_logical3A_394 = arith.shrui %sub3A_378, %shift_right_logical3A_393 : vector<16xi32>
    %and3A_395 = arith.constant 1 : i32
    %and3A_396 = vector.broadcast %and3A_395 : i32 to vector<16xi32>
    %and3A_397 = arith.andi %shift_right_logical3A_394, %and3A_396 : vector<16xi32>
    %ge3A_398 = arith.constant 999424 : i32
    %ge3A_399 = vector.broadcast %ge3A_398 : i32 to vector<16xi32>
    %ge3A_400 = arith.cmpi sge, %get3A_359, %ge3A_399 : vector<16xi32>
    %select_n3A_401 = arith.select %ge3A_400, %add3A_391, %or3A_369 : vector<16xi1>, vector<16xi32>
    %swap3A_402 = arith.constant 112 : index
    %swap3A_403 = tpu.vector_load %arg6[%swap3A_402] {strides = array<i32>} : memref<512xi32, #tpu.memory_space<vmem>>, vector<16xi32>,
    tpu.vector_store %arg6[%swap3A_402], %select_n3A_401 {strides = array<i32>} : memref<512xi32, #tpu.memory_space<vmem>>, vector<16xi32>,
    %select_n3A_404 = arith.select %ge3A_400, %and3A_397, %and3A_375 : vector<16xi1>, vector<16xi32>
    %mul3A_405 = arith.constant 64 : i32
    %mul3A_406 = vector.broadcast %mul3A_405 : i32 to vector<16xi32>
    %mul3A_407 = arith.muli %select_n3A_404, %mul3A_406 : vector<16xi32>
    %swap3A_408 = arith.constant 112 : index
    %swap3A_409 = tpu.vector_load %arg7[%swap3A_408] {strides = array<i32>} : memref<512xi32, #tpu.memory_space<vmem>>, vector<16xi32>,
    tpu.vector_store %arg7[%swap3A_408], %mul3A_407 {strides = array<i32>} : memref<512xi32, #tpu.memory_space<vmem>>, vector<16xi32>,
    %get3A_410 = arith.constant 128 : index
    %get3A_411 = tpu.vector_load %arg5[%get3A_410] {strides = array<i32>} : memref<512xi32, #tpu.memory_space<vmem>>, vector<16xi32>,
    %shift_right_logical3A_412 = arith.constant 14 : i32
    %shift_right_logical3A_413 = vector.broadcast %shift_right_logical3A_412 : i32 to vector<16xi32>
    %shift_right_logical3A_414 = arith.shrui %get3A_411, %shift_right_logical3A_413 : vector<16xi32>
    %shift_left3A_415 = arith.constant 13 : i32
    %shift_left3A_416 = vector.broadcast %shift_left3A_415 : i32 to vector<16xi32>
    %shift_left3A_417 = arith.shli %shift_right_logical3A_414, %shift_left3A_416 : vector<16xi32>
    %and3A_418 = arith.constant 8191 : i32
    %and3A_419 = vector.broadcast %and3A_418 : i32 to vector<16xi32>
    %and3A_420 = arith.andi %get3A_411, %and3A_419 : vector<16xi32>
    %or3A_421 = arith.ori %shift_left3A_417, %and3A_420 : vector<16xi32>
    %shift_right_logical3A_422 = arith.constant 13 : i32
    %shift_right_logical3A_423 = vector.broadcast %shift_right_logical3A_422 : i32 to vector<16xi32>
    %shift_right_logical3A_424 = arith.shrui %get3A_411, %shift_right_logical3A_423 : vector<16xi32>
    %and3A_425 = arith.constant 1 : i32
    %and3A_426 = vector.broadcast %and3A_425 : i32 to vector<16xi32>
    %and3A_427 = arith.andi %shift_right_logical3A_424, %and3A_426 : vector<16xi32>
    %sub3A_428 = arith.constant 999424 : i32
    %sub3A_429 = vector.broadcast %sub3A_428 : i32 to vector<16xi32>
    %sub3A_430 = arith.subi %get3A_411, %sub3A_429 : vector<16xi32>
    %shift_right_logical3A_431 = arith.constant 7 : i32
    %shift_right_logical3A_432 = vector.broadcast %shift_right_logical3A_431 : i32 to vector<16xi32>
    %shift_right_logical3A_433 = arith.shrui %sub3A_430, %shift_right_logical3A_432 : vector<16xi32>
    %shift_left3A_434 = arith.constant 6 : i32
    %shift_left3A_435 = vector.broadcast %shift_left3A_434 : i32 to vector<16xi32>
    %shift_left3A_436 = arith.shli %shift_right_logical3A_433, %shift_left3A_435 : vector<16xi32>
    %add3A_437 = arith.constant 499712 : i32
    %add3A_438 = vector.broadcast %add3A_437 : i32 to vector<16xi32>
    %add3A_439 = arith.addi %add3A_438, %shift_left3A_436 : vector<16xi32>
    %and3A_440 = arith.constant 63 : i32
    %and3A_441 = vector.broadcast %and3A_440 : i32 to vector<16xi32>
    %and3A_442 = arith.andi %sub3A_430, %and3A_441 : vector<16xi32>
    %add3A_443 = arith.addi %add3A_439, %and3A_442 : vector<16xi32>
    %shift_right_logical3A_444 = arith.constant 6 : i32
    %shift_right_logical3A_445 = vector.broadcast %shift_right_logical3A_444 : i32 to vector<16xi32>
    %shift_right_logical3A_446 = arith.shrui %sub3A_430, %shift_right_logical3A_445 : vector<16xi32>
    %and3A_447 = arith.constant 1 : i32
    %and3A_448 = vector.broadcast %and3A_447 : i32 to vector<16xi32>
    %and3A_449 = arith.andi %shift_right_logical3A_446, %and3A_448 : vector<16xi32>
    %ge3A_450 = arith.constant 999424 : i32
    %ge3A_451 = vector.broadcast %ge3A_450 : i32 to vector<16xi32>
    %ge3A_452 = arith.cmpi sge, %get3A_411, %ge3A_451 : vector<16xi32>
    %select_n3A_453 = arith.select %ge3A_452, %add3A_443, %or3A_421 : vector<16xi1>, vector<16xi32>
    %swap3A_454 = arith.constant 128 : index
    %swap3A_455 = tpu.vector_load %arg6[%swap3A_454] {strides = array<i32>} : memref<512xi32, #tpu.memory_space<vmem>>, vector<16xi32>,
    tpu.vector_store %arg6[%swap3A_454], %select_n3A_453 {strides = array<i32>} : memref<512xi32, #tpu.memory_space<vmem>>, vector<16xi32>,
    %select_n3A_456 = arith.select %ge3A_452, %and3A_449, %and3A_427 : vector<16xi1>, vector<16xi32>
    %mul3A_457 = arith.constant 64 : i32
    %mul3A_458 = vector.broadcast %mul3A_457 : i32 to vector<16xi32>
    %mul3A_459 = arith.muli %select_n3A_456, %mul3A_458 : vector<16xi32>
    %swap3A_460 = arith.constant 128 : index
    %swap3A_461 = tpu.vector_load %arg7[%swap3A_460] {strides = array<i32>} : memref<512xi32, #tpu.memory_space<vmem>>, vector<16xi32>,
    tpu.vector_store %arg7[%swap3A_460], %mul3A_459 {strides = array<i32>} : memref<512xi32, #tpu.memory_space<vmem>>, vector<16xi32>,
    %get3A_462 = arith.constant 144 : index
    %get3A_463 = tpu.vector_load %arg5[%get3A_462] {strides = array<i32>} : memref<512xi32, #tpu.memory_space<vmem>>, vector<16xi32>,
    %shift_right_logical3A_464 = arith.constant 14 : i32
    %shift_right_logical3A_465 = vector.broadcast %shift_right_logical3A_464 : i32 to vector<16xi32>
    %shift_right_logical3A_466 = arith.shrui %get3A_463, %shift_right_logical3A_465 : vector<16xi32>
    %shift_left3A_467 = arith.constant 13 : i32
    %shift_left3A_468 = vector.broadcast %shift_left3A_467 : i32 to vector<16xi32>
    %shift_left3A_469 = arith.shli %shift_right_logical3A_466, %shift_left3A_468 : vector<16xi32>
    %and3A_470 = arith.constant 8191 : i32
    %and3A_471 = vector.broadcast %and3A_470 : i32 to vector<16xi32>
    %and3A_472 = arith.andi %get3A_463, %and3A_471 : vector<16xi32>
    %or3A_473 = arith.ori %shift_left3A_469, %and3A_472 : vector<16xi32>
    %shift_right_logical3A_474 = arith.constant 13 : i32
    %shift_right_logical3A_475 = vector.broadcast %shift_right_logical3A_474 : i32 to vector<16xi32>
    %shift_right_logical3A_476 = arith.shrui %get3A_463, %shift_right_logical3A_475 : vector<16xi32>
    %and3A_477 = arith.constant 1 : i32
    %and3A_478 = vector.broadcast %and3A_477 : i32 to vector<16xi32>
    %and3A_479 = arith.andi %shift_right_logical3A_476, %and3A_478 : vector<16xi32>
    %sub3A_480 = arith.constant 999424 : i32
    %sub3A_481 = vector.broadcast %sub3A_480 : i32 to vector<16xi32>
    %sub3A_482 = arith.subi %get3A_463, %sub3A_481 : vector<16xi32>
    %shift_right_logical3A_483 = arith.constant 7 : i32
    %shift_right_logical3A_484 = vector.broadcast %shift_right_logical3A_483 : i32 to vector<16xi32>
    %shift_right_logical3A_485 = arith.shrui %sub3A_482, %shift_right_logical3A_484 : vector<16xi32>
    %shift_left3A_486 = arith.constant 6 : i32
    %shift_left3A_487 = vector.broadcast %shift_left3A_486 : i32 to vector<16xi32>
    %shift_left3A_488 = arith.shli %shift_right_logical3A_485, %shift_left3A_487 : vector<16xi32>
    %add3A_489 = arith.constant 499712 : i32
    %add3A_490 = vector.broadcast %add3A_489 : i32 to vector<16xi32>
    %add3A_491 = arith.addi %add3A_490, %shift_left3A_488 : vector<16xi32>
    %and3A_492 = arith.constant 63 : i32
    %and3A_493 = vector.broadcast %and3A_492 : i32 to vector<16xi32>
    %and3A_494 = arith.andi %sub3A_482, %and3A_493 : vector<16xi32>
    %add3A_495 = arith.addi %add3A_491, %and3A_494 : vector<16xi32>
    %shift_right_logical3A_496 = arith.constant 6 : i32
    %shift_right_logical3A_497 = vector.broadcast %shift_right_logical3A_496 : i32 to vector<16xi32>
    %shift_right_logical3A_498 = arith.shrui %sub3A_482, %shift_right_logical3A_497 : vector<16xi32>
    %and3A_499 = arith.constant 1 : i32
    %and3A_500 = vector.broadcast %and3A_499 : i32 to vector<16xi32>
    %and3A_501 = arith.andi %shift_right_logical3A_498, %and3A_500 : vector<16xi32>
    %ge3A_502 = arith.constant 999424 : i32
    %ge3A_503 = vector.broadcast %ge3A_502 : i32 to vector<16xi32>
    %ge3A_504 = arith.cmpi sge, %get3A_463, %ge3A_503 : vector<16xi32>
    %select_n3A_505 = arith.select %ge3A_504, %add3A_495, %or3A_473 : vector<16xi1>, vector<16xi32>
    %swap3A_506 = arith.constant 144 : index
    %swap3A_507 = tpu.vector_load %arg6[%swap3A_506] {strides = array<i32>} : memref<512xi32, #tpu.memory_space<vmem>>, vector<16xi32>,
    tpu.vector_store %arg6[%swap3A_506], %select_n3A_505 {strides = array<i32>} : memref<512xi32, #tpu.memory_space<vmem>>, vector<16xi32>,
    %select_n3A_508 = arith.select %ge3A_504, %and3A_501, %and3A_479 : vector<16xi1>, vector<16xi32>
    %mul3A_509 = arith.constant 64 : i32
    %mul3A_510 = vector.broadcast %mul3A_509 : i32 to vector<16xi32>
    %mul3A_511 = arith.muli %select_n3A_508, %mul3A_510 : vector<16xi32>
    %swap3A_512 = arith.constant 144 : index
    %swap3A_513 = tpu.vector_load %arg7[%swap3A_512] {strides = array<i32>} : memref<512xi32, #tpu.memory_space<vmem>>, vector<16xi32>,
    tpu.vector_store %arg7[%swap3A_512], %mul3A_511 {strides = array<i32>} : memref<512xi32, #tpu.memory_space<vmem>>, vector<16xi32>,
    %get3A_514 = arith.constant 160 : index
    %get3A_515 = tpu.vector_load %arg5[%get3A_514] {strides = array<i32>} : memref<512xi32, #tpu.memory_space<vmem>>, vector<16xi32>,
    %shift_right_logical3A_516 = arith.constant 14 : i32
    %shift_right_logical3A_517 = vector.broadcast %shift_right_logical3A_516 : i32 to vector<16xi32>
    %shift_right_logical3A_518 = arith.shrui %get3A_515, %shift_right_logical3A_517 : vector<16xi32>
    %shift_left3A_519 = arith.constant 13 : i32
    %shift_left3A_520 = vector.broadcast %shift_left3A_519 : i32 to vector<16xi32>
    %shift_left3A_521 = arith.shli %shift_right_logical3A_518, %shift_left3A_520 : vector<16xi32>
    %and3A_522 = arith.constant 8191 : i32
    %and3A_523 = vector.broadcast %and3A_522 : i32 to vector<16xi32>
    %and3A_524 = arith.andi %get3A_515, %and3A_523 : vector<16xi32>
    %or3A_525 = arith.ori %shift_left3A_521, %and3A_524 : vector<16xi32>
    %shift_right_logical3A_526 = arith.constant 13 : i32
    %shift_right_logical3A_527 = vector.broadcast %shift_right_logical3A_526 : i32 to vector<16xi32>
    %shift_right_logical3A_528 = arith.shrui %get3A_515, %shift_right_logical3A_527 : vector<16xi32>
    %and3A_529 = arith.constant 1 : i32
    %and3A_530 = vector.broadcast %and3A_529 : i32 to vector<16xi32>
    %and3A_531 = arith.andi %shift_right_logical3A_528, %and3A_530 : vector<16xi32>
    %sub3A_532 = arith.constant 999424 : i32
    %sub3A_533 = vector.broadcast %sub3A_532 : i32 to vector<16xi32>
    %sub3A_534 = arith.subi %get3A_515, %sub3A_533 : vector<16xi32>
    %shift_right_logical3A_535 = arith.constant 7 : i32
    %shift_right_logical3A_536 = vector.broadcast %shift_right_logical3A_535 : i32 to vector<16xi32>
    %shift_right_logical3A_537 = arith.shrui %sub3A_534, %shift_right_logical3A_536 : vector<16xi32>
    %shift_left3A_538 = arith.constant 6 : i32
    %shift_left3A_539 = vector.broadcast %shift_left3A_538 : i32 to vector<16xi32>
    %shift_left3A_540 = arith.shli %shift_right_logical3A_537, %shift_left3A_539 : vector<16xi32>
    %add3A_541 = arith.constant 499712 : i32
    %add3A_542 = vector.broadcast %add3A_541 : i32 to vector<16xi32>
    %add3A_543 = arith.addi %add3A_542, %shift_left3A_540 : vector<16xi32>
    %and3A_544 = arith.constant 63 : i32
    %and3A_545 = vector.broadcast %and3A_544 : i32 to vector<16xi32>
    %and3A_546 = arith.andi %sub3A_534, %and3A_545 : vector<16xi32>
    %add3A_547 = arith.addi %add3A_543, %and3A_546 : vector<16xi32>
    %shift_right_logical3A_548 = arith.constant 6 : i32
    %shift_right_logical3A_549 = vector.broadcast %shift_right_logical3A_548 : i32 to vector<16xi32>
    %shift_right_logical3A_550 = arith.shrui %sub3A_534, %shift_right_logical3A_549 : vector<16xi32>
    %and3A_551 = arith.constant 1 : i32
    %and3A_552 = vector.broadcast %and3A_551 : i32 to vector<16xi32>
    %and3A_553 = arith.andi %shift_right_logical3A_550, %and3A_552 : vector<16xi32>
    %ge3A_554 = arith.constant 999424 : i32
    %ge3A_555 = vector.broadcast %ge3A_554 : i32 to vector<16xi32>
    %ge3A_556 = arith.cmpi sge, %get3A_515, %ge3A_555 : vector<16xi32>
    %select_n3A_557 = arith.select %ge3A_556, %add3A_547, %or3A_525 : vector<16xi1>, vector<16xi32>
    %swap3A_558 = arith.constant 160 : index
    %swap3A_559 = tpu.vector_load %arg6[%swap3A_558] {strides = array<i32>} : memref<512xi32, #tpu.memory_space<vmem>>, vector<16xi32>,
    tpu.vector_store %arg6[%swap3A_558], %select_n3A_557 {strides = array<i32>} : memref<512xi32, #tpu.memory_space<vmem>>, vector<16xi32>,
    %select_n3A_560 = arith.select %ge3A_556, %and3A_553, %and3A_531 : vector<16xi1>, vector<16xi32>
    %mul3A_561 = arith.constant 64 : i32
    %mul3A_562 = vector.broadcast %mul3A_561 : i32 to vector<16xi32>
    %mul3A_563 = arith.muli %select_n3A_560, %mul3A_562 : vector<16xi32>
    %swap3A_564 = arith.constant 160 : index
    %swap3A_565 = tpu.vector_load %arg7[%swap3A_564] {strides = array<i32>} : memref<512xi32, #tpu.memory_space<vmem>>, vector<16xi32>,
    tpu.vector_store %arg7[%swap3A_564], %mul3A_563 {strides = array<i32>} : memref<512xi32, #tpu.memory_space<vmem>>, vector<16xi32>,
    %get3A_566 = arith.constant 176 : index
    %get3A_567 = tpu.vector_load %arg5[%get3A_566] {strides = array<i32>} : memref<512xi32, #tpu.memory_space<vmem>>, vector<16xi32>,
    %shift_right_logical3A_568 = arith.constant 14 : i32
    %shift_right_logical3A_569 = vector.broadcast %shift_right_logical3A_568 : i32 to vector<16xi32>
    %shift_right_logical3A_570 = arith.shrui %get3A_567, %shift_right_logical3A_569 : vector<16xi32>
    %shift_left3A_571 = arith.constant 13 : i32
    %shift_left3A_572 = vector.broadcast %shift_left3A_571 : i32 to vector<16xi32>
    %shift_left3A_573 = arith.shli %shift_right_logical3A_570, %shift_left3A_572 : vector<16xi32>
    %and3A_574 = arith.constant 8191 : i32
    %and3A_575 = vector.broadcast %and3A_574 : i32 to vector<16xi32>
    %and3A_576 = arith.andi %get3A_567, %and3A_575 : vector<16xi32>
    %or3A_577 = arith.ori %shift_left3A_573, %and3A_576 : vector<16xi32>
    %shift_right_logical3A_578 = arith.constant 13 : i32
    %shift_right_logical3A_579 = vector.broadcast %shift_right_logical3A_578 : i32 to vector<16xi32>
    %shift_right_logical3A_580 = arith.shrui %get3A_567, %shift_right_logical3A_579 : vector<16xi32>
    %and3A_581 = arith.constant 1 : i32
    %and3A_582 = vector.broadcast %and3A_581 : i32 to vector<16xi32>
    %and3A_583 = arith.andi %shift_right_logical3A_580, %and3A_582 : vector<16xi32>
    %sub3A_584 = arith.constant 999424 : i32
    %sub3A_585 = vector.broadcast %sub3A_584 : i32 to vector<16xi32>
    %sub3A_586 = arith.subi %get3A_567, %sub3A_585 : vector<16xi32>
    %shift_right_logical3A_587 = arith.constant 7 : i32
    %shift_right_logical3A_588 = vector.broadcast %shift_right_logical3A_587 : i32 to vector<16xi32>
    %shift_right_logical3A_589 = arith.shrui %sub3A_586, %shift_right_logical3A_588 : vector<16xi32>
    %shift_left3A_590 = arith.constant 6 : i32
    %shift_left3A_591 = vector.broadcast %shift_left3A_590 : i32 to vector<16xi32>
    %shift_left3A_592 = arith.shli %shift_right_logical3A_589, %shift_left3A_591 : vector<16xi32>
    %add3A_593 = arith.constant 499712 : i32
    %add3A_594 = vector.broadcast %add3A_593 : i32 to vector<16xi32>
    %add3A_595 = arith.addi %add3A_594, %shift_left3A_592 : vector<16xi32>
    %and3A_596 = arith.constant 63 : i32
    %and3A_597 = vector.broadcast %and3A_596 : i32 to vector<16xi32>
    %and3A_598 = arith.andi %sub3A_586, %and3A_597 : vector<16xi32>
    %add3A_599 = arith.addi %add3A_595, %and3A_598 : vector<16xi32>
    %shift_right_logical3A_600 = arith.constant 6 : i32
    %shift_right_logical3A_601 = vector.broadcast %shift_right_logical3A_600 : i32 to vector<16xi32>
    %shift_right_logical3A_602 = arith.shrui %sub3A_586, %shift_right_logical3A_601 : vector<16xi32>
    %and3A_603 = arith.constant 1 : i32
    %and3A_604 = vector.broadcast %and3A_603 : i32 to vector<16xi32>
    %and3A_605 = arith.andi %shift_right_logical3A_602, %and3A_604 : vector<16xi32>
    %ge3A_606 = arith.constant 999424 : i32
    %ge3A_607 = vector.broadcast %ge3A_606 : i32 to vector<16xi32>
    %ge3A_608 = arith.cmpi sge, %get3A_567, %ge3A_607 : vector<16xi32>
    %select_n3A_609 = arith.select %ge3A_608, %add3A_599, %or3A_577 : vector<16xi1>, vector<16xi32>
    %swap3A_610 = arith.constant 176 : index
    %swap3A_611 = tpu.vector_load %arg6[%swap3A_610] {strides = array<i32>} : memref<512xi32, #tpu.memory_space<vmem>>, vector<16xi32>,
    tpu.vector_store %arg6[%swap3A_610], %select_n3A_609 {strides = array<i32>} : memref<512xi32, #tpu.memory_space<vmem>>, vector<16xi32>,
    %select_n3A_612 = arith.select %ge3A_608, %and3A_605, %and3A_583 : vector<16xi1>, vector<16xi32>
    %mul3A_613 = arith.constant 64 : i32
    %mul3A_614 = vector.broadcast %mul3A_613 : i32 to vector<16xi32>
    %mul3A_615 = arith.muli %select_n3A_612, %mul3A_614 : vector<16xi32>
    %swap3A_616 = arith.constant 176 : index
    %swap3A_617 = tpu.vector_load %arg7[%swap3A_616] {strides = array<i32>} : memref<512xi32, #tpu.memory_space<vmem>>, vector<16xi32>,
    tpu.vector_store %arg7[%swap3A_616], %mul3A_615 {strides = array<i32>} : memref<512xi32, #tpu.memory_space<vmem>>, vector<16xi32>,
    %get3A_618 = arith.constant 192 : index
    %get3A_619 = tpu.vector_load %arg5[%get3A_618] {strides = array<i32>} : memref<512xi32, #tpu.memory_space<vmem>>, vector<16xi32>,
    %shift_right_logical3A_620 = arith.constant 14 : i32
    %shift_right_logical3A_621 = vector.broadcast %shift_right_logical3A_620 : i32 to vector<16xi32>
    %shift_right_logical3A_622 = arith.shrui %get3A_619, %shift_right_logical3A_621 : vector<16xi32>
    %shift_left3A_623 = arith.constant 13 : i32
    %shift_left3A_624 = vector.broadcast %shift_left3A_623 : i32 to vector<16xi32>
    %shift_left3A_625 = arith.shli %shift_right_logical3A_622, %shift_left3A_624 : vector<16xi32>
    %and3A_626 = arith.constant 8191 : i32
    %and3A_627 = vector.broadcast %and3A_626 : i32 to vector<16xi32>
    %and3A_628 = arith.andi %get3A_619, %and3A_627 : vector<16xi32>
    %or3A_629 = arith.ori %shift_left3A_625, %and3A_628 : vector<16xi32>
    %shift_right_logical3A_630 = arith.constant 13 : i32
    %shift_right_logical3A_631 = vector.broadcast %shift_right_logical3A_630 : i32 to vector<16xi32>
    %shift_right_logical3A_632 = arith.shrui %get3A_619, %shift_right_logical3A_631 : vector<16xi32>
    %and3A_633 = arith.constant 1 : i32
    %and3A_634 = vector.broadcast %and3A_633 : i32 to vector<16xi32>
    %and3A_635 = arith.andi %shift_right_logical3A_632, %and3A_634 : vector<16xi32>
    %sub3A_636 = arith.constant 999424 : i32
    %sub3A_637 = vector.broadcast %sub3A_636 : i32 to vector<16xi32>
    %sub3A_638 = arith.subi %get3A_619, %sub3A_637 : vector<16xi32>
    %shift_right_logical3A_639 = arith.constant 7 : i32
    %shift_right_logical3A_640 = vector.broadcast %shift_right_logical3A_639 : i32 to vector<16xi32>
    %shift_right_logical3A_641 = arith.shrui %sub3A_638, %shift_right_logical3A_640 : vector<16xi32>
    %shift_left3A_642 = arith.constant 6 : i32
    %shift_left3A_643 = vector.broadcast %shift_left3A_642 : i32 to vector<16xi32>
    %shift_left3A_644 = arith.shli %shift_right_logical3A_641, %shift_left3A_643 : vector<16xi32>
    %add3A_645 = arith.constant 499712 : i32
    %add3A_646 = vector.broadcast %add3A_645 : i32 to vector<16xi32>
    %add3A_647 = arith.addi %add3A_646, %shift_left3A_644 : vector<16xi32>
    %and3A_648 = arith.constant 63 : i32
    %and3A_649 = vector.broadcast %and3A_648 : i32 to vector<16xi32>
    %and3A_650 = arith.andi %sub3A_638, %and3A_649 : vector<16xi32>
    %add3A_651 = arith.addi %add3A_647, %and3A_650 : vector<16xi32>
    %shift_right_logical3A_652 = arith.constant 6 : i32
    %shift_right_logical3A_653 = vector.broadcast %shift_right_logical3A_652 : i32 to vector<16xi32>
    %shift_right_logical3A_654 = arith.shrui %sub3A_638, %shift_right_logical3A_653 : vector<16xi32>
    %and3A_655 = arith.constant 1 : i32
    %and3A_656 = vector.broadcast %and3A_655 : i32 to vector<16xi32>
    %and3A_657 = arith.andi %shift_right_logical3A_654, %and3A_656 : vector<16xi32>
    %ge3A_658 = arith.constant 999424 : i32
    %ge3A_659 = vector.broadcast %ge3A_658 : i32 to vector<16xi32>
    %ge3A_660 = arith.cmpi sge, %get3A_619, %ge3A_659 : vector<16xi32>
    %select_n3A_661 = arith.select %ge3A_660, %add3A_651, %or3A_629 : vector<16xi1>, vector<16xi32>
    %swap3A_662 = arith.constant 192 : index
    %swap3A_663 = tpu.vector_load %arg6[%swap3A_662] {strides = array<i32>} : memref<512xi32, #tpu.memory_space<vmem>>, vector<16xi32>,
    tpu.vector_store %arg6[%swap3A_662], %select_n3A_661 {strides = array<i32>} : memref<512xi32, #tpu.memory_space<vmem>>, vector<16xi32>,
    %select_n3A_664 = arith.select %ge3A_660, %and3A_657, %and3A_635 : vector<16xi1>, vector<16xi32>
    %mul3A_665 = arith.constant 64 : i32
    %mul3A_666 = vector.broadcast %mul3A_665 : i32 to vector<16xi32>
    %mul3A_667 = arith.muli %select_n3A_664, %mul3A_666 : vector<16xi32>
    %swap3A_668 = arith.constant 192 : index
    %swap3A_669 = tpu.vector_load %arg7[%swap3A_668] {strides = array<i32>} : memref<512xi32, #tpu.memory_space<vmem>>, vector<16xi32>,
    tpu.vector_store %arg7[%swap3A_668], %mul3A_667 {strides = array<i32>} : memref<512xi32, #tpu.memory_space<vmem>>, vector<16xi32>,
    %get3A_670 = arith.constant 208 : index
    %get3A_671 = tpu.vector_load %arg5[%get3A_670] {strides = array<i32>} : memref<512xi32, #tpu.memory_space<vmem>>, vector<16xi32>,
    %shift_right_logical3A_672 = arith.constant 14 : i32
    %shift_right_logical3A_673 = vector.broadcast %shift_right_logical3A_672 : i32 to vector<16xi32>
    %shift_right_logical3A_674 = arith.shrui %get3A_671, %shift_right_logical3A_673 : vector<16xi32>
    %shift_left3A_675 = arith.constant 13 : i32
    %shift_left3A_676 = vector.broadcast %shift_left3A_675 : i32 to vector<16xi32>
    %shift_left3A_677 = arith.shli %shift_right_logical3A_674, %shift_left3A_676 : vector<16xi32>
    %and3A_678 = arith.constant 8191 : i32
    %and3A_679 = vector.broadcast %and3A_678 : i32 to vector<16xi32>
    %and3A_680 = arith.andi %get3A_671, %and3A_679 : vector<16xi32>
    %or3A_681 = arith.ori %shift_left3A_677, %and3A_680 : vector<16xi32>
    %shift_right_logical3A_682 = arith.constant 13 : i32
    %shift_right_logical3A_683 = vector.broadcast %shift_right_logical3A_682 : i32 to vector<16xi32>
    %shift_right_logical3A_684 = arith.shrui %get3A_671, %shift_right_logical3A_683 : vector<16xi32>
    %and3A_685 = arith.constant 1 : i32
    %and3A_686 = vector.broadcast %and3A_685 : i32 to vector<16xi32>
    %and3A_687 = arith.andi %shift_right_logical3A_684, %and3A_686 : vector<16xi32>
    %sub3A_688 = arith.constant 999424 : i32
    %sub3A_689 = vector.broadcast %sub3A_688 : i32 to vector<16xi32>
    %sub3A_690 = arith.subi %get3A_671, %sub3A_689 : vector<16xi32>
    %shift_right_logical3A_691 = arith.constant 7 : i32
    %shift_right_logical3A_692 = vector.broadcast %shift_right_logical3A_691 : i32 to vector<16xi32>
    %shift_right_logical3A_693 = arith.shrui %sub3A_690, %shift_right_logical3A_692 : vector<16xi32>
    %shift_left3A_694 = arith.constant 6 : i32
    %shift_left3A_695 = vector.broadcast %shift_left3A_694 : i32 to vector<16xi32>
    %shift_left3A_696 = arith.shli %shift_right_logical3A_693, %shift_left3A_695 : vector<16xi32>
    %add3A_697 = arith.constant 499712 : i32
    %add3A_698 = vector.broadcast %add3A_697 : i32 to vector<16xi32>
    %add3A_699 = arith.addi %add3A_698, %shift_left3A_696 : vector<16xi32>
    %and3A_700 = arith.constant 63 : i32
    %and3A_701 = vector.broadcast %and3A_700 : i32 to vector<16xi32>
    %and3A_702 = arith.andi %sub3A_690, %and3A_701 : vector<16xi32>
    %add3A_703 = arith.addi %add3A_699, %and3A_702 : vector<16xi32>
    %shift_right_logical3A_704 = arith.constant 6 : i32
    %shift_right_logical3A_705 = vector.broadcast %shift_right_logical3A_704 : i32 to vector<16xi32>
    %shift_right_logical3A_706 = arith.shrui %sub3A_690, %shift_right_logical3A_705 : vector<16xi32>
    %and3A_707 = arith.constant 1 : i32
    %and3A_708 = vector.broadcast %and3A_707 : i32 to vector<16xi32>
    %and3A_709 = arith.andi %shift_right_logical3A_706, %and3A_708 : vector<16xi32>
    %ge3A_710 = arith.constant 999424 : i32
    %ge3A_711 = vector.broadcast %ge3A_710 : i32 to vector<16xi32>
    %ge3A_712 = arith.cmpi sge, %get3A_671, %ge3A_711 : vector<16xi32>
    %select_n3A_713 = arith.select %ge3A_712, %add3A_703, %or3A_681 : vector<16xi1>, vector<16xi32>
    %swap3A_714 = arith.constant 208 : index
    %swap3A_715 = tpu.vector_load %arg6[%swap3A_714] {strides = array<i32>} : memref<512xi32, #tpu.memory_space<vmem>>, vector<16xi32>,
    tpu.vector_store %arg6[%swap3A_714], %select_n3A_713 {strides = array<i32>} : memref<512xi32, #tpu.memory_space<vmem>>, vector<16xi32>,
    %select_n3A_716 = arith.select %ge3A_712, %and3A_709, %and3A_687 : vector<16xi1>, vector<16xi32>
    %mul3A_717 = arith.constant 64 : i32
    %mul3A_718 = vector.broadcast %mul3A_717 : i32 to vector<16xi32>
    %mul3A_719 = arith.muli %select_n3A_716, %mul3A_718 : vector<16xi32>
    %swap3A_720 = arith.constant 208 : index
    %swap3A_721 = tpu.vector_load %arg7[%swap3A_720] {strides = array<i32>} : memref<512xi32, #tpu.memory_space<vmem>>, vector<16xi32>,
    tpu.vector_store %arg7[%swap3A_720], %mul3A_719 {strides = array<i32>} : memref<512xi32, #tpu.memory_space<vmem>>, vector<16xi32>,
    %get3A_722 = arith.constant 224 : index
    %get3A_723 = tpu.vector_load %arg5[%get3A_722] {strides = array<i32>} : memref<512xi32, #tpu.memory_space<vmem>>, vector<16xi32>,
    %shift_right_logical3A_724 = arith.constant 14 : i32
    %shift_right_logical3A_725 = vector.broadcast %shift_right_logical3A_724 : i32 to vector<16xi32>
    %shift_right_logical3A_726 = arith.shrui %get3A_723, %shift_right_logical3A_725 : vector<16xi32>
    %shift_left3A_727 = arith.constant 13 : i32
    %shift_left3A_728 = vector.broadcast %shift_left3A_727 : i32 to vector<16xi32>
    %shift_left3A_729 = arith.shli %shift_right_logical3A_726, %shift_left3A_728 : vector<16xi32>
    %and3A_730 = arith.constant 8191 : i32
    %and3A_731 = vector.broadcast %and3A_730 : i32 to vector<16xi32>
    %and3A_732 = arith.andi %get3A_723, %and3A_731 : vector<16xi32>
    %or3A_733 = arith.ori %shift_left3A_729, %and3A_732 : vector<16xi32>
    %shift_right_logical3A_734 = arith.constant 13 : i32
    %shift_right_logical3A_735 = vector.broadcast %shift_right_logical3A_734 : i32 to vector<16xi32>
    %shift_right_logical3A_736 = arith.shrui %get3A_723, %shift_right_logical3A_735 : vector<16xi32>
    %and3A_737 = arith.constant 1 : i32
    %and3A_738 = vector.broadcast %and3A_737 : i32 to vector<16xi32>
    %and3A_739 = arith.andi %shift_right_logical3A_736, %and3A_738 : vector<16xi32>
    %sub3A_740 = arith.constant 999424 : i32
    %sub3A_741 = vector.broadcast %sub3A_740 : i32 to vector<16xi32>
    %sub3A_742 = arith.subi %get3A_723, %sub3A_741 : vector<16xi32>
    %shift_right_logical3A_743 = arith.constant 7 : i32
    %shift_right_logical3A_744 = vector.broadcast %shift_right_logical3A_743 : i32 to vector<16xi32>
    %shift_right_logical3A_745 = arith.shrui %sub3A_742, %shift_right_logical3A_744 : vector<16xi32>
    %shift_left3A_746 = arith.constant 6 : i32
    %shift_left3A_747 = vector.broadcast %shift_left3A_746 : i32 to vector<16xi32>
    %shift_left3A_748 = arith.shli %shift_right_logical3A_745, %shift_left3A_747 : vector<16xi32>
    %add3A_749 = arith.constant 499712 : i32
    %add3A_750 = vector.broadcast %add3A_749 : i32 to vector<16xi32>
    %add3A_751 = arith.addi %add3A_750, %shift_left3A_748 : vector<16xi32>
    %and3A_752 = arith.constant 63 : i32
    %and3A_753 = vector.broadcast %and3A_752 : i32 to vector<16xi32>
    %and3A_754 = arith.andi %sub3A_742, %and3A_753 : vector<16xi32>
    %add3A_755 = arith.addi %add3A_751, %and3A_754 : vector<16xi32>
    %shift_right_logical3A_756 = arith.constant 6 : i32
    %shift_right_logical3A_757 = vector.broadcast %shift_right_logical3A_756 : i32 to vector<16xi32>
    %shift_right_logical3A_758 = arith.shrui %sub3A_742, %shift_right_logical3A_757 : vector<16xi32>
    %and3A_759 = arith.constant 1 : i32
    %and3A_760 = vector.broadcast %and3A_759 : i32 to vector<16xi32>
    %and3A_761 = arith.andi %shift_right_logical3A_758, %and3A_760 : vector<16xi32>
    %ge3A_762 = arith.constant 999424 : i32
    %ge3A_763 = vector.broadcast %ge3A_762 : i32 to vector<16xi32>
    %ge3A_764 = arith.cmpi sge, %get3A_723, %ge3A_763 : vector<16xi32>
    %select_n3A_765 = arith.select %ge3A_764, %add3A_755, %or3A_733 : vector<16xi1>, vector<16xi32>
    %swap3A_766 = arith.constant 224 : index
    %swap3A_767 = tpu.vector_load %arg6[%swap3A_766] {strides = array<i32>} : memref<512xi32, #tpu.memory_space<vmem>>, vector<16xi32>,
    tpu.vector_store %arg6[%swap3A_766], %select_n3A_765 {strides = array<i32>} : memref<512xi32, #tpu.memory_space<vmem>>, vector<16xi32>,
    %select_n3A_768 = arith.select %ge3A_764, %and3A_761, %and3A_739 : vector<16xi1>, vector<16xi32>
    %mul3A_769 = arith.constant 64 : i32
    %mul3A_770 = vector.broadcast %mul3A_769 : i32 to vector<16xi32>
    %mul3A_771 = arith.muli %select_n3A_768, %mul3A_770 : vector<16xi32>
    %swap3A_772 = arith.constant 224 : index
    %swap3A_773 = tpu.vector_load %arg7[%swap3A_772] {strides = array<i32>} : memref<512xi32, #tpu.memory_space<vmem>>, vector<16xi32>,
    tpu.vector_store %arg7[%swap3A_772], %mul3A_771 {strides = array<i32>} : memref<512xi32, #tpu.memory_space<vmem>>, vector<16xi32>,
    %get3A_774 = arith.constant 240 : index
    %get3A_775 = tpu.vector_load %arg5[%get3A_774] {strides = array<i32>} : memref<512xi32, #tpu.memory_space<vmem>>, vector<16xi32>,
    %shift_right_logical3A_776 = arith.constant 14 : i32
    %shift_right_logical3A_777 = vector.broadcast %shift_right_logical3A_776 : i32 to vector<16xi32>
    %shift_right_logical3A_778 = arith.shrui %get3A_775, %shift_right_logical3A_777 : vector<16xi32>
    %shift_left3A_779 = arith.constant 13 : i32
    %shift_left3A_780 = vector.broadcast %shift_left3A_779 : i32 to vector<16xi32>
    %shift_left3A_781 = arith.shli %shift_right_logical3A_778, %shift_left3A_780 : vector<16xi32>
    %and3A_782 = arith.constant 8191 : i32
    %and3A_783 = vector.broadcast %and3A_782 : i32 to vector<16xi32>
    %and3A_784 = arith.andi %get3A_775, %and3A_783 : vector<16xi32>
    %or3A_785 = arith.ori %shift_left3A_781, %and3A_784 : vector<16xi32>
    %shift_right_logical3A_786 = arith.constant 13 : i32
    %shift_right_logical3A_787 = vector.broadcast %shift_right_logical3A_786 : i32 to vector<16xi32>
    %shift_right_logical3A_788 = arith.shrui %get3A_775, %shift_right_logical3A_787 : vector<16xi32>
    %and3A_789 = arith.constant 1 : i32
    %and3A_790 = vector.broadcast %and3A_789 : i32 to vector<16xi32>
    %and3A_791 = arith.andi %shift_right_logical3A_788, %and3A_790 : vector<16xi32>
    %sub3A_792 = arith.constant 999424 : i32
    %sub3A_793 = vector.broadcast %sub3A_792 : i32 to vector<16xi32>
    %sub3A_794 = arith.subi %get3A_775, %sub3A_793 : vector<16xi32>
    %shift_right_logical3A_795 = arith.constant 7 : i32
    %shift_right_logical3A_796 = vector.broadcast %shift_right_logical3A_795 : i32 to vector<16xi32>
    %shift_right_logical3A_797 = arith.shrui %sub3A_794, %shift_right_logical3A_796 : vector<16xi32>
    %shift_left3A_798 = arith.constant 6 : i32
    %shift_left3A_799 = vector.broadcast %shift_left3A_798 : i32 to vector<16xi32>
    %shift_left3A_800 = arith.shli %shift_right_logical3A_797, %shift_left3A_799 : vector<16xi32>
    %add3A_801 = arith.constant 499712 : i32
    %add3A_802 = vector.broadcast %add3A_801 : i32 to vector<16xi32>
    %add3A_803 = arith.addi %add3A_802, %shift_left3A_800 : vector<16xi32>
    %and3A_804 = arith.constant 63 : i32
    %and3A_805 = vector.broadcast %and3A_804 : i32 to vector<16xi32>
    %and3A_806 = arith.andi %sub3A_794, %and3A_805 : vector<16xi32>
    %add3A_807 = arith.addi %add3A_803, %and3A_806 : vector<16xi32>
    %shift_right_logical3A_808 = arith.constant 6 : i32
    %shift_right_logical3A_809 = vector.broadcast %shift_right_logical3A_808 : i32 to vector<16xi32>
    %shift_right_logical3A_810 = arith.shrui %sub3A_794, %shift_right_logical3A_809 : vector<16xi32>
    %and3A_811 = arith.constant 1 : i32
    %and3A_812 = vector.broadcast %and3A_811 : i32 to vector<16xi32>
    %and3A_813 = arith.andi %shift_right_logical3A_810, %and3A_812 : vector<16xi32>
    %ge3A_814 = arith.constant 999424 : i32
    %ge3A_815 = vector.broadcast %ge3A_814 : i32 to vector<16xi32>
    %ge3A_816 = arith.cmpi sge, %get3A_775, %ge3A_815 : vector<16xi32>
    %select_n3A_817 = arith.select %ge3A_816, %add3A_807, %or3A_785 : vector<16xi1>, vector<16xi32>
    %swap3A_818 = arith.constant 240 : index
    %swap3A_819 = tpu.vector_load %arg6[%swap3A_818] {strides = array<i32>} : memref<512xi32, #tpu.memory_space<vmem>>, vector<16xi32>,
    tpu.vector_store %arg6[%swap3A_818], %select_n3A_817 {strides = array<i32>} : memref<512xi32, #tpu.memory_space<vmem>>, vector<16xi32>,
    %select_n3A_820 = arith.select %ge3A_816, %and3A_813, %and3A_791 : vector<16xi1>, vector<16xi32>
    %mul3A_821 = arith.constant 64 : i32
    %mul3A_822 = vector.broadcast %mul3A_821 : i32 to vector<16xi32>
    %mul3A_823 = arith.muli %select_n3A_820, %mul3A_822 : vector<16xi32>
    %swap3A_824 = arith.constant 240 : index
    %swap3A_825 = tpu.vector_load %arg7[%swap3A_824] {strides = array<i32>} : memref<512xi32, #tpu.memory_space<vmem>>, vector<16xi32>,
    tpu.vector_store %arg7[%swap3A_824], %mul3A_823 {strides = array<i32>} : memref<512xi32, #tpu.memory_space<vmem>>, vector<16xi32>,
    %get3A_826 = arith.constant 256 : index
    %get3A_827 = tpu.vector_load %arg5[%get3A_826] {strides = array<i32>} : memref<512xi32, #tpu.memory_space<vmem>>, vector<16xi32>,
    %shift_right_logical3A_828 = arith.constant 14 : i32
    %shift_right_logical3A_829 = vector.broadcast %shift_right_logical3A_828 : i32 to vector<16xi32>
    %shift_right_logical3A_830 = arith.shrui %get3A_827, %shift_right_logical3A_829 : vector<16xi32>
    %shift_left3A_831 = arith.constant 13 : i32
    %shift_left3A_832 = vector.broadcast %shift_left3A_831 : i32 to vector<16xi32>
    %shift_left3A_833 = arith.shli %shift_right_logical3A_830, %shift_left3A_832 : vector<16xi32>
    %and3A_834 = arith.constant 8191 : i32
    %and3A_835 = vector.broadcast %and3A_834 : i32 to vector<16xi32>
    %and3A_836 = arith.andi %get3A_827, %and3A_835 : vector<16xi32>
    %or3A_837 = arith.ori %shift_left3A_833, %and3A_836 : vector<16xi32>
    %shift_right_logical3A_838 = arith.constant 13 : i32
    %shift_right_logical3A_839 = vector.broadcast %shift_right_logical3A_838 : i32 to vector<16xi32>
    %shift_right_logical3A_840 = arith.shrui %get3A_827, %shift_right_logical3A_839 : vector<16xi32>
    %and3A_841 = arith.constant 1 : i32
    %and3A_842 = vector.broadcast %and3A_841 : i32 to vector<16xi32>
    %and3A_843 = arith.andi %shift_right_logical3A_840, %and3A_842 : vector<16xi32>
    %sub3A_844 = arith.constant 999424 : i32
    %sub3A_845 = vector.broadcast %sub3A_844 : i32 to vector<16xi32>
    %sub3A_846 = arith.subi %get3A_827, %sub3A_845 : vector<16xi32>
    %shift_right_logical3A_847 = arith.constant 7 : i32
    %shift_right_logical3A_848 = vector.broadcast %shift_right_logical3A_847 : i32 to vector<16xi32>
    %shift_right_logical3A_849 = arith.shrui %sub3A_846, %shift_right_logical3A_848 : vector<16xi32>
    %shift_left3A_850 = arith.constant 6 : i32
    %shift_left3A_851 = vector.broadcast %shift_left3A_850 : i32 to vector<16xi32>
    %shift_left3A_852 = arith.shli %shift_right_logical3A_849, %shift_left3A_851 : vector<16xi32>
    %add3A_853 = arith.constant 499712 : i32
    %add3A_854 = vector.broadcast %add3A_853 : i32 to vector<16xi32>
    %add3A_855 = arith.addi %add3A_854, %shift_left3A_852 : vector<16xi32>
    %and3A_856 = arith.constant 63 : i32
    %and3A_857 = vector.broadcast %and3A_856 : i32 to vector<16xi32>
    %and3A_858 = arith.andi %sub3A_846, %and3A_857 : vector<16xi32>
    %add3A_859 = arith.addi %add3A_855, %and3A_858 : vector<16xi32>
    %shift_right_logical3A_860 = arith.constant 6 : i32
    %shift_right_logical3A_861 = vector.broadcast %shift_right_logical3A_860 : i32 to vector<16xi32>
    %shift_right_logical3A_862 = arith.shrui %sub3A_846, %shift_right_logical3A_861 : vector<16xi32>
    %and3A_863 = arith.constant 1 : i32
    %and3A_864 = vector.broadcast %and3A_863 : i32 to vector<16xi32>
    %and3A_865 = arith.andi %shift_right_logical3A_862, %and3A_864 : vector<16xi32>
    %ge3A_866 = arith.constant 999424 : i32
    %ge3A_867 = vector.broadcast %ge3A_866 : i32 to vector<16xi32>
    %ge3A_868 = arith.cmpi sge, %get3A_827, %ge3A_867 : vector<16xi32>
    %select_n3A_869 = arith.select %ge3A_868, %add3A_859, %or3A_837 : vector<16xi1>, vector<16xi32>
    %swap3A_870 = arith.constant 256 : index
    %swap3A_871 = tpu.vector_load %arg6[%swap3A_870] {strides = array<i32>} : memref<512xi32, #tpu.memory_space<vmem>>, vector<16xi32>,
    tpu.vector_store %arg6[%swap3A_870], %select_n3A_869 {strides = array<i32>} : memref<512xi32, #tpu.memory_space<vmem>>, vector<16xi32>,
    %select_n3A_872 = arith.select %ge3A_868, %and3A_865, %and3A_843 : vector<16xi1>, vector<16xi32>
    %mul3A_873 = arith.constant 64 : i32
    %mul3A_874 = vector.broadcast %mul3A_873 : i32 to vector<16xi32>
    %mul3A_875 = arith.muli %select_n3A_872, %mul3A_874 : vector<16xi32>
    %swap3A_876 = arith.constant 256 : index
    %swap3A_877 = tpu.vector_load %arg7[%swap3A_876] {strides = array<i32>} : memref<512xi32, #tpu.memory_space<vmem>>, vector<16xi32>,
    tpu.vector_store %arg7[%swap3A_876], %mul3A_875 {strides = array<i32>} : memref<512xi32, #tpu.memory_space<vmem>>, vector<16xi32>,
    %get3A_878 = arith.constant 272 : index
    %get3A_879 = tpu.vector_load %arg5[%get3A_878] {strides = array<i32>} : memref<512xi32, #tpu.memory_space<vmem>>, vector<16xi32>,
    %shift_right_logical3A_880 = arith.constant 14 : i32
    %shift_right_logical3A_881 = vector.broadcast %shift_right_logical3A_880 : i32 to vector<16xi32>
    %shift_right_logical3A_882 = arith.shrui %get3A_879, %shift_right_logical3A_881 : vector<16xi32>
    %shift_left3A_883 = arith.constant 13 : i32
    %shift_left3A_884 = vector.broadcast %shift_left3A_883 : i32 to vector<16xi32>
    %shift_left3A_885 = arith.shli %shift_right_logical3A_882, %shift_left3A_884 : vector<16xi32>
    %and3A_886 = arith.constant 8191 : i32
    %and3A_887 = vector.broadcast %and3A_886 : i32 to vector<16xi32>
    %and3A_888 = arith.andi %get3A_879, %and3A_887 : vector<16xi32>
    %or3A_889 = arith.ori %shift_left3A_885, %and3A_888 : vector<16xi32>
    %shift_right_logical3A_890 = arith.constant 13 : i32
    %shift_right_logical3A_891 = vector.broadcast %shift_right_logical3A_890 : i32 to vector<16xi32>
    %shift_right_logical3A_892 = arith.shrui %get3A_879, %shift_right_logical3A_891 : vector<16xi32>
    %and3A_893 = arith.constant 1 : i32
    %and3A_894 = vector.broadcast %and3A_893 : i32 to vector<16xi32>
    %and3A_895 = arith.andi %shift_right_logical3A_892, %and3A_894 : vector<16xi32>
    %sub3A_896 = arith.constant 999424 : i32
    %sub3A_897 = vector.broadcast %sub3A_896 : i32 to vector<16xi32>
    %sub3A_898 = arith.subi %get3A_879, %sub3A_897 : vector<16xi32>
    %shift_right_logical3A_899 = arith.constant 7 : i32
    %shift_right_logical3A_900 = vector.broadcast %shift_right_logical3A_899 : i32 to vector<16xi32>
    %shift_right_logical3A_901 = arith.shrui %sub3A_898, %shift_right_logical3A_900 : vector<16xi32>
    %shift_left3A_902 = arith.constant 6 : i32
    %shift_left3A_903 = vector.broadcast %shift_left3A_902 : i32 to vector<16xi32>
    %shift_left3A_904 = arith.shli %shift_right_logical3A_901, %shift_left3A_903 : vector<16xi32>
    %add3A_905 = arith.constant 499712 : i32
    %add3A_906 = vector.broadcast %add3A_905 : i32 to vector<16xi32>
    %add3A_907 = arith.addi %add3A_906, %shift_left3A_904 : vector<16xi32>
    %and3A_908 = arith.constant 63 : i32
    %and3A_909 = vector.broadcast %and3A_908 : i32 to vector<16xi32>
    %and3A_910 = arith.andi %sub3A_898, %and3A_909 : vector<16xi32>
    %add3A_911 = arith.addi %add3A_907, %and3A_910 : vector<16xi32>
    %shift_right_logical3A_912 = arith.constant 6 : i32
    %shift_right_logical3A_913 = vector.broadcast %shift_right_logical3A_912 : i32 to vector<16xi32>
    %shift_right_logical3A_914 = arith.shrui %sub3A_898, %shift_right_logical3A_913 : vector<16xi32>
    %and3A_915 = arith.constant 1 : i32
    %and3A_916 = vector.broadcast %and3A_915 : i32 to vector<16xi32>
    %and3A_917 = arith.andi %shift_right_logical3A_914, %and3A_916 : vector<16xi32>
    %ge3A_918 = arith.constant 999424 : i32
    %ge3A_919 = vector.broadcast %ge3A_918 : i32 to vector<16xi32>
    %ge3A_920 = arith.cmpi sge, %get3A_879, %ge3A_919 : vector<16xi32>
    %select_n3A_921 = arith.select %ge3A_920, %add3A_911, %or3A_889 : vector<16xi1>, vector<16xi32>
    %swap3A_922 = arith.constant 272 : index
    %swap3A_923 = tpu.vector_load %arg6[%swap3A_922] {strides = array<i32>} : memref<512xi32, #tpu.memory_space<vmem>>, vector<16xi32>,
    tpu.vector_store %arg6[%swap3A_922], %select_n3A_921 {strides = array<i32>} : memref<512xi32, #tpu.memory_space<vmem>>, vector<16xi32>,
    %select_n3A_924 = arith.select %ge3A_920, %and3A_917, %and3A_895 : vector<16xi1>, vector<16xi32>
    %mul3A_925 = arith.constant 64 : i32
    %mul3A_926 = vector.broadcast %mul3A_925 : i32 to vector<16xi32>
    %mul3A_927 = arith.muli %select_n3A_924, %mul3A_926 : vector<16xi32>
    %swap3A_928 = arith.constant 272 : index
    %swap3A_929 = tpu.vector_load %arg7[%swap3A_928] {strides = array<i32>} : memref<512xi32, #tpu.memory_space<vmem>>, vector<16xi32>,
    tpu.vector_store %arg7[%swap3A_928], %mul3A_927 {strides = array<i32>} : memref<512xi32, #tpu.memory_space<vmem>>, vector<16xi32>,
    %get3A_930 = arith.constant 288 : index
    %get3A_931 = tpu.vector_load %arg5[%get3A_930] {strides = array<i32>} : memref<512xi32, #tpu.memory_space<vmem>>, vector<16xi32>,
    %shift_right_logical3A_932 = arith.constant 14 : i32
    %shift_right_logical3A_933 = vector.broadcast %shift_right_logical3A_932 : i32 to vector<16xi32>
    %shift_right_logical3A_934 = arith.shrui %get3A_931, %shift_right_logical3A_933 : vector<16xi32>
    %shift_left3A_935 = arith.constant 13 : i32
    %shift_left3A_936 = vector.broadcast %shift_left3A_935 : i32 to vector<16xi32>
    %shift_left3A_937 = arith.shli %shift_right_logical3A_934, %shift_left3A_936 : vector<16xi32>
    %and3A_938 = arith.constant 8191 : i32
    %and3A_939 = vector.broadcast %and3A_938 : i32 to vector<16xi32>
    %and3A_940 = arith.andi %get3A_931, %and3A_939 : vector<16xi32>
    %or3A_941 = arith.ori %shift_left3A_937, %and3A_940 : vector<16xi32>
    %shift_right_logical3A_942 = arith.constant 13 : i32
    %shift_right_logical3A_943 = vector.broadcast %shift_right_logical3A_942 : i32 to vector<16xi32>
    %shift_right_logical3A_944 = arith.shrui %get3A_931, %shift_right_logical3A_943 : vector<16xi32>
    %and3A_945 = arith.constant 1 : i32
    %and3A_946 = vector.broadcast %and3A_945 : i32 to vector<16xi32>
    %and3A_947 = arith.andi %shift_right_logical3A_944, %and3A_946 : vector<16xi32>
    %sub3A_948 = arith.constant 999424 : i32
    %sub3A_949 = vector.broadcast %sub3A_948 : i32 to vector<16xi32>
    %sub3A_950 = arith.subi %get3A_931, %sub3A_949 : vector<16xi32>
    %shift_right_logical3A_951 = arith.constant 7 : i32
    %shift_right_logical3A_952 = vector.broadcast %shift_right_logical3A_951 : i32 to vector<16xi32>
    %shift_right_logical3A_953 = arith.shrui %sub3A_950, %shift_right_logical3A_952 : vector<16xi32>
    %shift_left3A_954 = arith.constant 6 : i32
    %shift_left3A_955 = vector.broadcast %shift_left3A_954 : i32 to vector<16xi32>
    %shift_left3A_956 = arith.shli %shift_right_logical3A_953, %shift_left3A_955 : vector<16xi32>
    %add3A_957 = arith.constant 499712 : i32
    %add3A_958 = vector.broadcast %add3A_957 : i32 to vector<16xi32>
    %add3A_959 = arith.addi %add3A_958, %shift_left3A_956 : vector<16xi32>
    %and3A_960 = arith.constant 63 : i32
    %and3A_961 = vector.broadcast %and3A_960 : i32 to vector<16xi32>
    %and3A_962 = arith.andi %sub3A_950, %and3A_961 : vector<16xi32>
    %add3A_963 = arith.addi %add3A_959, %and3A_962 : vector<16xi32>
    %shift_right_logical3A_964 = arith.constant 6 : i32
    %shift_right_logical3A_965 = vector.broadcast %shift_right_logical3A_964 : i32 to vector<16xi32>
    %shift_right_logical3A_966 = arith.shrui %sub3A_950, %shift_right_logical3A_965 : vector<16xi32>
    %and3A_967 = arith.constant 1 : i32
    %and3A_968 = vector.broadcast %and3A_967 : i32 to vector<16xi32>
    %and3A_969 = arith.andi %shift_right_logical3A_966, %and3A_968 : vector<16xi32>
    %ge3A_970 = arith.constant 999424 : i32
    %ge3A_971 = vector.broadcast %ge3A_970 : i32 to vector<16xi32>
    %ge3A_972 = arith.cmpi sge, %get3A_931, %ge3A_971 : vector<16xi32>
    %select_n3A_973 = arith.select %ge3A_972, %add3A_963, %or3A_941 : vector<16xi1>, vector<16xi32>
    %swap3A_974 = arith.constant 288 : index
    %swap3A_975 = tpu.vector_load %arg6[%swap3A_974] {strides = array<i32>} : memref<512xi32, #tpu.memory_space<vmem>>, vector<16xi32>,
    tpu.vector_store %arg6[%swap3A_974], %select_n3A_973 {strides = array<i32>} : memref<512xi32, #tpu.memory_space<vmem>>, vector<16xi32>,
    %select_n3A_976 = arith.select %ge3A_972, %and3A_969, %and3A_947 : vector<16xi1>, vector<16xi32>
    %mul3A_977 = arith.constant 64 : i32
    %mul3A_978 = vector.broadcast %mul3A_977 : i32 to vector<16xi32>
    %mul3A_979 = arith.muli %select_n3A_976, %mul3A_978 : vector<16xi32>
    %swap3A_980 = arith.constant 288 : index
    %swap3A_981 = tpu.vector_load %arg7[%swap3A_980] {strides = array<i32>} : memref<512xi32, #tpu.memory_space<vmem>>, vector<16xi32>,
    tpu.vector_store %arg7[%swap3A_980], %mul3A_979 {strides = array<i32>} : memref<512xi32, #tpu.memory_space<vmem>>, vector<16xi32>,
    %get3A_982 = arith.constant 304 : index
    %get3A_983 = tpu.vector_load %arg5[%get3A_982] {strides = array<i32>} : memref<512xi32, #tpu.memory_space<vmem>>, vector<16xi32>,
    %shift_right_logical3A_984 = arith.constant 14 : i32
    %shift_right_logical3A_985 = vector.broadcast %shift_right_logical3A_984 : i32 to vector<16xi32>
    %shift_right_logical3A_986 = arith.shrui %get3A_983, %shift_right_logical3A_985 : vector<16xi32>
    %shift_left3A_987 = arith.constant 13 : i32
    %shift_left3A_988 = vector.broadcast %shift_left3A_987 : i32 to vector<16xi32>
    %shift_left3A_989 = arith.shli %shift_right_logical3A_986, %shift_left3A_988 : vector<16xi32>
    %and3A_990 = arith.constant 8191 : i32
    %and3A_991 = vector.broadcast %and3A_990 : i32 to vector<16xi32>
    %and3A_992 = arith.andi %get3A_983, %and3A_991 : vector<16xi32>
    %or3A_993 = arith.ori %shift_left3A_989, %and3A_992 : vector<16xi32>
    %shift_right_logical3A_994 = arith.constant 13 : i32
    %shift_right_logical3A_995 = vector.broadcast %shift_right_logical3A_994 : i32 to vector<16xi32>
    %shift_right_logical3A_996 = arith.shrui %get3A_983, %shift_right_logical3A_995 : vector<16xi32>
    %and3A_997 = arith.constant 1 : i32
    %and3A_998 = vector.broadcast %and3A_997 : i32 to vector<16xi32>
    %and3A_999 = arith.andi %shift_right_logical3A_996, %and3A_998 : vector<16xi32>
    %sub3A_1000 = arith.constant 999424 : i32
    %sub3A_1001 = vector.broadcast %sub3A_1000 : i32 to vector<16xi32>
    %sub3A_1002 = arith.subi %get3A_983, %sub3A_1001 : vector<16xi32>
    %shift_right_logical3A_1003 = arith.constant 7 : i32
    %shift_right_logical3A_1004 = vector.broadcast %shift_right_logical3A_1003 : i32 to vector<16xi32>
    %shift_right_logical3A_1005 = arith.shrui %sub3A_1002, %shift_right_logical3A_1004 : vector<16xi32>
    %shift_left3A_1006 = arith.constant 6 : i32
    %shift_left3A_1007 = vector.broadcast %shift_left3A_1006 : i32 to vector<16xi32>
    %shift_left3A_1008 = arith.shli %shift_right_logical3A_1005, %shift_left3A_1007 : vector<16xi32>
    %add3A_1009 = arith.constant 499712 : i32
    %add3A_1010 = vector.broadcast %add3A_1009 : i32 to vector<16xi32>
    %add3A_1011 = arith.addi %add3A_1010, %shift_left3A_1008 : vector<16xi32>
    %and3A_1012 = arith.constant 63 : i32
    %and3A_1013 = vector.broadcast %and3A_1012 : i32 to vector<16xi32>
    %and3A_1014 = arith.andi %sub3A_1002, %and3A_1013 : vector<16xi32>
    %add3A_1015 = arith.addi %add3A_1011, %and3A_1014 : vector<16xi32>
    %shift_right_logical3A_1016 = arith.constant 6 : i32
    %shift_right_logical3A_1017 = vector.broadcast %shift_right_logical3A_1016 : i32 to vector<16xi32>
    %shift_right_logical3A_1018 = arith.shrui %sub3A_1002, %shift_right_logical3A_1017 : vector<16xi32>
    %and3A_1019 = arith.constant 1 : i32
    %and3A_1020 = vector.broadcast %and3A_1019 : i32 to vector<16xi32>
    %and3A_1021 = arith.andi %shift_right_logical3A_1018, %and3A_1020 : vector<16xi32>
    %ge3A_1022 = arith.constant 999424 : i32
    %ge3A_1023 = vector.broadcast %ge3A_1022 : i32 to vector<16xi32>
    %ge3A_1024 = arith.cmpi sge, %get3A_983, %ge3A_1023 : vector<16xi32>
    %select_n3A_1025 = arith.select %ge3A_1024, %add3A_1015, %or3A_993 : vector<16xi1>, vector<16xi32>
    %swap3A_1026 = arith.constant 304 : index
    %swap3A_1027 = tpu.vector_load %arg6[%swap3A_1026] {strides = array<i32>} : memref<512xi32, #tpu.memory_space<vmem>>, vector<16xi32>,
    tpu.vector_store %arg6[%swap3A_1026], %select_n3A_1025 {strides = array<i32>} : memref<512xi32, #tpu.memory_space<vmem>>, vector<16xi32>,
    %select_n3A_1028 = arith.select %ge3A_1024, %and3A_1021, %and3A_999 : vector<16xi1>, vector<16xi32>
    %mul3A_1029 = arith.constant 64 : i32
    %mul3A_1030 = vector.broadcast %mul3A_1029 : i32 to vector<16xi32>
    %mul3A_1031 = arith.muli %select_n3A_1028, %mul3A_1030 : vector<16xi32>
    %swap3A_1032 = arith.constant 304 : index
    %swap3A_1033 = tpu.vector_load %arg7[%swap3A_1032] {strides = array<i32>} : memref<512xi32, #tpu.memory_space<vmem>>, vector<16xi32>,
    tpu.vector_store %arg7[%swap3A_1032], %mul3A_1031 {strides = array<i32>} : memref<512xi32, #tpu.memory_space<vmem>>, vector<16xi32>,
    %get3A_1034 = arith.constant 320 : index
    %get3A_1035 = tpu.vector_load %arg5[%get3A_1034] {strides = array<i32>} : memref<512xi32, #tpu.memory_space<vmem>>, vector<16xi32>,
    %shift_right_logical3A_1036 = arith.constant 14 : i32
    %shift_right_logical3A_1037 = vector.broadcast %shift_right_logical3A_1036 : i32 to vector<16xi32>
    %shift_right_logical3A_1038 = arith.shrui %get3A_1035, %shift_right_logical3A_1037 : vector<16xi32>
    %shift_left3A_1039 = arith.constant 13 : i32
    %shift_left3A_1040 = vector.broadcast %shift_left3A_1039 : i32 to vector<16xi32>
    %shift_left3A_1041 = arith.shli %shift_right_logical3A_1038, %shift_left3A_1040 : vector<16xi32>
    %and3A_1042 = arith.constant 8191 : i32
    %and3A_1043 = vector.broadcast %and3A_1042 : i32 to vector<16xi32>
    %and3A_1044 = arith.andi %get3A_1035, %and3A_1043 : vector<16xi32>
    %or3A_1045 = arith.ori %shift_left3A_1041, %and3A_1044 : vector<16xi32>
    %shift_right_logical3A_1046 = arith.constant 13 : i32
    %shift_right_logical3A_1047 = vector.broadcast %shift_right_logical3A_1046 : i32 to vector<16xi32>
    %shift_right_logical3A_1048 = arith.shrui %get3A_1035, %shift_right_logical3A_1047 : vector<16xi32>
    %and3A_1049 = arith.constant 1 : i32
    %and3A_1050 = vector.broadcast %and3A_1049 : i32 to vector<16xi32>
    %and3A_1051 = arith.andi %shift_right_logical3A_1048, %and3A_1050 : vector<16xi32>
    %sub3A_1052 = arith.constant 999424 : i32
    %sub3A_1053 = vector.broadcast %sub3A_1052 : i32 to vector<16xi32>
    %sub3A_1054 = arith.subi %get3A_1035, %sub3A_1053 : vector<16xi32>
    %shift_right_logical3A_1055 = arith.constant 7 : i32
    %shift_right_logical3A_1056 = vector.broadcast %shift_right_logical3A_1055 : i32 to vector<16xi32>
    %shift_right_logical3A_1057 = arith.shrui %sub3A_1054, %shift_right_logical3A_1056 : vector<16xi32>
    %shift_left3A_1058 = arith.constant 6 : i32
    %shift_left3A_1059 = vector.broadcast %shift_left3A_1058 : i32 to vector<16xi32>
    %shift_left3A_1060 = arith.shli %shift_right_logical3A_1057, %shift_left3A_1059 : vector<16xi32>
    %add3A_1061 = arith.constant 499712 : i32
    %add3A_1062 = vector.broadcast %add3A_1061 : i32 to vector<16xi32>
    %add3A_1063 = arith.addi %add3A_1062, %shift_left3A_1060 : vector<16xi32>
    %and3A_1064 = arith.constant 63 : i32
    %and3A_1065 = vector.broadcast %and3A_1064 : i32 to vector<16xi32>
    %and3A_1066 = arith.andi %sub3A_1054, %and3A_1065 : vector<16xi32>
    %add3A_1067 = arith.addi %add3A_1063, %and3A_1066 : vector<16xi32>
    %shift_right_logical3A_1068 = arith.constant 6 : i32
    %shift_right_logical3A_1069 = vector.broadcast %shift_right_logical3A_1068 : i32 to vector<16xi32>
    %shift_right_logical3A_1070 = arith.shrui %sub3A_1054, %shift_right_logical3A_1069 : vector<16xi32>
    %and3A_1071 = arith.constant 1 : i32
    %and3A_1072 = vector.broadcast %and3A_1071 : i32 to vector<16xi32>
    %and3A_1073 = arith.andi %shift_right_logical3A_1070, %and3A_1072 : vector<16xi32>
    %ge3A_1074 = arith.constant 999424 : i32
    %ge3A_1075 = vector.broadcast %ge3A_1074 : i32 to vector<16xi32>
    %ge3A_1076 = arith.cmpi sge, %get3A_1035, %ge3A_1075 : vector<16xi32>
    %select_n3A_1077 = arith.select %ge3A_1076, %add3A_1067, %or3A_1045 : vector<16xi1>, vector<16xi32>
    %swap3A_1078 = arith.constant 320 : index
    %swap3A_1079 = tpu.vector_load %arg6[%swap3A_1078] {strides = array<i32>} : memref<512xi32, #tpu.memory_space<vmem>>, vector<16xi32>,
    tpu.vector_store %arg6[%swap3A_1078], %select_n3A_1077 {strides = array<i32>} : memref<512xi32, #tpu.memory_space<vmem>>, vector<16xi32>,
    %select_n3A_1080 = arith.select %ge3A_1076, %and3A_1073, %and3A_1051 : vector<16xi1>, vector<16xi32>
    %mul3A_1081 = arith.constant 64 : i32
    %mul3A_1082 = vector.broadcast %mul3A_1081 : i32 to vector<16xi32>
    %mul3A_1083 = arith.muli %select_n3A_1080, %mul3A_1082 : vector<16xi32>
    %swap3A_1084 = arith.constant 320 : index
    %swap3A_1085 = tpu.vector_load %arg7[%swap3A_1084] {strides = array<i32>} : memref<512xi32, #tpu.memory_space<vmem>>, vector<16xi32>,
    tpu.vector_store %arg7[%swap3A_1084], %mul3A_1083 {strides = array<i32>} : memref<512xi32, #tpu.memory_space<vmem>>, vector<16xi32>,
    %get3A_1086 = arith.constant 336 : index
    %get3A_1087 = tpu.vector_load %arg5[%get3A_1086] {strides = array<i32>} : memref<512xi32, #tpu.memory_space<vmem>>, vector<16xi32>,
    %shift_right_logical3A_1088 = arith.constant 14 : i32
    %shift_right_logical3A_1089 = vector.broadcast %shift_right_logical3A_1088 : i32 to vector<16xi32>
    %shift_right_logical3A_1090 = arith.shrui %get3A_1087, %shift_right_logical3A_1089 : vector<16xi32>
    %shift_left3A_1091 = arith.constant 13 : i32
    %shift_left3A_1092 = vector.broadcast %shift_left3A_1091 : i32 to vector<16xi32>
    %shift_left3A_1093 = arith.shli %shift_right_logical3A_1090, %shift_left3A_1092 : vector<16xi32>
    %and3A_1094 = arith.constant 8191 : i32
    %and3A_1095 = vector.broadcast %and3A_1094 : i32 to vector<16xi32>
    %and3A_1096 = arith.andi %get3A_1087, %and3A_1095 : vector<16xi32>
    %or3A_1097 = arith.ori %shift_left3A_1093, %and3A_1096 : vector<16xi32>
    %shift_right_logical3A_1098 = arith.constant 13 : i32
    %shift_right_logical3A_1099 = vector.broadcast %shift_right_logical3A_1098 : i32 to vector<16xi32>
    %shift_right_logical3A_1100 = arith.shrui %get3A_1087, %shift_right_logical3A_1099 : vector<16xi32>
    %and3A_1101 = arith.constant 1 : i32
    %and3A_1102 = vector.broadcast %and3A_1101 : i32 to vector<16xi32>
    %and3A_1103 = arith.andi %shift_right_logical3A_1100, %and3A_1102 : vector<16xi32>
    %sub3A_1104 = arith.constant 999424 : i32
    %sub3A_1105 = vector.broadcast %sub3A_1104 : i32 to vector<16xi32>
    %sub3A_1106 = arith.subi %get3A_1087, %sub3A_1105 : vector<16xi32>
    %shift_right_logical3A_1107 = arith.constant 7 : i32
    %shift_right_logical3A_1108 = vector.broadcast %shift_right_logical3A_1107 : i32 to vector<16xi32>
    %shift_right_logical3A_1109 = arith.shrui %sub3A_1106, %shift_right_logical3A_1108 : vector<16xi32>
    %shift_left3A_1110 = arith.constant 6 : i32
    %shift_left3A_1111 = vector.broadcast %shift_left3A_1110 : i32 to vector<16xi32>
    %shift_left3A_1112 = arith.shli %shift_right_logical3A_1109, %shift_left3A_1111 : vector<16xi32>
    %add3A_1113 = arith.constant 499712 : i32
    %add3A_1114 = vector.broadcast %add3A_1113 : i32 to vector<16xi32>
    %add3A_1115 = arith.addi %add3A_1114, %shift_left3A_1112 : vector<16xi32>
    %and3A_1116 = arith.constant 63 : i32
    %and3A_1117 = vector.broadcast %and3A_1116 : i32 to vector<16xi32>
    %and3A_1118 = arith.andi %sub3A_1106, %and3A_1117 : vector<16xi32>
    %add3A_1119 = arith.addi %add3A_1115, %and3A_1118 : vector<16xi32>
    %shift_right_logical3A_1120 = arith.constant 6 : i32
    %shift_right_logical3A_1121 = vector.broadcast %shift_right_logical3A_1120 : i32 to vector<16xi32>
    %shift_right_logical3A_1122 = arith.shrui %sub3A_1106, %shift_right_logical3A_1121 : vector<16xi32>
    %and3A_1123 = arith.constant 1 : i32
    %and3A_1124 = vector.broadcast %and3A_1123 : i32 to vector<16xi32>
    %and3A_1125 = arith.andi %shift_right_logical3A_1122, %and3A_1124 : vector<16xi32>
    %ge3A_1126 = arith.constant 999424 : i32
    %ge3A_1127 = vector.broadcast %ge3A_1126 : i32 to vector<16xi32>
    %ge3A_1128 = arith.cmpi sge, %get3A_1087, %ge3A_1127 : vector<16xi32>
    %select_n3A_1129 = arith.select %ge3A_1128, %add3A_1119, %or3A_1097 : vector<16xi1>, vector<16xi32>
    %swap3A_1130 = arith.constant 336 : index
    %swap3A_1131 = tpu.vector_load %arg6[%swap3A_1130] {strides = array<i32>} : memref<512xi32, #tpu.memory_space<vmem>>, vector<16xi32>,
    tpu.vector_store %arg6[%swap3A_1130], %select_n3A_1129 {strides = array<i32>} : memref<512xi32, #tpu.memory_space<vmem>>, vector<16xi32>,
    %select_n3A_1132 = arith.select %ge3A_1128, %and3A_1125, %and3A_1103 : vector<16xi1>, vector<16xi32>
    %mul3A_1133 = arith.constant 64 : i32
    %mul3A_1134 = vector.broadcast %mul3A_1133 : i32 to vector<16xi32>
    %mul3A_1135 = arith.muli %select_n3A_1132, %mul3A_1134 : vector<16xi32>
    %swap3A_1136 = arith.constant 336 : index
    %swap3A_1137 = tpu.vector_load %arg7[%swap3A_1136] {strides = array<i32>} : memref<512xi32, #tpu.memory_space<vmem>>, vector<16xi32>,
    tpu.vector_store %arg7[%swap3A_1136], %mul3A_1135 {strides = array<i32>} : memref<512xi32, #tpu.memory_space<vmem>>, vector<16xi32>,
    %get3A_1138 = arith.constant 352 : index
    %get3A_1139 = tpu.vector_load %arg5[%get3A_1138] {strides = array<i32>} : memref<512xi32, #tpu.memory_space<vmem>>, vector<16xi32>,
    %shift_right_logical3A_1140 = arith.constant 14 : i32
    %shift_right_logical3A_1141 = vector.broadcast %shift_right_logical3A_1140 : i32 to vector<16xi32>
    %shift_right_logical3A_1142 = arith.shrui %get3A_1139, %shift_right_logical3A_1141 : vector<16xi32>
    %shift_left3A_1143 = arith.constant 13 : i32
    %shift_left3A_1144 = vector.broadcast %shift_left3A_1143 : i32 to vector<16xi32>
    %shift_left3A_1145 = arith.shli %shift_right_logical3A_1142, %shift_left3A_1144 : vector<16xi32>
    %and3A_1146 = arith.constant 8191 : i32
    %and3A_1147 = vector.broadcast %and3A_1146 : i32 to vector<16xi32>
    %and3A_1148 = arith.andi %get3A_1139, %and3A_1147 : vector<16xi32>
    %or3A_1149 = arith.ori %shift_left3A_1145, %and3A_1148 : vector<16xi32>
    %shift_right_logical3A_1150 = arith.constant 13 : i32
    %shift_right_logical3A_1151 = vector.broadcast %shift_right_logical3A_1150 : i32 to vector<16xi32>
    %shift_right_logical3A_1152 = arith.shrui %get3A_1139, %shift_right_logical3A_1151 : vector<16xi32>
    %and3A_1153 = arith.constant 1 : i32
    %and3A_1154 = vector.broadcast %and3A_1153 : i32 to vector<16xi32>
    %and3A_1155 = arith.andi %shift_right_logical3A_1152, %and3A_1154 : vector<16xi32>
    %sub3A_1156 = arith.constant 999424 : i32
    %sub3A_1157 = vector.broadcast %sub3A_1156 : i32 to vector<16xi32>
    %sub3A_1158 = arith.subi %get3A_1139, %sub3A_1157 : vector<16xi32>
    %shift_right_logical3A_1159 = arith.constant 7 : i32
    %shift_right_logical3A_1160 = vector.broadcast %shift_right_logical3A_1159 : i32 to vector<16xi32>
    %shift_right_logical3A_1161 = arith.shrui %sub3A_1158, %shift_right_logical3A_1160 : vector<16xi32>
    %shift_left3A_1162 = arith.constant 6 : i32
    %shift_left3A_1163 = vector.broadcast %shift_left3A_1162 : i32 to vector<16xi32>
    %shift_left3A_1164 = arith.shli %shift_right_logical3A_1161, %shift_left3A_1163 : vector<16xi32>
    %add3A_1165 = arith.constant 499712 : i32
    %add3A_1166 = vector.broadcast %add3A_1165 : i32 to vector<16xi32>
    %add3A_1167 = arith.addi %add3A_1166, %shift_left3A_1164 : vector<16xi32>
    %and3A_1168 = arith.constant 63 : i32
    %and3A_1169 = vector.broadcast %and3A_1168 : i32 to vector<16xi32>
    %and3A_1170 = arith.andi %sub3A_1158, %and3A_1169 : vector<16xi32>
    %add3A_1171 = arith.addi %add3A_1167, %and3A_1170 : vector<16xi32>
    %shift_right_logical3A_1172 = arith.constant 6 : i32
    %shift_right_logical3A_1173 = vector.broadcast %shift_right_logical3A_1172 : i32 to vector<16xi32>
    %shift_right_logical3A_1174 = arith.shrui %sub3A_1158, %shift_right_logical3A_1173 : vector<16xi32>
    %and3A_1175 = arith.constant 1 : i32
    %and3A_1176 = vector.broadcast %and3A_1175 : i32 to vector<16xi32>
    %and3A_1177 = arith.andi %shift_right_logical3A_1174, %and3A_1176 : vector<16xi32>
    %ge3A_1178 = arith.constant 999424 : i32
    %ge3A_1179 = vector.broadcast %ge3A_1178 : i32 to vector<16xi32>
    %ge3A_1180 = arith.cmpi sge, %get3A_1139, %ge3A_1179 : vector<16xi32>
    %select_n3A_1181 = arith.select %ge3A_1180, %add3A_1171, %or3A_1149 : vector<16xi1>, vector<16xi32>
    %swap3A_1182 = arith.constant 352 : index
    %swap3A_1183 = tpu.vector_load %arg6[%swap3A_1182] {strides = array<i32>} : memref<512xi32, #tpu.memory_space<vmem>>, vector<16xi32>,
    tpu.vector_store %arg6[%swap3A_1182], %select_n3A_1181 {strides = array<i32>} : memref<512xi32, #tpu.memory_space<vmem>>, vector<16xi32>,
    %select_n3A_1184 = arith.select %ge3A_1180, %and3A_1177, %and3A_1155 : vector<16xi1>, vector<16xi32>
    %mul3A_1185 = arith.constant 64 : i32
    %mul3A_1186 = vector.broadcast %mul3A_1185 : i32 to vector<16xi32>
    %mul3A_1187 = arith.muli %select_n3A_1184, %mul3A_1186 : vector<16xi32>
    %swap3A_1188 = arith.constant 352 : index
    %swap3A_1189 = tpu.vector_load %arg7[%swap3A_1188] {strides = array<i32>} : memref<512xi32, #tpu.memory_space<vmem>>, vector<16xi32>,
    tpu.vector_store %arg7[%swap3A_1188], %mul3A_1187 {strides = array<i32>} : memref<512xi32, #tpu.memory_space<vmem>>, vector<16xi32>,
    %get3A_1190 = arith.constant 368 : index
    %get3A_1191 = tpu.vector_load %arg5[%get3A_1190] {strides = array<i32>} : memref<512xi32, #tpu.memory_space<vmem>>, vector<16xi32>,
    %shift_right_logical3A_1192 = arith.constant 14 : i32
    %shift_right_logical3A_1193 = vector.broadcast %shift_right_logical3A_1192 : i32 to vector<16xi32>
    %shift_right_logical3A_1194 = arith.shrui %get3A_1191, %shift_right_logical3A_1193 : vector<16xi32>
    %shift_left3A_1195 = arith.constant 13 : i32
    %shift_left3A_1196 = vector.broadcast %shift_left3A_1195 : i32 to vector<16xi32>
    %shift_left3A_1197 = arith.shli %shift_right_logical3A_1194, %shift_left3A_1196 : vector<16xi32>
    %and3A_1198 = arith.constant 8191 : i32
    %and3A_1199 = vector.broadcast %and3A_1198 : i32 to vector<16xi32>
    %and3A_1200 = arith.andi %get3A_1191, %and3A_1199 : vector<16xi32>
    %or3A_1201 = arith.ori %shift_left3A_1197, %and3A_1200 : vector<16xi32>
    %shift_right_logical3A_1202 = arith.constant 13 : i32
    %shift_right_logical3A_1203 = vector.broadcast %shift_right_logical3A_1202 : i32 to vector<16xi32>
    %shift_right_logical3A_1204 = arith.shrui %get3A_1191, %shift_right_logical3A_1203 : vector<16xi32>
    %and3A_1205 = arith.constant 1 : i32
    %and3A_1206 = vector.broadcast %and3A_1205 : i32 to vector<16xi32>
    %and3A_1207 = arith.andi %shift_right_logical3A_1204, %and3A_1206 : vector<16xi32>
    %sub3A_1208 = arith.constant 999424 : i32
    %sub3A_1209 = vector.broadcast %sub3A_1208 : i32 to vector<16xi32>
    %sub3A_1210 = arith.subi %get3A_1191, %sub3A_1209 : vector<16xi32>
    %shift_right_logical3A_1211 = arith.constant 7 : i32
    %shift_right_logical3A_1212 = vector.broadcast %shift_right_logical3A_1211 : i32 to vector<16xi32>
    %shift_right_logical3A_1213 = arith.shrui %sub3A_1210, %shift_right_logical3A_1212 : vector<16xi32>
    %shift_left3A_1214 = arith.constant 6 : i32
    %shift_left3A_1215 = vector.broadcast %shift_left3A_1214 : i32 to vector<16xi32>
    %shift_left3A_1216 = arith.shli %shift_right_logical3A_1213, %shift_left3A_1215 : vector<16xi32>
    %add3A_1217 = arith.constant 499712 : i32
    %add3A_1218 = vector.broadcast %add3A_1217 : i32 to vector<16xi32>
    %add3A_1219 = arith.addi %add3A_1218, %shift_left3A_1216 : vector<16xi32>
    %and3A_1220 = arith.constant 63 : i32
    %and3A_1221 = vector.broadcast %and3A_1220 : i32 to vector<16xi32>
    %and3A_1222 = arith.andi %sub3A_1210, %and3A_1221 : vector<16xi32>
    %add3A_1223 = arith.addi %add3A_1219, %and3A_1222 : vector<16xi32>
    %shift_right_logical3A_1224 = arith.constant 6 : i32
    %shift_right_logical3A_1225 = vector.broadcast %shift_right_logical3A_1224 : i32 to vector<16xi32>
    %shift_right_logical3A_1226 = arith.shrui %sub3A_1210, %shift_right_logical3A_1225 : vector<16xi32>
    %and3A_1227 = arith.constant 1 : i32
    %and3A_1228 = vector.broadcast %and3A_1227 : i32 to vector<16xi32>
    %and3A_1229 = arith.andi %shift_right_logical3A_1226, %and3A_1228 : vector<16xi32>
    %ge3A_1230 = arith.constant 999424 : i32
    %ge3A_1231 = vector.broadcast %ge3A_1230 : i32 to vector<16xi32>
    %ge3A_1232 = arith.cmpi sge, %get3A_1191, %ge3A_1231 : vector<16xi32>
    %select_n3A_1233 = arith.select %ge3A_1232, %add3A_1223, %or3A_1201 : vector<16xi1>, vector<16xi32>
    %swap3A_1234 = arith.constant 368 : index
    %swap3A_1235 = tpu.vector_load %arg6[%swap3A_1234] {strides = array<i32>} : memref<512xi32, #tpu.memory_space<vmem>>, vector<16xi32>,
    tpu.vector_store %arg6[%swap3A_1234], %select_n3A_1233 {strides = array<i32>} : memref<512xi32, #tpu.memory_space<vmem>>, vector<16xi32>,
    %select_n3A_1236 = arith.select %ge3A_1232, %and3A_1229, %and3A_1207 : vector<16xi1>, vector<16xi32>
    %mul3A_1237 = arith.constant 64 : i32
    %mul3A_1238 = vector.broadcast %mul3A_1237 : i32 to vector<16xi32>
    %mul3A_1239 = arith.muli %select_n3A_1236, %mul3A_1238 : vector<16xi32>
    %swap3A_1240 = arith.constant 368 : index
    %swap3A_1241 = tpu.vector_load %arg7[%swap3A_1240] {strides = array<i32>} : memref<512xi32, #tpu.memory_space<vmem>>, vector<16xi32>,
    tpu.vector_store %arg7[%swap3A_1240], %mul3A_1239 {strides = array<i32>} : memref<512xi32, #tpu.memory_space<vmem>>, vector<16xi32>,
    %get3A_1242 = arith.constant 384 : index
    %get3A_1243 = tpu.vector_load %arg5[%get3A_1242] {strides = array<i32>} : memref<512xi32, #tpu.memory_space<vmem>>, vector<16xi32>,
    %shift_right_logical3A_1244 = arith.constant 14 : i32
    %shift_right_logical3A_1245 = vector.broadcast %shift_right_logical3A_1244 : i32 to vector<16xi32>
    %shift_right_logical3A_1246 = arith.shrui %get3A_1243, %shift_right_logical3A_1245 : vector<16xi32>
    %shift_left3A_1247 = arith.constant 13 : i32
    %shift_left3A_1248 = vector.broadcast %shift_left3A_1247 : i32 to vector<16xi32>
    %shift_left3A_1249 = arith.shli %shift_right_logical3A_1246, %shift_left3A_1248 : vector<16xi32>
    %and3A_1250 = arith.constant 8191 : i32
    %and3A_1251 = vector.broadcast %and3A_1250 : i32 to vector<16xi32>
    %and3A_1252 = arith.andi %get3A_1243, %and3A_1251 : vector<16xi32>
    %or3A_1253 = arith.ori %shift_left3A_1249, %and3A_1252 : vector<16xi32>
    %shift_right_logical3A_1254 = arith.constant 13 : i32
    %shift_right_logical3A_1255 = vector.broadcast %shift_right_logical3A_1254 : i32 to vector<16xi32>
    %shift_right_logical3A_1256 = arith.shrui %get3A_1243, %shift_right_logical3A_1255 : vector<16xi32>
    %and3A_1257 = arith.constant 1 : i32
    %and3A_1258 = vector.broadcast %and3A_1257 : i32 to vector<16xi32>
    %and3A_1259 = arith.andi %shift_right_logical3A_1256, %and3A_1258 : vector<16xi32>
    %sub3A_1260 = arith.constant 999424 : i32
    %sub3A_1261 = vector.broadcast %sub3A_1260 : i32 to vector<16xi32>
    %sub3A_1262 = arith.subi %get3A_1243, %sub3A_1261 : vector<16xi32>
    %shift_right_logical3A_1263 = arith.constant 7 : i32
    %shift_right_logical3A_1264 = vector.broadcast %shift_right_logical3A_1263 : i32 to vector<16xi32>
    %shift_right_logical3A_1265 = arith.shrui %sub3A_1262, %shift_right_logical3A_1264 : vector<16xi32>
    %shift_left3A_1266 = arith.constant 6 : i32
    %shift_left3A_1267 = vector.broadcast %shift_left3A_1266 : i32 to vector<16xi32>
    %shift_left3A_1268 = arith.shli %shift_right_logical3A_1265, %shift_left3A_1267 : vector<16xi32>
    %add3A_1269 = arith.constant 499712 : i32
    %add3A_1270 = vector.broadcast %add3A_1269 : i32 to vector<16xi32>
    %add3A_1271 = arith.addi %add3A_1270, %shift_left3A_1268 : vector<16xi32>
    %and3A_1272 = arith.constant 63 : i32
    %and3A_1273 = vector.broadcast %and3A_1272 : i32 to vector<16xi32>
    %and3A_1274 = arith.andi %sub3A_1262, %and3A_1273 : vector<16xi32>
    %add3A_1275 = arith.addi %add3A_1271, %and3A_1274 : vector<16xi32>
    %shift_right_logical3A_1276 = arith.constant 6 : i32
    %shift_right_logical3A_1277 = vector.broadcast %shift_right_logical3A_1276 : i32 to vector<16xi32>
    %shift_right_logical3A_1278 = arith.shrui %sub3A_1262, %shift_right_logical3A_1277 : vector<16xi32>
    %and3A_1279 = arith.constant 1 : i32
    %and3A_1280 = vector.broadcast %and3A_1279 : i32 to vector<16xi32>
    %and3A_1281 = arith.andi %shift_right_logical3A_1278, %and3A_1280 : vector<16xi32>
    %ge3A_1282 = arith.constant 999424 : i32
    %ge3A_1283 = vector.broadcast %ge3A_1282 : i32 to vector<16xi32>
    %ge3A_1284 = arith.cmpi sge, %get3A_1243, %ge3A_1283 : vector<16xi32>
    %select_n3A_1285 = arith.select %ge3A_1284, %add3A_1275, %or3A_1253 : vector<16xi1>, vector<16xi32>
    %swap3A_1286 = arith.constant 384 : index
    %swap3A_1287 = tpu.vector_load %arg6[%swap3A_1286] {strides = array<i32>} : memref<512xi32, #tpu.memory_space<vmem>>, vector<16xi32>,
    tpu.vector_store %arg6[%swap3A_1286], %select_n3A_1285 {strides = array<i32>} : memref<512xi32, #tpu.memory_space<vmem>>, vector<16xi32>,
    %select_n3A_1288 = arith.select %ge3A_1284, %and3A_1281, %and3A_1259 : vector<16xi1>, vector<16xi32>
    %mul3A_1289 = arith.constant 64 : i32
    %mul3A_1290 = vector.broadcast %mul3A_1289 : i32 to vector<16xi32>
    %mul3A_1291 = arith.muli %select_n3A_1288, %mul3A_1290 : vector<16xi32>
    %swap3A_1292 = arith.constant 384 : index
    %swap3A_1293 = tpu.vector_load %arg7[%swap3A_1292] {strides = array<i32>} : memref<512xi32, #tpu.memory_space<vmem>>, vector<16xi32>,
    tpu.vector_store %arg7[%swap3A_1292], %mul3A_1291 {strides = array<i32>} : memref<512xi32, #tpu.memory_space<vmem>>, vector<16xi32>,
    %get3A_1294 = arith.constant 400 : index
    %get3A_1295 = tpu.vector_load %arg5[%get3A_1294] {strides = array<i32>} : memref<512xi32, #tpu.memory_space<vmem>>, vector<16xi32>,
    %shift_right_logical3A_1296 = arith.constant 14 : i32
    %shift_right_logical3A_1297 = vector.broadcast %shift_right_logical3A_1296 : i32 to vector<16xi32>
    %shift_right_logical3A_1298 = arith.shrui %get3A_1295, %shift_right_logical3A_1297 : vector<16xi32>
    %shift_left3A_1299 = arith.constant 13 : i32
    %shift_left3A_1300 = vector.broadcast %shift_left3A_1299 : i32 to vector<16xi32>
    %shift_left3A_1301 = arith.shli %shift_right_logical3A_1298, %shift_left3A_1300 : vector<16xi32>
    %and3A_1302 = arith.constant 8191 : i32
    %and3A_1303 = vector.broadcast %and3A_1302 : i32 to vector<16xi32>
    %and3A_1304 = arith.andi %get3A_1295, %and3A_1303 : vector<16xi32>
    %or3A_1305 = arith.ori %shift_left3A_1301, %and3A_1304 : vector<16xi32>
    %shift_right_logical3A_1306 = arith.constant 13 : i32
    %shift_right_logical3A_1307 = vector.broadcast %shift_right_logical3A_1306 : i32 to vector<16xi32>
    %shift_right_logical3A_1308 = arith.shrui %get3A_1295, %shift_right_logical3A_1307 : vector<16xi32>
    %and3A_1309 = arith.constant 1 : i32
    %and3A_1310 = vector.broadcast %and3A_1309 : i32 to vector<16xi32>
    %and3A_1311 = arith.andi %shift_right_logical3A_1308, %and3A_1310 : vector<16xi32>
    %sub3A_1312 = arith.constant 999424 : i32
    %sub3A_1313 = vector.broadcast %sub3A_1312 : i32 to vector<16xi32>
    %sub3A_1314 = arith.subi %get3A_1295, %sub3A_1313 : vector<16xi32>
    %shift_right_logical3A_1315 = arith.constant 7 : i32
    %shift_right_logical3A_1316 = vector.broadcast %shift_right_logical3A_1315 : i32 to vector<16xi32>
    %shift_right_logical3A_1317 = arith.shrui %sub3A_1314, %shift_right_logical3A_1316 : vector<16xi32>
    %shift_left3A_1318 = arith.constant 6 : i32
    %shift_left3A_1319 = vector.broadcast %shift_left3A_1318 : i32 to vector<16xi32>
    %shift_left3A_1320 = arith.shli %shift_right_logical3A_1317, %shift_left3A_1319 : vector<16xi32>
    %add3A_1321 = arith.constant 499712 : i32
    %add3A_1322 = vector.broadcast %add3A_1321 : i32 to vector<16xi32>
    %add3A_1323 = arith.addi %add3A_1322, %shift_left3A_1320 : vector<16xi32>
    %and3A_1324 = arith.constant 63 : i32
    %and3A_1325 = vector.broadcast %and3A_1324 : i32 to vector<16xi32>
    %and3A_1326 = arith.andi %sub3A_1314, %and3A_1325 : vector<16xi32>
    %add3A_1327 = arith.addi %add3A_1323, %and3A_1326 : vector<16xi32>
    %shift_right_logical3A_1328 = arith.constant 6 : i32
    %shift_right_logical3A_1329 = vector.broadcast %shift_right_logical3A_1328 : i32 to vector<16xi32>
    %shift_right_logical3A_1330 = arith.shrui %sub3A_1314, %shift_right_logical3A_1329 : vector<16xi32>
    %and3A_1331 = arith.constant 1 : i32
    %and3A_1332 = vector.broadcast %and3A_1331 : i32 to vector<16xi32>
    %and3A_1333 = arith.andi %shift_right_logical3A_1330, %and3A_1332 : vector<16xi32>
    %ge3A_1334 = arith.constant 999424 : i32
    %ge3A_1335 = vector.broadcast %ge3A_1334 : i32 to vector<16xi32>
    %ge3A_1336 = arith.cmpi sge, %get3A_1295, %ge3A_1335 : vector<16xi32>
    %select_n3A_1337 = arith.select %ge3A_1336, %add3A_1327, %or3A_1305 : vector<16xi1>, vector<16xi32>
    %swap3A_1338 = arith.constant 400 : index
    %swap3A_1339 = tpu.vector_load %arg6[%swap3A_1338] {strides = array<i32>} : memref<512xi32, #tpu.memory_space<vmem>>, vector<16xi32>,
    tpu.vector_store %arg6[%swap3A_1338], %select_n3A_1337 {strides = array<i32>} : memref<512xi32, #tpu.memory_space<vmem>>, vector<16xi32>,
    %select_n3A_1340 = arith.select %ge3A_1336, %and3A_1333, %and3A_1311 : vector<16xi1>, vector<16xi32>
    %mul3A_1341 = arith.constant 64 : i32
    %mul3A_1342 = vector.broadcast %mul3A_1341 : i32 to vector<16xi32>
    %mul3A_1343 = arith.muli %select_n3A_1340, %mul3A_1342 : vector<16xi32>
    %swap3A_1344 = arith.constant 400 : index
    %swap3A_1345 = tpu.vector_load %arg7[%swap3A_1344] {strides = array<i32>} : memref<512xi32, #tpu.memory_space<vmem>>, vector<16xi32>,
    tpu.vector_store %arg7[%swap3A_1344], %mul3A_1343 {strides = array<i32>} : memref<512xi32, #tpu.memory_space<vmem>>, vector<16xi32>,
    %get3A_1346 = arith.constant 416 : index
    %get3A_1347 = tpu.vector_load %arg5[%get3A_1346] {strides = array<i32>} : memref<512xi32, #tpu.memory_space<vmem>>, vector<16xi32>,
    %shift_right_logical3A_1348 = arith.constant 14 : i32
    %shift_right_logical3A_1349 = vector.broadcast %shift_right_logical3A_1348 : i32 to vector<16xi32>
    %shift_right_logical3A_1350 = arith.shrui %get3A_1347, %shift_right_logical3A_1349 : vector<16xi32>
    %shift_left3A_1351 = arith.constant 13 : i32
    %shift_left3A_1352 = vector.broadcast %shift_left3A_1351 : i32 to vector<16xi32>
    %shift_left3A_1353 = arith.shli %shift_right_logical3A_1350, %shift_left3A_1352 : vector<16xi32>
    %and3A_1354 = arith.constant 8191 : i32
    %and3A_1355 = vector.broadcast %and3A_1354 : i32 to vector<16xi32>
    %and3A_1356 = arith.andi %get3A_1347, %and3A_1355 : vector<16xi32>
    %or3A_1357 = arith.ori %shift_left3A_1353, %and3A_1356 : vector<16xi32>
    %shift_right_logical3A_1358 = arith.constant 13 : i32
    %shift_right_logical3A_1359 = vector.broadcast %shift_right_logical3A_1358 : i32 to vector<16xi32>
    %shift_right_logical3A_1360 = arith.shrui %get3A_1347, %shift_right_logical3A_1359 : vector<16xi32>
    %and3A_1361 = arith.constant 1 : i32
    %and3A_1362 = vector.broadcast %and3A_1361 : i32 to vector<16xi32>
    %and3A_1363 = arith.andi %shift_right_logical3A_1360, %and3A_1362 : vector<16xi32>
    %sub3A_1364 = arith.constant 999424 : i32
    %sub3A_1365 = vector.broadcast %sub3A_1364 : i32 to vector<16xi32>
    %sub3A_1366 = arith.subi %get3A_1347, %sub3A_1365 : vector<16xi32>
    %shift_right_logical3A_1367 = arith.constant 7 : i32
    %shift_right_logical3A_1368 = vector.broadcast %shift_right_logical3A_1367 : i32 to vector<16xi32>
    %shift_right_logical3A_1369 = arith.shrui %sub3A_1366, %shift_right_logical3A_1368 : vector<16xi32>
    %shift_left3A_1370 = arith.constant 6 : i32
    %shift_left3A_1371 = vector.broadcast %shift_left3A_1370 : i32 to vector<16xi32>
    %shift_left3A_1372 = arith.shli %shift_right_logical3A_1369, %shift_left3A_1371 : vector<16xi32>
    %add3A_1373 = arith.constant 499712 : i32
    %add3A_1374 = vector.broadcast %add3A_1373 : i32 to vector<16xi32>
    %add3A_1375 = arith.addi %add3A_1374, %shift_left3A_1372 : vector<16xi32>
    %and3A_1376 = arith.constant 63 : i32
    %and3A_1377 = vector.broadcast %and3A_1376 : i32 to vector<16xi32>
    %and3A_1378 = arith.andi %sub3A_1366, %and3A_1377 : vector<16xi32>
    %add3A_1379 = arith.addi %add3A_1375, %and3A_1378 : vector<16xi32>
    %shift_right_logical3A_1380 = arith.constant 6 : i32
    %shift_right_logical3A_1381 = vector.broadcast %shift_right_logical3A_1380 : i32 to vector<16xi32>
    %shift_right_logical3A_1382 = arith.shrui %sub3A_1366, %shift_right_logical3A_1381 : vector<16xi32>
    %and3A_1383 = arith.constant 1 : i32
    %and3A_1384 = vector.broadcast %and3A_1383 : i32 to vector<16xi32>
    %and3A_1385 = arith.andi %shift_right_logical3A_1382, %and3A_1384 : vector<16xi32>
    %ge3A_1386 = arith.constant 999424 : i32
    %ge3A_1387 = vector.broadcast %ge3A_1386 : i32 to vector<16xi32>
    %ge3A_1388 = arith.cmpi sge, %get3A_1347, %ge3A_1387 : vector<16xi32>
    %select_n3A_1389 = arith.select %ge3A_1388, %add3A_1379, %or3A_1357 : vector<16xi1>, vector<16xi32>
    %swap3A_1390 = arith.constant 416 : index
    %swap3A_1391 = tpu.vector_load %arg6[%swap3A_1390] {strides = array<i32>} : memref<512xi32, #tpu.memory_space<vmem>>, vector<16xi32>,
    tpu.vector_store %arg6[%swap3A_1390], %select_n3A_1389 {strides = array<i32>} : memref<512xi32, #tpu.memory_space<vmem>>, vector<16xi32>,
    %select_n3A_1392 = arith.select %ge3A_1388, %and3A_1385, %and3A_1363 : vector<16xi1>, vector<16xi32>
    %mul3A_1393 = arith.constant 64 : i32
    %mul3A_1394 = vector.broadcast %mul3A_1393 : i32 to vector<16xi32>
    %mul3A_1395 = arith.muli %select_n3A_1392, %mul3A_1394 : vector<16xi32>
    %swap3A_1396 = arith.constant 416 : index
    %swap3A_1397 = tpu.vector_load %arg7[%swap3A_1396] {strides = array<i32>} : memref<512xi32, #tpu.memory_space<vmem>>, vector<16xi32>,
    tpu.vector_store %arg7[%swap3A_1396], %mul3A_1395 {strides = array<i32>} : memref<512xi32, #tpu.memory_space<vmem>>, vector<16xi32>,
    %get3A_1398 = arith.constant 432 : index
    %get3A_1399 = tpu.vector_load %arg5[%get3A_1398] {strides = array<i32>} : memref<512xi32, #tpu.memory_space<vmem>>, vector<16xi32>,
    %shift_right_logical3A_1400 = arith.constant 14 : i32
    %shift_right_logical3A_1401 = vector.broadcast %shift_right_logical3A_1400 : i32 to vector<16xi32>
    %shift_right_logical3A_1402 = arith.shrui %get3A_1399, %shift_right_logical3A_1401 : vector<16xi32>
    %shift_left3A_1403 = arith.constant 13 : i32
    %shift_left3A_1404 = vector.broadcast %shift_left3A_1403 : i32 to vector<16xi32>
    %shift_left3A_1405 = arith.shli %shift_right_logical3A_1402, %shift_left3A_1404 : vector<16xi32>
    %and3A_1406 = arith.constant 8191 : i32
    %and3A_1407 = vector.broadcast %and3A_1406 : i32 to vector<16xi32>
    %and3A_1408 = arith.andi %get3A_1399, %and3A_1407 : vector<16xi32>
    %or3A_1409 = arith.ori %shift_left3A_1405, %and3A_1408 : vector<16xi32>
    %shift_right_logical3A_1410 = arith.constant 13 : i32
    %shift_right_logical3A_1411 = vector.broadcast %shift_right_logical3A_1410 : i32 to vector<16xi32>
    %shift_right_logical3A_1412 = arith.shrui %get3A_1399, %shift_right_logical3A_1411 : vector<16xi32>
    %and3A_1413 = arith.constant 1 : i32
    %and3A_1414 = vector.broadcast %and3A_1413 : i32 to vector<16xi32>
    %and3A_1415 = arith.andi %shift_right_logical3A_1412, %and3A_1414 : vector<16xi32>
    %sub3A_1416 = arith.constant 999424 : i32
    %sub3A_1417 = vector.broadcast %sub3A_1416 : i32 to vector<16xi32>
    %sub3A_1418 = arith.subi %get3A_1399, %sub3A_1417 : vector<16xi32>
    %shift_right_logical3A_1419 = arith.constant 7 : i32
    %shift_right_logical3A_1420 = vector.broadcast %shift_right_logical3A_1419 : i32 to vector<16xi32>
    %shift_right_logical3A_1421 = arith.shrui %sub3A_1418, %shift_right_logical3A_1420 : vector<16xi32>
    %shift_left3A_1422 = arith.constant 6 : i32
    %shift_left3A_1423 = vector.broadcast %shift_left3A_1422 : i32 to vector<16xi32>
    %shift_left3A_1424 = arith.shli %shift_right_logical3A_1421, %shift_left3A_1423 : vector<16xi32>
    %add3A_1425 = arith.constant 499712 : i32
    %add3A_1426 = vector.broadcast %add3A_1425 : i32 to vector<16xi32>
    %add3A_1427 = arith.addi %add3A_1426, %shift_left3A_1424 : vector<16xi32>
    %and3A_1428 = arith.constant 63 : i32
    %and3A_1429 = vector.broadcast %and3A_1428 : i32 to vector<16xi32>
    %and3A_1430 = arith.andi %sub3A_1418, %and3A_1429 : vector<16xi32>
    %add3A_1431 = arith.addi %add3A_1427, %and3A_1430 : vector<16xi32>
    %shift_right_logical3A_1432 = arith.constant 6 : i32
    %shift_right_logical3A_1433 = vector.broadcast %shift_right_logical3A_1432 : i32 to vector<16xi32>
    %shift_right_logical3A_1434 = arith.shrui %sub3A_1418, %shift_right_logical3A_1433 : vector<16xi32>
    %and3A_1435 = arith.constant 1 : i32
    %and3A_1436 = vector.broadcast %and3A_1435 : i32 to vector<16xi32>
    %and3A_1437 = arith.andi %shift_right_logical3A_1434, %and3A_1436 : vector<16xi32>
    %ge3A_1438 = arith.constant 999424 : i32
    %ge3A_1439 = vector.broadcast %ge3A_1438 : i32 to vector<16xi32>
    %ge3A_1440 = arith.cmpi sge, %get3A_1399, %ge3A_1439 : vector<16xi32>
    %select_n3A_1441 = arith.select %ge3A_1440, %add3A_1431, %or3A_1409 : vector<16xi1>, vector<16xi32>
    %swap3A_1442 = arith.constant 432 : index
    %swap3A_1443 = tpu.vector_load %arg6[%swap3A_1442] {strides = array<i32>} : memref<512xi32, #tpu.memory_space<vmem>>, vector<16xi32>,
    tpu.vector_store %arg6[%swap3A_1442], %select_n3A_1441 {strides = array<i32>} : memref<512xi32, #tpu.memory_space<vmem>>, vector<16xi32>,
    %select_n3A_1444 = arith.select %ge3A_1440, %and3A_1437, %and3A_1415 : vector<16xi1>, vector<16xi32>
    %mul3A_1445 = arith.constant 64 : i32
    %mul3A_1446 = vector.broadcast %mul3A_1445 : i32 to vector<16xi32>
    %mul3A_1447 = arith.muli %select_n3A_1444, %mul3A_1446 : vector<16xi32>
    %swap3A_1448 = arith.constant 432 : index
    %swap3A_1449 = tpu.vector_load %arg7[%swap3A_1448] {strides = array<i32>} : memref<512xi32, #tpu.memory_space<vmem>>, vector<16xi32>,
    tpu.vector_store %arg7[%swap3A_1448], %mul3A_1447 {strides = array<i32>} : memref<512xi32, #tpu.memory_space<vmem>>, vector<16xi32>,
    %get3A_1450 = arith.constant 448 : index
    %get3A_1451 = tpu.vector_load %arg5[%get3A_1450] {strides = array<i32>} : memref<512xi32, #tpu.memory_space<vmem>>, vector<16xi32>,
    %shift_right_logical3A_1452 = arith.constant 14 : i32
    %shift_right_logical3A_1453 = vector.broadcast %shift_right_logical3A_1452 : i32 to vector<16xi32>
    %shift_right_logical3A_1454 = arith.shrui %get3A_1451, %shift_right_logical3A_1453 : vector<16xi32>
    %shift_left3A_1455 = arith.constant 13 : i32
    %shift_left3A_1456 = vector.broadcast %shift_left3A_1455 : i32 to vector<16xi32>
    %shift_left3A_1457 = arith.shli %shift_right_logical3A_1454, %shift_left3A_1456 : vector<16xi32>
    %and3A_1458 = arith.constant 8191 : i32
    %and3A_1459 = vector.broadcast %and3A_1458 : i32 to vector<16xi32>
    %and3A_1460 = arith.andi %get3A_1451, %and3A_1459 : vector<16xi32>
    %or3A_1461 = arith.ori %shift_left3A_1457, %and3A_1460 : vector<16xi32>
    %shift_right_logical3A_1462 = arith.constant 13 : i32
    %shift_right_logical3A_1463 = vector.broadcast %shift_right_logical3A_1462 : i32 to vector<16xi32>
    %shift_right_logical3A_1464 = arith.shrui %get3A_1451, %shift_right_logical3A_1463 : vector<16xi32>
    %and3A_1465 = arith.constant 1 : i32
    %and3A_1466 = vector.broadcast %and3A_1465 : i32 to vector<16xi32>
    %and3A_1467 = arith.andi %shift_right_logical3A_1464, %and3A_1466 : vector<16xi32>
    %sub3A_1468 = arith.constant 999424 : i32
    %sub3A_1469 = vector.broadcast %sub3A_1468 : i32 to vector<16xi32>
    %sub3A_1470 = arith.subi %get3A_1451, %sub3A_1469 : vector<16xi32>
    %shift_right_logical3A_1471 = arith.constant 7 : i32
    %shift_right_logical3A_1472 = vector.broadcast %shift_right_logical3A_1471 : i32 to vector<16xi32>
    %shift_right_logical3A_1473 = arith.shrui %sub3A_1470, %shift_right_logical3A_1472 : vector<16xi32>
    %shift_left3A_1474 = arith.constant 6 : i32
    %shift_left3A_1475 = vector.broadcast %shift_left3A_1474 : i32 to vector<16xi32>
    %shift_left3A_1476 = arith.shli %shift_right_logical3A_1473, %shift_left3A_1475 : vector<16xi32>
    %add3A_1477 = arith.constant 499712 : i32
    %add3A_1478 = vector.broadcast %add3A_1477 : i32 to vector<16xi32>
    %add3A_1479 = arith.addi %add3A_1478, %shift_left3A_1476 : vector<16xi32>
    %and3A_1480 = arith.constant 63 : i32
    %and3A_1481 = vector.broadcast %and3A_1480 : i32 to vector<16xi32>
    %and3A_1482 = arith.andi %sub3A_1470, %and3A_1481 : vector<16xi32>
    %add3A_1483 = arith.addi %add3A_1479, %and3A_1482 : vector<16xi32>
    %shift_right_logical3A_1484 = arith.constant 6 : i32
    %shift_right_logical3A_1485 = vector.broadcast %shift_right_logical3A_1484 : i32 to vector<16xi32>
    %shift_right_logical3A_1486 = arith.shrui %sub3A_1470, %shift_right_logical3A_1485 : vector<16xi32>
    %and3A_1487 = arith.constant 1 : i32
    %and3A_1488 = vector.broadcast %and3A_1487 : i32 to vector<16xi32>
    %and3A_1489 = arith.andi %shift_right_logical3A_1486, %and3A_1488 : vector<16xi32>
    %ge3A_1490 = arith.constant 999424 : i32
    %ge3A_1491 = vector.broadcast %ge3A_1490 : i32 to vector<16xi32>
    %ge3A_1492 = arith.cmpi sge, %get3A_1451, %ge3A_1491 : vector<16xi32>
    %select_n3A_1493 = arith.select %ge3A_1492, %add3A_1483, %or3A_1461 : vector<16xi1>, vector<16xi32>
    %swap3A_1494 = arith.constant 448 : index
    %swap3A_1495 = tpu.vector_load %arg6[%swap3A_1494] {strides = array<i32>} : memref<512xi32, #tpu.memory_space<vmem>>, vector<16xi32>,
    tpu.vector_store %arg6[%swap3A_1494], %select_n3A_1493 {strides = array<i32>} : memref<512xi32, #tpu.memory_space<vmem>>, vector<16xi32>,
    %select_n3A_1496 = arith.select %ge3A_1492, %and3A_1489, %and3A_1467 : vector<16xi1>, vector<16xi32>
    %mul3A_1497 = arith.constant 64 : i32
    %mul3A_1498 = vector.broadcast %mul3A_1497 : i32 to vector<16xi32>
    %mul3A_1499 = arith.muli %select_n3A_1496, %mul3A_1498 : vector<16xi32>
    %swap3A_1500 = arith.constant 448 : index
    %swap3A_1501 = tpu.vector_load %arg7[%swap3A_1500] {strides = array<i32>} : memref<512xi32, #tpu.memory_space<vmem>>, vector<16xi32>,
    tpu.vector_store %arg7[%swap3A_1500], %mul3A_1499 {strides = array<i32>} : memref<512xi32, #tpu.memory_space<vmem>>, vector<16xi32>,
    %get3A_1502 = arith.constant 464 : index
    %get3A_1503 = tpu.vector_load %arg5[%get3A_1502] {strides = array<i32>} : memref<512xi32, #tpu.memory_space<vmem>>, vector<16xi32>,
    %shift_right_logical3A_1504 = arith.constant 14 : i32
    %shift_right_logical3A_1505 = vector.broadcast %shift_right_logical3A_1504 : i32 to vector<16xi32>
    %shift_right_logical3A_1506 = arith.shrui %get3A_1503, %shift_right_logical3A_1505 : vector<16xi32>
    %shift_left3A_1507 = arith.constant 13 : i32
    %shift_left3A_1508 = vector.broadcast %shift_left3A_1507 : i32 to vector<16xi32>
    %shift_left3A_1509 = arith.shli %shift_right_logical3A_1506, %shift_left3A_1508 : vector<16xi32>
    %and3A_1510 = arith.constant 8191 : i32
    %and3A_1511 = vector.broadcast %and3A_1510 : i32 to vector<16xi32>
    %and3A_1512 = arith.andi %get3A_1503, %and3A_1511 : vector<16xi32>
    %or3A_1513 = arith.ori %shift_left3A_1509, %and3A_1512 : vector<16xi32>
    %shift_right_logical3A_1514 = arith.constant 13 : i32
    %shift_right_logical3A_1515 = vector.broadcast %shift_right_logical3A_1514 : i32 to vector<16xi32>
    %shift_right_logical3A_1516 = arith.shrui %get3A_1503, %shift_right_logical3A_1515 : vector<16xi32>
    %and3A_1517 = arith.constant 1 : i32
    %and3A_1518 = vector.broadcast %and3A_1517 : i32 to vector<16xi32>
    %and3A_1519 = arith.andi %shift_right_logical3A_1516, %and3A_1518 : vector<16xi32>
    %sub3A_1520 = arith.constant 999424 : i32
    %sub3A_1521 = vector.broadcast %sub3A_1520 : i32 to vector<16xi32>
    %sub3A_1522 = arith.subi %get3A_1503, %sub3A_1521 : vector<16xi32>
    %shift_right_logical3A_1523 = arith.constant 7 : i32
    %shift_right_logical3A_1524 = vector.broadcast %shift_right_logical3A_1523 : i32 to vector<16xi32>
    %shift_right_logical3A_1525 = arith.shrui %sub3A_1522, %shift_right_logical3A_1524 : vector<16xi32>
    %shift_left3A_1526 = arith.constant 6 : i32
    %shift_left3A_1527 = vector.broadcast %shift_left3A_1526 : i32 to vector<16xi32>
    %shift_left3A_1528 = arith.shli %shift_right_logical3A_1525, %shift_left3A_1527 : vector<16xi32>
    %add3A_1529 = arith.constant 499712 : i32
    %add3A_1530 = vector.broadcast %add3A_1529 : i32 to vector<16xi32>
    %add3A_1531 = arith.addi %add3A_1530, %shift_left3A_1528 : vector<16xi32>
    %and3A_1532 = arith.constant 63 : i32
    %and3A_1533 = vector.broadcast %and3A_1532 : i32 to vector<16xi32>
    %and3A_1534 = arith.andi %sub3A_1522, %and3A_1533 : vector<16xi32>
    %add3A_1535 = arith.addi %add3A_1531, %and3A_1534 : vector<16xi32>
    %shift_right_logical3A_1536 = arith.constant 6 : i32
    %shift_right_logical3A_1537 = vector.broadcast %shift_right_logical3A_1536 : i32 to vector<16xi32>
    %shift_right_logical3A_1538 = arith.shrui %sub3A_1522, %shift_right_logical3A_1537 : vector<16xi32>
    %and3A_1539 = arith.constant 1 : i32
    %and3A_1540 = vector.broadcast %and3A_1539 : i32 to vector<16xi32>
    %and3A_1541 = arith.andi %shift_right_logical3A_1538, %and3A_1540 : vector<16xi32>
    %ge3A_1542 = arith.constant 999424 : i32
    %ge3A_1543 = vector.broadcast %ge3A_1542 : i32 to vector<16xi32>
    %ge3A_1544 = arith.cmpi sge, %get3A_1503, %ge3A_1543 : vector<16xi32>
    %select_n3A_1545 = arith.select %ge3A_1544, %add3A_1535, %or3A_1513 : vector<16xi1>, vector<16xi32>
    %swap3A_1546 = arith.constant 464 : index
    %swap3A_1547 = tpu.vector_load %arg6[%swap3A_1546] {strides = array<i32>} : memref<512xi32, #tpu.memory_space<vmem>>, vector<16xi32>,
    tpu.vector_store %arg6[%swap3A_1546], %select_n3A_1545 {strides = array<i32>} : memref<512xi32, #tpu.memory_space<vmem>>, vector<16xi32>,
    %select_n3A_1548 = arith.select %ge3A_1544, %and3A_1541, %and3A_1519 : vector<16xi1>, vector<16xi32>
    %mul3A_1549 = arith.constant 64 : i32
    %mul3A_1550 = vector.broadcast %mul3A_1549 : i32 to vector<16xi32>
    %mul3A_1551 = arith.muli %select_n3A_1548, %mul3A_1550 : vector<16xi32>
    %swap3A_1552 = arith.constant 464 : index
    %swap3A_1553 = tpu.vector_load %arg7[%swap3A_1552] {strides = array<i32>} : memref<512xi32, #tpu.memory_space<vmem>>, vector<16xi32>,
    tpu.vector_store %arg7[%swap3A_1552], %mul3A_1551 {strides = array<i32>} : memref<512xi32, #tpu.memory_space<vmem>>, vector<16xi32>,
    %get3A_1554 = arith.constant 480 : index
    %get3A_1555 = tpu.vector_load %arg5[%get3A_1554] {strides = array<i32>} : memref<512xi32, #tpu.memory_space<vmem>>, vector<16xi32>,
    %shift_right_logical3A_1556 = arith.constant 14 : i32
    %shift_right_logical3A_1557 = vector.broadcast %shift_right_logical3A_1556 : i32 to vector<16xi32>
    %shift_right_logical3A_1558 = arith.shrui %get3A_1555, %shift_right_logical3A_1557 : vector<16xi32>
    %shift_left3A_1559 = arith.constant 13 : i32
    %shift_left3A_1560 = vector.broadcast %shift_left3A_1559 : i32 to vector<16xi32>
    %shift_left3A_1561 = arith.shli %shift_right_logical3A_1558, %shift_left3A_1560 : vector<16xi32>
    %and3A_1562 = arith.constant 8191 : i32
    %and3A_1563 = vector.broadcast %and3A_1562 : i32 to vector<16xi32>
    %and3A_1564 = arith.andi %get3A_1555, %and3A_1563 : vector<16xi32>
    %or3A_1565 = arith.ori %shift_left3A_1561, %and3A_1564 : vector<16xi32>
    %shift_right_logical3A_1566 = arith.constant 13 : i32
    %shift_right_logical3A_1567 = vector.broadcast %shift_right_logical3A_1566 : i32 to vector<16xi32>
    %shift_right_logical3A_1568 = arith.shrui %get3A_1555, %shift_right_logical3A_1567 : vector<16xi32>
    %and3A_1569 = arith.constant 1 : i32
    %and3A_1570 = vector.broadcast %and3A_1569 : i32 to vector<16xi32>
    %and3A_1571 = arith.andi %shift_right_logical3A_1568, %and3A_1570 : vector<16xi32>
    %sub3A_1572 = arith.constant 999424 : i32
    %sub3A_1573 = vector.broadcast %sub3A_1572 : i32 to vector<16xi32>
    %sub3A_1574 = arith.subi %get3A_1555, %sub3A_1573 : vector<16xi32>
    %shift_right_logical3A_1575 = arith.constant 7 : i32
    %shift_right_logical3A_1576 = vector.broadcast %shift_right_logical3A_1575 : i32 to vector<16xi32>
    %shift_right_logical3A_1577 = arith.shrui %sub3A_1574, %shift_right_logical3A_1576 : vector<16xi32>
    %shift_left3A_1578 = arith.constant 6 : i32
    %shift_left3A_1579 = vector.broadcast %shift_left3A_1578 : i32 to vector<16xi32>
    %shift_left3A_1580 = arith.shli %shift_right_logical3A_1577, %shift_left3A_1579 : vector<16xi32>
    %add3A_1581 = arith.constant 499712 : i32
    %add3A_1582 = vector.broadcast %add3A_1581 : i32 to vector<16xi32>
    %add3A_1583 = arith.addi %add3A_1582, %shift_left3A_1580 : vector<16xi32>
    %and3A_1584 = arith.constant 63 : i32
    %and3A_1585 = vector.broadcast %and3A_1584 : i32 to vector<16xi32>
    %and3A_1586 = arith.andi %sub3A_1574, %and3A_1585 : vector<16xi32>
    %add3A_1587 = arith.addi %add3A_1583, %and3A_1586 : vector<16xi32>
    %shift_right_logical3A_1588 = arith.constant 6 : i32
    %shift_right_logical3A_1589 = vector.broadcast %shift_right_logical3A_1588 : i32 to vector<16xi32>
    %shift_right_logical3A_1590 = arith.shrui %sub3A_1574, %shift_right_logical3A_1589 : vector<16xi32>
    %and3A_1591 = arith.constant 1 : i32
    %and3A_1592 = vector.broadcast %and3A_1591 : i32 to vector<16xi32>
    %and3A_1593 = arith.andi %shift_right_logical3A_1590, %and3A_1592 : vector<16xi32>
    %ge3A_1594 = arith.constant 999424 : i32
    %ge3A_1595 = vector.broadcast %ge3A_1594 : i32 to vector<16xi32>
    %ge3A_1596 = arith.cmpi sge, %get3A_1555, %ge3A_1595 : vector<16xi32>
    %select_n3A_1597 = arith.select %ge3A_1596, %add3A_1587, %or3A_1565 : vector<16xi1>, vector<16xi32>
    %swap3A_1598 = arith.constant 480 : index
    %swap3A_1599 = tpu.vector_load %arg6[%swap3A_1598] {strides = array<i32>} : memref<512xi32, #tpu.memory_space<vmem>>, vector<16xi32>,
    tpu.vector_store %arg6[%swap3A_1598], %select_n3A_1597 {strides = array<i32>} : memref<512xi32, #tpu.memory_space<vmem>>, vector<16xi32>,
    %select_n3A_1600 = arith.select %ge3A_1596, %and3A_1593, %and3A_1571 : vector<16xi1>, vector<16xi32>
    %mul3A_1601 = arith.constant 64 : i32
    %mul3A_1602 = vector.broadcast %mul3A_1601 : i32 to vector<16xi32>
    %mul3A_1603 = arith.muli %select_n3A_1600, %mul3A_1602 : vector<16xi32>
    %swap3A_1604 = arith.constant 480 : index
    %swap3A_1605 = tpu.vector_load %arg7[%swap3A_1604] {strides = array<i32>} : memref<512xi32, #tpu.memory_space<vmem>>, vector<16xi32>,
    tpu.vector_store %arg7[%swap3A_1604], %mul3A_1603 {strides = array<i32>} : memref<512xi32, #tpu.memory_space<vmem>>, vector<16xi32>,
    %get3A_1606 = arith.constant 496 : index
    %get3A_1607 = tpu.vector_load %arg5[%get3A_1606] {strides = array<i32>} : memref<512xi32, #tpu.memory_space<vmem>>, vector<16xi32>,
    %shift_right_logical3A_1608 = arith.constant 14 : i32
    %shift_right_logical3A_1609 = vector.broadcast %shift_right_logical3A_1608 : i32 to vector<16xi32>
    %shift_right_logical3A_1610 = arith.shrui %get3A_1607, %shift_right_logical3A_1609 : vector<16xi32>
    %shift_left3A_1611 = arith.constant 13 : i32
    %shift_left3A_1612 = vector.broadcast %shift_left3A_1611 : i32 to vector<16xi32>
    %shift_left3A_1613 = arith.shli %shift_right_logical3A_1610, %shift_left3A_1612 : vector<16xi32>
    %and3A_1614 = arith.constant 8191 : i32
    %and3A_1615 = vector.broadcast %and3A_1614 : i32 to vector<16xi32>
    %and3A_1616 = arith.andi %get3A_1607, %and3A_1615 : vector<16xi32>
    %or3A_1617 = arith.ori %shift_left3A_1613, %and3A_1616 : vector<16xi32>
    %shift_right_logical3A_1618 = arith.constant 13 : i32
    %shift_right_logical3A_1619 = vector.broadcast %shift_right_logical3A_1618 : i32 to vector<16xi32>
    %shift_right_logical3A_1620 = arith.shrui %get3A_1607, %shift_right_logical3A_1619 : vector<16xi32>
    %and3A_1621 = arith.constant 1 : i32
    %and3A_1622 = vector.broadcast %and3A_1621 : i32 to vector<16xi32>
    %and3A_1623 = arith.andi %shift_right_logical3A_1620, %and3A_1622 : vector<16xi32>
    %sub3A_1624 = arith.constant 999424 : i32
    %sub3A_1625 = vector.broadcast %sub3A_1624 : i32 to vector<16xi32>
    %sub3A_1626 = arith.subi %get3A_1607, %sub3A_1625 : vector<16xi32>
    %shift_right_logical3A_1627 = arith.constant 7 : i32
    %shift_right_logical3A_1628 = vector.broadcast %shift_right_logical3A_1627 : i32 to vector<16xi32>
    %shift_right_logical3A_1629 = arith.shrui %sub3A_1626, %shift_right_logical3A_1628 : vector<16xi32>
    %shift_left3A_1630 = arith.constant 6 : i32
    %shift_left3A_1631 = vector.broadcast %shift_left3A_1630 : i32 to vector<16xi32>
    %shift_left3A_1632 = arith.shli %shift_right_logical3A_1629, %shift_left3A_1631 : vector<16xi32>
    %add3A_1633 = arith.constant 499712 : i32
    %add3A_1634 = vector.broadcast %add3A_1633 : i32 to vector<16xi32>
    %add3A_1635 = arith.addi %add3A_1634, %shift_left3A_1632 : vector<16xi32>
    %and3A_1636 = arith.constant 63 : i32
    %and3A_1637 = vector.broadcast %and3A_1636 : i32 to vector<16xi32>
    %and3A_1638 = arith.andi %sub3A_1626, %and3A_1637 : vector<16xi32>
    %add3A_1639 = arith.addi %add3A_1635, %and3A_1638 : vector<16xi32>
    %shift_right_logical3A_1640 = arith.constant 6 : i32
    %shift_right_logical3A_1641 = vector.broadcast %shift_right_logical3A_1640 : i32 to vector<16xi32>
    %shift_right_logical3A_1642 = arith.shrui %sub3A_1626, %shift_right_logical3A_1641 : vector<16xi32>
    %and3A_1643 = arith.constant 1 : i32
    %and3A_1644 = vector.broadcast %and3A_1643 : i32 to vector<16xi32>
    %and3A_1645 = arith.andi %shift_right_logical3A_1642, %and3A_1644 : vector<16xi32>
    %ge3A_1646 = arith.constant 999424 : i32
    %ge3A_1647 = vector.broadcast %ge3A_1646 : i32 to vector<16xi32>
    %ge3A_1648 = arith.cmpi sge, %get3A_1607, %ge3A_1647 : vector<16xi32>
    %select_n3A_1649 = arith.select %ge3A_1648, %add3A_1639, %or3A_1617 : vector<16xi1>, vector<16xi32>
    %swap3A_1650 = arith.constant 496 : index
    %swap3A_1651 = tpu.vector_load %arg6[%swap3A_1650] {strides = array<i32>} : memref<512xi32, #tpu.memory_space<vmem>>, vector<16xi32>,
    tpu.vector_store %arg6[%swap3A_1650], %select_n3A_1649 {strides = array<i32>} : memref<512xi32, #tpu.memory_space<vmem>>, vector<16xi32>,
    %select_n3A_1652 = arith.select %ge3A_1648, %and3A_1645, %and3A_1623 : vector<16xi1>, vector<16xi32>
    %mul3A_1653 = arith.constant 64 : i32
    %mul3A_1654 = vector.broadcast %mul3A_1653 : i32 to vector<16xi32>
    %mul3A_1655 = arith.muli %select_n3A_1652, %mul3A_1654 : vector<16xi32>
    %swap3A_1656 = arith.constant 496 : index
    %swap3A_1657 = tpu.vector_load %arg7[%swap3A_1656] {strides = array<i32>} : memref<512xi32, #tpu.memory_space<vmem>>, vector<16xi32>,
    tpu.vector_store %arg7[%swap3A_1656], %mul3A_1655 {strides = array<i32>} : memref<512xi32, #tpu.memory_space<vmem>>, vector<16xi32>,
    %dma_start3A = arith.constant 0 : i32
    %dma_start3A_1658 = arith.constant 0 : i32
    %dma_start3A_1659 = tpu.memref_slice %arg6[%dma_start3A_1658] : memref<512xi32, #tpu.memory_space<vmem>> -> memref<128xi32, #tpu.memory_space<vmem>>
    %dma_start3A_1660 = arith.constant 0 : i32
    %dma_start3A_1661 = arith.constant 0 : i32
    %dma_start3A_1662 = tpu.memref_slice %arg3[%dma_start3A_1660, %dma_start3A_1661] : memref<500032x128xf32, #tpu.memory_space<hbm>> -> memref<500032x128xf32, #tpu.memory_space<hbm>>
    %dma_start3A_1663 = tpu.memref_slice %arg12[%dma_start3A] : memref<4x!tpu.dma_semaphore, #tpu.memory_space<semaphore_mem>> -> memref<1x!tpu.dma_semaphore, #tpu.memory_space<semaphore_mem>>
    %dma_start3A_1664 = tpu.memref_squeeze %dma_start3A_1663 : memref<1x!tpu.dma_semaphore, #tpu.memory_space<semaphore_mem>> -> memref<!tpu.dma_semaphore, #tpu.memory_space<semaphore_mem>>
    tpu.enqueue_indirect_dma source(%dma_start3A_1662 : memref<500032x128xf32, #tpu.memory_space<hbm>>) target(%arg8 : memref<128x128xf32, #tpu.memory_space<vmem>>) offsets(%dma_start3A_1659 : memref<128xi32, #tpu.memory_space<vmem>>) semaphore(%dma_start3A_1664 : memref<!tpu.dma_semaphore, #tpu.memory_space<semaphore_mem>>)
    %dma_start3A_1665 = arith.constant 1 : i32
    %dma_start3A_1666 = arith.constant 128 : i32
    %dma_start3A_1667 = tpu.memref_slice %arg6[%dma_start3A_1666] : memref<512xi32, #tpu.memory_space<vmem>> -> memref<128xi32, #tpu.memory_space<vmem>>
    %dma_start3A_1668 = arith.constant 0 : i32
    %dma_start3A_1669 = arith.constant 0 : i32
    %dma_start3A_1670 = tpu.memref_slice %arg3[%dma_start3A_1668, %dma_start3A_1669] : memref<500032x128xf32, #tpu.memory_space<hbm>> -> memref<500032x128xf32, #tpu.memory_space<hbm>>
    %dma_start3A_1671 = tpu.memref_slice %arg12[%dma_start3A_1665] : memref<4x!tpu.dma_semaphore, #tpu.memory_space<semaphore_mem>> -> memref<1x!tpu.dma_semaphore, #tpu.memory_space<semaphore_mem>>
    %dma_start3A_1672 = tpu.memref_squeeze %dma_start3A_1671 : memref<1x!tpu.dma_semaphore, #tpu.memory_space<semaphore_mem>> -> memref<!tpu.dma_semaphore, #tpu.memory_space<semaphore_mem>>
    tpu.enqueue_indirect_dma source(%dma_start3A_1670 : memref<500032x128xf32, #tpu.memory_space<hbm>>) target(%arg9 : memref<128x128xf32, #tpu.memory_space<vmem>>) offsets(%dma_start3A_1667 : memref<128xi32, #tpu.memory_space<vmem>>) semaphore(%dma_start3A_1672 : memref<!tpu.dma_semaphore, #tpu.memory_space<semaphore_mem>>)
    %dma_wait3A = arith.constant 0 : i32
    %dma_wait3A_1673 = arith.constant 0 : i32
    %dma_wait3A_1674 = tpu.memref_slice %arg6[%dma_wait3A_1673] : memref<512xi32, #tpu.memory_space<vmem>> -> memref<128xi32, #tpu.memory_space<vmem>>
    %dma_wait3A_1675 = arith.constant 0 : i32
    %dma_wait3A_1676 = arith.constant 0 : i32
    %dma_wait3A_1677 = tpu.memref_slice %arg3[%dma_wait3A_1675, %dma_wait3A_1676] : memref<500032x128xf32, #tpu.memory_space<hbm>> -> memref<500032x128xf32, #tpu.memory_space<hbm>>
    %dma_wait3A_1678 = tpu.memref_slice %arg12[%dma_wait3A] : memref<4x!tpu.dma_semaphore, #tpu.memory_space<semaphore_mem>> -> memref<1x!tpu.dma_semaphore, #tpu.memory_space<semaphore_mem>>
    %dma_wait3A_1679 = tpu.memref_squeeze %dma_wait3A_1678 : memref<1x!tpu.dma_semaphore, #tpu.memory_space<semaphore_mem>> -> memref<!tpu.dma_semaphore, #tpu.memory_space<semaphore_mem>>
    tpu.wait_indirect_dma semaphore(%dma_wait3A_1679 : memref<!tpu.dma_semaphore, #tpu.memory_space<semaphore_mem>>) src(%dma_wait3A_1677 : memref<500032x128xf32, #tpu.memory_space<hbm>>) dst(%arg8 : memref<128x128xf32, #tpu.memory_space<vmem>>)
    %get3A_1680 = arith.constant 0 : index
    %get3A_1681 = tpu.vector_load %arg7[%get3A_1680] {strides = array<i32>} : memref<512xi32, #tpu.memory_space<vmem>>, vector<16xi32>,
    %get3A_1682 = arith.constant 16 : index
    %get3A_1683 = tpu.vector_load %arg7[%get3A_1682] {strides = array<i32>} : memref<512xi32, #tpu.memory_space<vmem>>, vector<16xi32>,
    %get3A_1684 = arith.constant 32 : index
    %get3A_1685 = tpu.vector_load %arg7[%get3A_1684] {strides = array<i32>} : memref<512xi32, #tpu.memory_space<vmem>>, vector<16xi32>,
    %get3A_1686 = arith.constant 48 : index
    %get3A_1687 = tpu.vector_load %arg7[%get3A_1686] {strides = array<i32>} : memref<512xi32, #tpu.memory_space<vmem>>, vector<16xi32>,
    %get3A_1688 = arith.constant 64 : index
    %get3A_1689 = tpu.vector_load %arg7[%get3A_1688] {strides = array<i32>} : memref<512xi32, #tpu.memory_space<vmem>>, vector<16xi32>,
    %get3A_1690 = arith.constant 80 : index
    %get3A_1691 = tpu.vector_load %arg7[%get3A_1690] {strides = array<i32>} : memref<512xi32, #tpu.memory_space<vmem>>, vector<16xi32>,
    %get3A_1692 = arith.constant 96 : index
    %get3A_1693 = tpu.vector_load %arg7[%get3A_1692] {strides = array<i32>} : memref<512xi32, #tpu.memory_space<vmem>>, vector<16xi32>,
    %get3A_1694 = arith.constant 112 : index
    %get3A_1695 = tpu.vector_load %arg7[%get3A_1694] {strides = array<i32>} : memref<512xi32, #tpu.memory_space<vmem>>, vector<16xi32>,
    %scan3A = arith.constant 0 : i32
    %scan3A_1696 = arith.constant 0 : i32
    %scan3A_1697 = arith.constant 64 : i32
    %scan3A_1698 = arith.addi %scan3A_1696, %scan3A_1697 : i32
    %scan3A_1699 = arith.constant 1 : i32
    scf.for %scan3A_1847 = %scan3A_1696 to %scan3A_1698 step %scan3A_1699  : i32 {
      %broadcast_in_dim3A = arith.constant 0 : i32
      %broadcast_in_dim3A_1848 = vector.broadcast %broadcast_in_dim3A : i32 to vector<16xi32>
      %add3A_1849 = vector.broadcast %scan3A_1847 : i32 to vector<16xi32>
      %add3A_1850 = arith.addi %broadcast_in_dim3A_1848, %add3A_1849 : vector<16xi32>
      %iota3A = tpu.iota {dimensions = array<i32: 0>} : vector<16xi32>
      %add3A_1851 = arith.constant 0 : i32
      %add3A_1852 = vector.broadcast %add3A_1851 : i32 to vector<16xi32>
      %add3A_1853 = arith.addi %iota3A, %add3A_1852 : vector<16xi32>
      %add3A_1854 = arith.addi %get3A_1681, %add3A_1850 : vector<16xi32>
      %gather3A = tpu.vector_load_idx %arg8[%add3A_1853, %add3A_1854] : memref<128x128xf32, #tpu.memory_space<vmem>>[vector<16xi32>, vector<16xi32>], vector<16xf32>,
      tpu.vector_store_idx %arg10[%add3A_1853, %add3A_1850], %gather3A : memref<128x64xf32, #tpu.memory_space<vmem>>[vector<16xi32>, vector<16xi32>], vector<16xf32>,
      %iota3A_1855 = tpu.iota {dimensions = array<i32: 0>} : vector<16xi32>
      %add3A_1856 = arith.constant 16 : i32
      %add3A_1857 = vector.broadcast %add3A_1856 : i32 to vector<16xi32>
      %add3A_1858 = arith.addi %iota3A_1855, %add3A_1857 : vector<16xi32>
      %add3A_1859 = arith.addi %get3A_1683, %add3A_1850 : vector<16xi32>
      %gather3A_1860 = tpu.vector_load_idx %arg8[%add3A_1858, %add3A_1859] : memref<128x128xf32, #tpu.memory_space<vmem>>[vector<16xi32>, vector<16xi32>], vector<16xf32>,
      tpu.vector_store_idx %arg10[%add3A_1858, %add3A_1850], %gather3A_1860 : memref<128x64xf32, #tpu.memory_space<vmem>>[vector<16xi32>, vector<16xi32>], vector<16xf32>,
      %iota3A_1861 = tpu.iota {dimensions = array<i32: 0>} : vector<16xi32>
      %add3A_1862 = arith.constant 32 : i32
      %add3A_1863 = vector.broadcast %add3A_1862 : i32 to vector<16xi32>
      %add3A_1864 = arith.addi %iota3A_1861, %add3A_1863 : vector<16xi32>
      %add3A_1865 = arith.addi %get3A_1685, %add3A_1850 : vector<16xi32>
      %gather3A_1866 = tpu.vector_load_idx %arg8[%add3A_1864, %add3A_1865] : memref<128x128xf32, #tpu.memory_space<vmem>>[vector<16xi32>, vector<16xi32>], vector<16xf32>,
      tpu.vector_store_idx %arg10[%add3A_1864, %add3A_1850], %gather3A_1866 : memref<128x64xf32, #tpu.memory_space<vmem>>[vector<16xi32>, vector<16xi32>], vector<16xf32>,
      %iota3A_1867 = tpu.iota {dimensions = array<i32: 0>} : vector<16xi32>
      %add3A_1868 = arith.constant 48 : i32
      %add3A_1869 = vector.broadcast %add3A_1868 : i32 to vector<16xi32>
      %add3A_1870 = arith.addi %iota3A_1867, %add3A_1869 : vector<16xi32>
      %add3A_1871 = arith.addi %get3A_1687, %add3A_1850 : vector<16xi32>
      %gather3A_1872 = tpu.vector_load_idx %arg8[%add3A_1870, %add3A_1871] : memref<128x128xf32, #tpu.memory_space<vmem>>[vector<16xi32>, vector<16xi32>], vector<16xf32>,
      tpu.vector_store_idx %arg10[%add3A_1870, %add3A_1850], %gather3A_1872 : memref<128x64xf32, #tpu.memory_space<vmem>>[vector<16xi32>, vector<16xi32>], vector<16xf32>,
      %iota3A_1873 = tpu.iota {dimensions = array<i32: 0>} : vector<16xi32>
      %add3A_1874 = arith.constant 64 : i32
      %add3A_1875 = vector.broadcast %add3A_1874 : i32 to vector<16xi32>
      %add3A_1876 = arith.addi %iota3A_1873, %add3A_1875 : vector<16xi32>
      %add3A_1877 = arith.addi %get3A_1689, %add3A_1850 : vector<16xi32>
      %gather3A_1878 = tpu.vector_load_idx %arg8[%add3A_1876, %add3A_1877] : memref<128x128xf32, #tpu.memory_space<vmem>>[vector<16xi32>, vector<16xi32>], vector<16xf32>,
      tpu.vector_store_idx %arg10[%add3A_1876, %add3A_1850], %gather3A_1878 : memref<128x64xf32, #tpu.memory_space<vmem>>[vector<16xi32>, vector<16xi32>], vector<16xf32>,
      %iota3A_1879 = tpu.iota {dimensions = array<i32: 0>} : vector<16xi32>
      %add3A_1880 = arith.constant 80 : i32
      %add3A_1881 = vector.broadcast %add3A_1880 : i32 to vector<16xi32>
      %add3A_1882 = arith.addi %iota3A_1879, %add3A_1881 : vector<16xi32>
      %add3A_1883 = arith.addi %get3A_1691, %add3A_1850 : vector<16xi32>
      %gather3A_1884 = tpu.vector_load_idx %arg8[%add3A_1882, %add3A_1883] : memref<128x128xf32, #tpu.memory_space<vmem>>[vector<16xi32>, vector<16xi32>], vector<16xf32>,
      tpu.vector_store_idx %arg10[%add3A_1882, %add3A_1850], %gather3A_1884 : memref<128x64xf32, #tpu.memory_space<vmem>>[vector<16xi32>, vector<16xi32>], vector<16xf32>,
      %iota3A_1885 = tpu.iota {dimensions = array<i32: 0>} : vector<16xi32>
      %add3A_1886 = arith.constant 96 : i32
      %add3A_1887 = vector.broadcast %add3A_1886 : i32 to vector<16xi32>
      %add3A_1888 = arith.addi %iota3A_1885, %add3A_1887 : vector<16xi32>
      %add3A_1889 = arith.addi %get3A_1693, %add3A_1850 : vector<16xi32>
      %gather3A_1890 = tpu.vector_load_idx %arg8[%add3A_1888, %add3A_1889] : memref<128x128xf32, #tpu.memory_space<vmem>>[vector<16xi32>, vector<16xi32>], vector<16xf32>,
      tpu.vector_store_idx %arg10[%add3A_1888, %add3A_1850], %gather3A_1890 : memref<128x64xf32, #tpu.memory_space<vmem>>[vector<16xi32>, vector<16xi32>], vector<16xf32>,
      %iota3A_1891 = tpu.iota {dimensions = array<i32: 0>} : vector<16xi32>
      %add3A_1892 = arith.constant 112 : i32
      %add3A_1893 = vector.broadcast %add3A_1892 : i32 to vector<16xi32>
      %add3A_1894 = arith.addi %iota3A_1891, %add3A_1893 : vector<16xi32>
      %add3A_1895 = arith.addi %get3A_1695, %add3A_1850 : vector<16xi32>
      %gather3A_1896 = tpu.vector_load_idx %arg8[%add3A_1894, %add3A_1895] : memref<128x128xf32, #tpu.memory_space<vmem>>[vector<16xi32>, vector<16xi32>], vector<16xf32>,
      tpu.vector_store_idx %arg10[%add3A_1894, %add3A_1850], %gather3A_1896 : memref<128x64xf32, #tpu.memory_space<vmem>>[vector<16xi32>, vector<16xi32>], vector<16xf32>,
    }
    %scan3A_1700 = arith.constant 64 : i32
    %dma_start3A_1701 = arith.constant 2 : i32
    %dma_start3A_1702 = arith.constant 256 : i32
    %dma_start3A_1703 = tpu.memref_slice %arg6[%dma_start3A_1702] : memref<512xi32, #tpu.memory_space<vmem>> -> memref<128xi32, #tpu.memory_space<vmem>>
    %dma_start3A_1704 = arith.constant 0 : i32
    %dma_start3A_1705 = arith.constant 0 : i32
    %dma_start3A_1706 = tpu.memref_slice %arg3[%dma_start3A_1704, %dma_start3A_1705] : memref<500032x128xf32, #tpu.memory_space<hbm>> -> memref<500032x128xf32, #tpu.memory_space<hbm>>
    %dma_start3A_1707 = tpu.memref_slice %arg12[%dma_start3A_1701] : memref<4x!tpu.dma_semaphore, #tpu.memory_space<semaphore_mem>> -> memref<1x!tpu.dma_semaphore, #tpu.memory_space<semaphore_mem>>
    %dma_start3A_1708 = tpu.memref_squeeze %dma_start3A_1707 : memref<1x!tpu.dma_semaphore, #tpu.memory_space<semaphore_mem>> -> memref<!tpu.dma_semaphore, #tpu.memory_space<semaphore_mem>>
    tpu.enqueue_indirect_dma source(%dma_start3A_1706 : memref<500032x128xf32, #tpu.memory_space<hbm>>) target(%arg8 : memref<128x128xf32, #tpu.memory_space<vmem>>) offsets(%dma_start3A_1703 : memref<128xi32, #tpu.memory_space<vmem>>) semaphore(%dma_start3A_1708 : memref<!tpu.dma_semaphore, #tpu.memory_space<semaphore_mem>>)
    %add3A_1709 = arith.constant 0 : i32
    %add3A_1710 = arith.addi %mul3A_2, %add3A_1709 : i32
    %dma_start3A_1711 = arith.constant 0 : i32
    %dma_start3A_1712 = tpu.memref_slice %arg4[%add3A_1710, %dma_start3A_1711] : memref<16384x64xf32, #tpu.memory_space<hbm>> -> memref<128x64xf32, #tpu.memory_space<hbm>>
    %dma_start3A_1713 = arith.constant 0 : i32
    %dma_start3A_1714 = tpu.memref_slice %arg4[%add3A_1710, %dma_start3A_1713] : memref<16384x64xf32, #tpu.memory_space<hbm>> -> memref<128x64xf32, #tpu.memory_space<hbm>>
    tpu.enqueue_dma source(%arg10 : memref<128x64xf32, #tpu.memory_space<vmem>>) target(%dma_start3A_1714 : memref<128x64xf32, #tpu.memory_space<hbm>>) target_semaphore(%arg13 : memref<!tpu.dma_semaphore, #tpu.memory_space<semaphore_mem>>)
    %dma_wait3A_1715 = arith.constant 1 : i32
    %dma_wait3A_1716 = arith.constant 128 : i32
    %dma_wait3A_1717 = tpu.memref_slice %arg6[%dma_wait3A_1716] : memref<512xi32, #tpu.memory_space<vmem>> -> memref<128xi32, #tpu.memory_space<vmem>>
    %dma_wait3A_1718 = arith.constant 0 : i32
    %dma_wait3A_1719 = arith.constant 0 : i32
    %dma_wait3A_1720 = tpu.memref_slice %arg3[%dma_wait3A_1718, %dma_wait3A_1719] : memref<500032x128xf32, #tpu.memory_space<hbm>> -> memref<500032x128xf32, #tpu.memory_space<hbm>>
    %dma_wait3A_1721 = tpu.memref_slice %arg12[%dma_wait3A_1715] : memref<4x!tpu.dma_semaphore, #tpu.memory_space<semaphore_mem>> -> memref<1x!tpu.dma_semaphore, #tpu.memory_space<semaphore_mem>>
    %dma_wait3A_1722 = tpu.memref_squeeze %dma_wait3A_1721 : memref<1x!tpu.dma_semaphore, #tpu.memory_space<semaphore_mem>> -> memref<!tpu.dma_semaphore, #tpu.memory_space<semaphore_mem>>
    tpu.wait_indirect_dma semaphore(%dma_wait3A_1722 : memref<!tpu.dma_semaphore, #tpu.memory_space<semaphore_mem>>) src(%dma_wait3A_1720 : memref<500032x128xf32, #tpu.memory_space<hbm>>) dst(%arg9 : memref<128x128xf32, #tpu.memory_space<vmem>>)
    %get3A_1723 = arith.constant 128 : index
    %get3A_1724 = tpu.vector_load %arg7[%get3A_1723] {strides = array<i32>} : memref<512xi32, #tpu.memory_space<vmem>>, vector<16xi32>,
    %get3A_1725 = arith.constant 144 : index
    %get3A_1726 = tpu.vector_load %arg7[%get3A_1725] {strides = array<i32>} : memref<512xi32, #tpu.memory_space<vmem>>, vector<16xi32>,
    %get3A_1727 = arith.constant 160 : index
    %get3A_1728 = tpu.vector_load %arg7[%get3A_1727] {strides = array<i32>} : memref<512xi32, #tpu.memory_space<vmem>>, vector<16xi32>,
    %get3A_1729 = arith.constant 176 : index
    %get3A_1730 = tpu.vector_load %arg7[%get3A_1729] {strides = array<i32>} : memref<512xi32, #tpu.memory_space<vmem>>, vector<16xi32>,
    %get3A_1731 = arith.constant 192 : index
    %get3A_1732 = tpu.vector_load %arg7[%get3A_1731] {strides = array<i32>} : memref<512xi32, #tpu.memory_space<vmem>>, vector<16xi32>,
    %get3A_1733 = arith.constant 208 : index
    %get3A_1734 = tpu.vector_load %arg7[%get3A_1733] {strides = array<i32>} : memref<512xi32, #tpu.memory_space<vmem>>, vector<16xi32>,
    %get3A_1735 = arith.constant 224 : index
    %get3A_1736 = tpu.vector_load %arg7[%get3A_1735] {strides = array<i32>} : memref<512xi32, #tpu.memory_space<vmem>>, vector<16xi32>,
    %get3A_1737 = arith.constant 240 : index
    %get3A_1738 = tpu.vector_load %arg7[%get3A_1737] {strides = array<i32>} : memref<512xi32, #tpu.memory_space<vmem>>, vector<16xi32>,
    %scan3A_1739 = arith.constant 0 : i32
    %scan3A_1740 = arith.constant 0 : i32
    %scan3A_1741 = arith.constant 64 : i32
    %scan3A_1742 = arith.addi %scan3A_1740, %scan3A_1741 : i32
    %scan3A_1743 = arith.constant 1 : i32
    scf.for %scan3A_1847 = %scan3A_1740 to %scan3A_1742 step %scan3A_1743  : i32 {
      %broadcast_in_dim3A = arith.constant 0 : i32
      %broadcast_in_dim3A_1848 = vector.broadcast %broadcast_in_dim3A : i32 to vector<16xi32>
      %add3A_1849 = vector.broadcast %scan3A_1847 : i32 to vector<16xi32>
      %add3A_1850 = arith.addi %broadcast_in_dim3A_1848, %add3A_1849 : vector<16xi32>
      %iota3A = tpu.iota {dimensions = array<i32: 0>} : vector<16xi32>
      %add3A_1851 = arith.constant 0 : i32
      %add3A_1852 = vector.broadcast %add3A_1851 : i32 to vector<16xi32>
      %add3A_1853 = arith.addi %iota3A, %add3A_1852 : vector<16xi32>
      %add3A_1854 = arith.addi %get3A_1724, %add3A_1850 : vector<16xi32>
      %gather3A = tpu.vector_load_idx %arg9[%add3A_1853, %add3A_1854] : memref<128x128xf32, #tpu.memory_space<vmem>>[vector<16xi32>, vector<16xi32>], vector<16xf32>,
      tpu.vector_store_idx %arg11[%add3A_1853, %add3A_1850], %gather3A : memref<128x64xf32, #tpu.memory_space<vmem>>[vector<16xi32>, vector<16xi32>], vector<16xf32>,
      %iota3A_1855 = tpu.iota {dimensions = array<i32: 0>} : vector<16xi32>
      %add3A_1856 = arith.constant 16 : i32
      %add3A_1857 = vector.broadcast %add3A_1856 : i32 to vector<16xi32>
      %add3A_1858 = arith.addi %iota3A_1855, %add3A_1857 : vector<16xi32>
      %add3A_1859 = arith.addi %get3A_1726, %add3A_1850 : vector<16xi32>
      %gather3A_1860 = tpu.vector_load_idx %arg9[%add3A_1858, %add3A_1859] : memref<128x128xf32, #tpu.memory_space<vmem>>[vector<16xi32>, vector<16xi32>], vector<16xf32>,
      tpu.vector_store_idx %arg11[%add3A_1858, %add3A_1850], %gather3A_1860 : memref<128x64xf32, #tpu.memory_space<vmem>>[vector<16xi32>, vector<16xi32>], vector<16xf32>,
      %iota3A_1861 = tpu.iota {dimensions = array<i32: 0>} : vector<16xi32>
      %add3A_1862 = arith.constant 32 : i32
      %add3A_1863 = vector.broadcast %add3A_1862 : i32 to vector<16xi32>
      %add3A_1864 = arith.addi %iota3A_1861, %add3A_1863 : vector<16xi32>
      %add3A_1865 = arith.addi %get3A_1728, %add3A_1850 : vector<16xi32>
      %gather3A_1866 = tpu.vector_load_idx %arg9[%add3A_1864, %add3A_1865] : memref<128x128xf32, #tpu.memory_space<vmem>>[vector<16xi32>, vector<16xi32>], vector<16xf32>,
      tpu.vector_store_idx %arg11[%add3A_1864, %add3A_1850], %gather3A_1866 : memref<128x64xf32, #tpu.memory_space<vmem>>[vector<16xi32>, vector<16xi32>], vector<16xf32>,
      %iota3A_1867 = tpu.iota {dimensions = array<i32: 0>} : vector<16xi32>
      %add3A_1868 = arith.constant 48 : i32
      %add3A_1869 = vector.broadcast %add3A_1868 : i32 to vector<16xi32>
      %add3A_1870 = arith.addi %iota3A_1867, %add3A_1869 : vector<16xi32>
      %add3A_1871 = arith.addi %get3A_1730, %add3A_1850 : vector<16xi32>
      %gather3A_1872 = tpu.vector_load_idx %arg9[%add3A_1870, %add3A_1871] : memref<128x128xf32, #tpu.memory_space<vmem>>[vector<16xi32>, vector<16xi32>], vector<16xf32>,
      tpu.vector_store_idx %arg11[%add3A_1870, %add3A_1850], %gather3A_1872 : memref<128x64xf32, #tpu.memory_space<vmem>>[vector<16xi32>, vector<16xi32>], vector<16xf32>,
      %iota3A_1873 = tpu.iota {dimensions = array<i32: 0>} : vector<16xi32>
      %add3A_1874 = arith.constant 64 : i32
      %add3A_1875 = vector.broadcast %add3A_1874 : i32 to vector<16xi32>
      %add3A_1876 = arith.addi %iota3A_1873, %add3A_1875 : vector<16xi32>
      %add3A_1877 = arith.addi %get3A_1732, %add3A_1850 : vector<16xi32>
      %gather3A_1878 = tpu.vector_load_idx %arg9[%add3A_1876, %add3A_1877] : memref<128x128xf32, #tpu.memory_space<vmem>>[vector<16xi32>, vector<16xi32>], vector<16xf32>,
      tpu.vector_store_idx %arg11[%add3A_1876, %add3A_1850], %gather3A_1878 : memref<128x64xf32, #tpu.memory_space<vmem>>[vector<16xi32>, vector<16xi32>], vector<16xf32>,
      %iota3A_1879 = tpu.iota {dimensions = array<i32: 0>} : vector<16xi32>
      %add3A_1880 = arith.constant 80 : i32
      %add3A_1881 = vector.broadcast %add3A_1880 : i32 to vector<16xi32>
      %add3A_1882 = arith.addi %iota3A_1879, %add3A_1881 : vector<16xi32>
      %add3A_1883 = arith.addi %get3A_1734, %add3A_1850 : vector<16xi32>
      %gather3A_1884 = tpu.vector_load_idx %arg9[%add3A_1882, %add3A_1883] : memref<128x128xf32, #tpu.memory_space<vmem>>[vector<16xi32>, vector<16xi32>], vector<16xf32>,
      tpu.vector_store_idx %arg11[%add3A_1882, %add3A_1850], %gather3A_1884 : memref<128x64xf32, #tpu.memory_space<vmem>>[vector<16xi32>, vector<16xi32>], vector<16xf32>,
      %iota3A_1885 = tpu.iota {dimensions = array<i32: 0>} : vector<16xi32>
      %add3A_1886 = arith.constant 96 : i32
      %add3A_1887 = vector.broadcast %add3A_1886 : i32 to vector<16xi32>
      %add3A_1888 = arith.addi %iota3A_1885, %add3A_1887 : vector<16xi32>
      %add3A_1889 = arith.addi %get3A_1736, %add3A_1850 : vector<16xi32>
      %gather3A_1890 = tpu.vector_load_idx %arg9[%add3A_1888, %add3A_1889] : memref<128x128xf32, #tpu.memory_space<vmem>>[vector<16xi32>, vector<16xi32>], vector<16xf32>,
      tpu.vector_store_idx %arg11[%add3A_1888, %add3A_1850], %gather3A_1890 : memref<128x64xf32, #tpu.memory_space<vmem>>[vector<16xi32>, vector<16xi32>], vector<16xf32>,
      %iota3A_1891 = tpu.iota {dimensions = array<i32: 0>} : vector<16xi32>
      %add3A_1892 = arith.constant 112 : i32
      %add3A_1893 = vector.broadcast %add3A_1892 : i32 to vector<16xi32>
      %add3A_1894 = arith.addi %iota3A_1891, %add3A_1893 : vector<16xi32>
      %add3A_1895 = arith.addi %get3A_1738, %add3A_1850 : vector<16xi32>
      %gather3A_1896 = tpu.vector_load_idx %arg9[%add3A_1894, %add3A_1895] : memref<128x128xf32, #tpu.memory_space<vmem>>[vector<16xi32>, vector<16xi32>], vector<16xf32>,
      tpu.vector_store_idx %arg11[%add3A_1894, %add3A_1850], %gather3A_1896 : memref<128x64xf32, #tpu.memory_space<vmem>>[vector<16xi32>, vector<16xi32>], vector<16xf32>,
    }
    %scan3A_1744 = arith.constant 64 : i32
    %dma_start3A_1745 = arith.constant 3 : i32
    %dma_start3A_1746 = arith.constant 384 : i32
    %dma_start3A_1747 = tpu.memref_slice %arg6[%dma_start3A_1746] : memref<512xi32, #tpu.memory_space<vmem>> -> memref<128xi32, #tpu.memory_space<vmem>>
    %dma_start3A_1748 = arith.constant 0 : i32
    %dma_start3A_1749 = arith.constant 0 : i32
    %dma_start3A_1750 = tpu.memref_slice %arg3[%dma_start3A_1748, %dma_start3A_1749] : memref<500032x128xf32, #tpu.memory_space<hbm>> -> memref<500032x128xf32, #tpu.memory_space<hbm>>
    %dma_start3A_1751 = tpu.memref_slice %arg12[%dma_start3A_1745] : memref<4x!tpu.dma_semaphore, #tpu.memory_space<semaphore_mem>> -> memref<1x!tpu.dma_semaphore, #tpu.memory_space<semaphore_mem>>
    %dma_start3A_1752 = tpu.memref_squeeze %dma_start3A_1751 : memref<1x!tpu.dma_semaphore, #tpu.memory_space<semaphore_mem>> -> memref<!tpu.dma_semaphore, #tpu.memory_space<semaphore_mem>>
    tpu.enqueue_indirect_dma source(%dma_start3A_1750 : memref<500032x128xf32, #tpu.memory_space<hbm>>) target(%arg9 : memref<128x128xf32, #tpu.memory_space<vmem>>) offsets(%dma_start3A_1747 : memref<128xi32, #tpu.memory_space<vmem>>) semaphore(%dma_start3A_1752 : memref<!tpu.dma_semaphore, #tpu.memory_space<semaphore_mem>>)
    %add3A_1753 = arith.constant 128 : i32
    %add3A_1754 = arith.addi %mul3A_2, %add3A_1753 : i32
    %dma_start3A_1755 = arith.constant 0 : i32
    %dma_start3A_1756 = tpu.memref_slice %arg4[%add3A_1754, %dma_start3A_1755] : memref<16384x64xf32, #tpu.memory_space<hbm>> -> memref<128x64xf32, #tpu.memory_space<hbm>>
    %dma_start3A_1757 = arith.constant 0 : i32
    %dma_start3A_1758 = tpu.memref_slice %arg4[%add3A_1754, %dma_start3A_1757] : memref<16384x64xf32, #tpu.memory_space<hbm>> -> memref<128x64xf32, #tpu.memory_space<hbm>>
    tpu.enqueue_dma source(%arg11 : memref<128x64xf32, #tpu.memory_space<vmem>>) target(%dma_start3A_1758 : memref<128x64xf32, #tpu.memory_space<hbm>>) target_semaphore(%arg13 : memref<!tpu.dma_semaphore, #tpu.memory_space<semaphore_mem>>)
    %dma_wait3A_1759 = arith.constant 2 : i32
    %dma_wait3A_1760 = arith.constant 256 : i32
    %dma_wait3A_1761 = tpu.memref_slice %arg6[%dma_wait3A_1760] : memref<512xi32, #tpu.memory_space<vmem>> -> memref<128xi32, #tpu.memory_space<vmem>>
    %dma_wait3A_1762 = arith.constant 0 : i32
    %dma_wait3A_1763 = arith.constant 0 : i32
    %dma_wait3A_1764 = tpu.memref_slice %arg3[%dma_wait3A_1762, %dma_wait3A_1763] : memref<500032x128xf32, #tpu.memory_space<hbm>> -> memref<500032x128xf32, #tpu.memory_space<hbm>>
    %dma_wait3A_1765 = tpu.memref_slice %arg12[%dma_wait3A_1759] : memref<4x!tpu.dma_semaphore, #tpu.memory_space<semaphore_mem>> -> memref<1x!tpu.dma_semaphore, #tpu.memory_space<semaphore_mem>>
    %dma_wait3A_1766 = tpu.memref_squeeze %dma_wait3A_1765 : memref<1x!tpu.dma_semaphore, #tpu.memory_space<semaphore_mem>> -> memref<!tpu.dma_semaphore, #tpu.memory_space<semaphore_mem>>
    tpu.wait_indirect_dma semaphore(%dma_wait3A_1766 : memref<!tpu.dma_semaphore, #tpu.memory_space<semaphore_mem>>) src(%dma_wait3A_1764 : memref<500032x128xf32, #tpu.memory_space<hbm>>) dst(%arg8 : memref<128x128xf32, #tpu.memory_space<vmem>>)
    %dma_wait3A_1767 = arith.constant 0 : i32
    %dma_wait3A_1768 = tpu.memref_slice %arg4[%add3A_1710, %dma_wait3A_1767] : memref<16384x64xf32, #tpu.memory_space<hbm>> -> memref<128x64xf32, #tpu.memory_space<hbm>>
    %dma_wait3A_1769 = arith.constant 0 : i32
    %dma_wait3A_1770 = tpu.memref_slice %arg4[%add3A_1710, %dma_wait3A_1769] : memref<16384x64xf32, #tpu.memory_space<hbm>> -> memref<128x64xf32, #tpu.memory_space<hbm>>
    tpu.wait_dma2 semaphore(%arg13 : memref<!tpu.dma_semaphore, #tpu.memory_space<semaphore_mem>>) src(%arg10 : memref<128x64xf32, #tpu.memory_space<vmem>>) dst(%dma_wait3A_1770 : memref<128x64xf32, #tpu.memory_space<hbm>>)
    %get3A_1771 = arith.constant 256 : index
    %get3A_1772 = tpu.vector_load %arg7[%get3A_1771] {strides = array<i32>} : memref<512xi32, #tpu.memory_space<vmem>>, vector<16xi32>,
    %get3A_1773 = arith.constant 272 : index
    %get3A_1774 = tpu.vector_load %arg7[%get3A_1773] {strides = array<i32>} : memref<512xi32, #tpu.memory_space<vmem>>, vector<16xi32>,
    %get3A_1775 = arith.constant 288 : index
    %get3A_1776 = tpu.vector_load %arg7[%get3A_1775] {strides = array<i32>} : memref<512xi32, #tpu.memory_space<vmem>>, vector<16xi32>,
    %get3A_1777 = arith.constant 304 : index
    %get3A_1778 = tpu.vector_load %arg7[%get3A_1777] {strides = array<i32>} : memref<512xi32, #tpu.memory_space<vmem>>, vector<16xi32>,
    %get3A_1779 = arith.constant 320 : index
    %get3A_1780 = tpu.vector_load %arg7[%get3A_1779] {strides = array<i32>} : memref<512xi32, #tpu.memory_space<vmem>>, vector<16xi32>,
    %get3A_1781 = arith.constant 336 : index
    %get3A_1782 = tpu.vector_load %arg7[%get3A_1781] {strides = array<i32>} : memref<512xi32, #tpu.memory_space<vmem>>, vector<16xi32>,
    %get3A_1783 = arith.constant 352 : index
    %get3A_1784 = tpu.vector_load %arg7[%get3A_1783] {strides = array<i32>} : memref<512xi32, #tpu.memory_space<vmem>>, vector<16xi32>,
    %get3A_1785 = arith.constant 368 : index
    %get3A_1786 = tpu.vector_load %arg7[%get3A_1785] {strides = array<i32>} : memref<512xi32, #tpu.memory_space<vmem>>, vector<16xi32>,
    %scan3A_1787 = arith.constant 0 : i32
    %scan3A_1788 = arith.constant 0 : i32
    %scan3A_1789 = arith.constant 64 : i32
    %scan3A_1790 = arith.addi %scan3A_1788, %scan3A_1789 : i32
    %scan3A_1791 = arith.constant 1 : i32
    scf.for %scan3A_1847 = %scan3A_1788 to %scan3A_1790 step %scan3A_1791  : i32 {
      %broadcast_in_dim3A = arith.constant 0 : i32
      %broadcast_in_dim3A_1848 = vector.broadcast %broadcast_in_dim3A : i32 to vector<16xi32>
      %add3A_1849 = vector.broadcast %scan3A_1847 : i32 to vector<16xi32>
      %add3A_1850 = arith.addi %broadcast_in_dim3A_1848, %add3A_1849 : vector<16xi32>
      %iota3A = tpu.iota {dimensions = array<i32: 0>} : vector<16xi32>
      %add3A_1851 = arith.constant 0 : i32
      %add3A_1852 = vector.broadcast %add3A_1851 : i32 to vector<16xi32>
      %add3A_1853 = arith.addi %iota3A, %add3A_1852 : vector<16xi32>
      %add3A_1854 = arith.addi %get3A_1772, %add3A_1850 : vector<16xi32>
      %gather3A = tpu.vector_load_idx %arg8[%add3A_1853, %add3A_1854] : memref<128x128xf32, #tpu.memory_space<vmem>>[vector<16xi32>, vector<16xi32>], vector<16xf32>,
      tpu.vector_store_idx %arg10[%add3A_1853, %add3A_1850], %gather3A : memref<128x64xf32, #tpu.memory_space<vmem>>[vector<16xi32>, vector<16xi32>], vector<16xf32>,
      %iota3A_1855 = tpu.iota {dimensions = array<i32: 0>} : vector<16xi32>
      %add3A_1856 = arith.constant 16 : i32
      %add3A_1857 = vector.broadcast %add3A_1856 : i32 to vector<16xi32>
      %add3A_1858 = arith.addi %iota3A_1855, %add3A_1857 : vector<16xi32>
      %add3A_1859 = arith.addi %get3A_1774, %add3A_1850 : vector<16xi32>
      %gather3A_1860 = tpu.vector_load_idx %arg8[%add3A_1858, %add3A_1859] : memref<128x128xf32, #tpu.memory_space<vmem>>[vector<16xi32>, vector<16xi32>], vector<16xf32>,
      tpu.vector_store_idx %arg10[%add3A_1858, %add3A_1850], %gather3A_1860 : memref<128x64xf32, #tpu.memory_space<vmem>>[vector<16xi32>, vector<16xi32>], vector<16xf32>,
      %iota3A_1861 = tpu.iota {dimensions = array<i32: 0>} : vector<16xi32>
      %add3A_1862 = arith.constant 32 : i32
      %add3A_1863 = vector.broadcast %add3A_1862 : i32 to vector<16xi32>
      %add3A_1864 = arith.addi %iota3A_1861, %add3A_1863 : vector<16xi32>
      %add3A_1865 = arith.addi %get3A_1776, %add3A_1850 : vector<16xi32>
      %gather3A_1866 = tpu.vector_load_idx %arg8[%add3A_1864, %add3A_1865] : memref<128x128xf32, #tpu.memory_space<vmem>>[vector<16xi32>, vector<16xi32>], vector<16xf32>,
      tpu.vector_store_idx %arg10[%add3A_1864, %add3A_1850], %gather3A_1866 : memref<128x64xf32, #tpu.memory_space<vmem>>[vector<16xi32>, vector<16xi32>], vector<16xf32>,
      %iota3A_1867 = tpu.iota {dimensions = array<i32: 0>} : vector<16xi32>
      %add3A_1868 = arith.constant 48 : i32
      %add3A_1869 = vector.broadcast %add3A_1868 : i32 to vector<16xi32>
      %add3A_1870 = arith.addi %iota3A_1867, %add3A_1869 : vector<16xi32>
      %add3A_1871 = arith.addi %get3A_1778, %add3A_1850 : vector<16xi32>
      %gather3A_1872 = tpu.vector_load_idx %arg8[%add3A_1870, %add3A_1871] : memref<128x128xf32, #tpu.memory_space<vmem>>[vector<16xi32>, vector<16xi32>], vector<16xf32>,
      tpu.vector_store_idx %arg10[%add3A_1870, %add3A_1850], %gather3A_1872 : memref<128x64xf32, #tpu.memory_space<vmem>>[vector<16xi32>, vector<16xi32>], vector<16xf32>,
      %iota3A_1873 = tpu.iota {dimensions = array<i32: 0>} : vector<16xi32>
      %add3A_1874 = arith.constant 64 : i32
      %add3A_1875 = vector.broadcast %add3A_1874 : i32 to vector<16xi32>
      %add3A_1876 = arith.addi %iota3A_1873, %add3A_1875 : vector<16xi32>
      %add3A_1877 = arith.addi %get3A_1780, %add3A_1850 : vector<16xi32>
      %gather3A_1878 = tpu.vector_load_idx %arg8[%add3A_1876, %add3A_1877] : memref<128x128xf32, #tpu.memory_space<vmem>>[vector<16xi32>, vector<16xi32>], vector<16xf32>,
      tpu.vector_store_idx %arg10[%add3A_1876, %add3A_1850], %gather3A_1878 : memref<128x64xf32, #tpu.memory_space<vmem>>[vector<16xi32>, vector<16xi32>], vector<16xf32>,
      %iota3A_1879 = tpu.iota {dimensions = array<i32: 0>} : vector<16xi32>
      %add3A_1880 = arith.constant 80 : i32
      %add3A_1881 = vector.broadcast %add3A_1880 : i32 to vector<16xi32>
      %add3A_1882 = arith.addi %iota3A_1879, %add3A_1881 : vector<16xi32>
      %add3A_1883 = arith.addi %get3A_1782, %add3A_1850 : vector<16xi32>
      %gather3A_1884 = tpu.vector_load_idx %arg8[%add3A_1882, %add3A_1883] : memref<128x128xf32, #tpu.memory_space<vmem>>[vector<16xi32>, vector<16xi32>], vector<16xf32>,
      tpu.vector_store_idx %arg10[%add3A_1882, %add3A_1850], %gather3A_1884 : memref<128x64xf32, #tpu.memory_space<vmem>>[vector<16xi32>, vector<16xi32>], vector<16xf32>,
      %iota3A_1885 = tpu.iota {dimensions = array<i32: 0>} : vector<16xi32>
      %add3A_1886 = arith.constant 96 : i32
      %add3A_1887 = vector.broadcast %add3A_1886 : i32 to vector<16xi32>
      %add3A_1888 = arith.addi %iota3A_1885, %add3A_1887 : vector<16xi32>
      %add3A_1889 = arith.addi %get3A_1784, %add3A_1850 : vector<16xi32>
      %gather3A_1890 = tpu.vector_load_idx %arg8[%add3A_1888, %add3A_1889] : memref<128x128xf32, #tpu.memory_space<vmem>>[vector<16xi32>, vector<16xi32>], vector<16xf32>,
      tpu.vector_store_idx %arg10[%add3A_1888, %add3A_1850], %gather3A_1890 : memref<128x64xf32, #tpu.memory_space<vmem>>[vector<16xi32>, vector<16xi32>], vector<16xf32>,
      %iota3A_1891 = tpu.iota {dimensions = array<i32: 0>} : vector<16xi32>
      %add3A_1892 = arith.constant 112 : i32
      %add3A_1893 = vector.broadcast %add3A_1892 : i32 to vector<16xi32>
      %add3A_1894 = arith.addi %iota3A_1891, %add3A_1893 : vector<16xi32>
      %add3A_1895 = arith.addi %get3A_1786, %add3A_1850 : vector<16xi32>
      %gather3A_1896 = tpu.vector_load_idx %arg8[%add3A_1894, %add3A_1895] : memref<128x128xf32, #tpu.memory_space<vmem>>[vector<16xi32>, vector<16xi32>], vector<16xf32>,
      tpu.vector_store_idx %arg10[%add3A_1894, %add3A_1850], %gather3A_1896 : memref<128x64xf32, #tpu.memory_space<vmem>>[vector<16xi32>, vector<16xi32>], vector<16xf32>,
    }
    %scan3A_1792 = arith.constant 64 : i32
    %add3A_1793 = arith.constant 256 : i32
    %add3A_1794 = arith.addi %mul3A_2, %add3A_1793 : i32
    %dma_start3A_1795 = arith.constant 0 : i32
    %dma_start3A_1796 = tpu.memref_slice %arg4[%add3A_1794, %dma_start3A_1795] : memref<16384x64xf32, #tpu.memory_space<hbm>> -> memref<128x64xf32, #tpu.memory_space<hbm>>
    %dma_start3A_1797 = arith.constant 0 : i32
    %dma_start3A_1798 = tpu.memref_slice %arg4[%add3A_1794, %dma_start3A_1797] : memref<16384x64xf32, #tpu.memory_space<hbm>> -> memref<128x64xf32, #tpu.memory_space<hbm>>
    tpu.enqueue_dma source(%arg10 : memref<128x64xf32, #tpu.memory_space<vmem>>) target(%dma_start3A_1798 : memref<128x64xf32, #tpu.memory_space<hbm>>) target_semaphore(%arg13 : memref<!tpu.dma_semaphore, #tpu.memory_space<semaphore_mem>>)
    %dma_wait3A_1799 = arith.constant 3 : i32
    %dma_wait3A_1800 = arith.constant 384 : i32
    %dma_wait3A_1801 = tpu.memref_slice %arg6[%dma_wait3A_1800] : memref<512xi32, #tpu.memory_space<vmem>> -> memref<128xi32, #tpu.memory_space<vmem>>
    %dma_wait3A_1802 = arith.constant 0 : i32
    %dma_wait3A_1803 = arith.constant 0 : i32
    %dma_wait3A_1804 = tpu.memref_slice %arg3[%dma_wait3A_1802, %dma_wait3A_1803] : memref<500032x128xf32, #tpu.memory_space<hbm>> -> memref<500032x128xf32, #tpu.memory_space<hbm>>
    %dma_wait3A_1805 = tpu.memref_slice %arg12[%dma_wait3A_1799] : memref<4x!tpu.dma_semaphore, #tpu.memory_space<semaphore_mem>> -> memref<1x!tpu.dma_semaphore, #tpu.memory_space<semaphore_mem>>
    %dma_wait3A_1806 = tpu.memref_squeeze %dma_wait3A_1805 : memref<1x!tpu.dma_semaphore, #tpu.memory_space<semaphore_mem>> -> memref<!tpu.dma_semaphore, #tpu.memory_space<semaphore_mem>>
    tpu.wait_indirect_dma semaphore(%dma_wait3A_1806 : memref<!tpu.dma_semaphore, #tpu.memory_space<semaphore_mem>>) src(%dma_wait3A_1804 : memref<500032x128xf32, #tpu.memory_space<hbm>>) dst(%arg9 : memref<128x128xf32, #tpu.memory_space<vmem>>)
    %dma_wait3A_1807 = arith.constant 0 : i32
    %dma_wait3A_1808 = tpu.memref_slice %arg4[%add3A_1754, %dma_wait3A_1807] : memref<16384x64xf32, #tpu.memory_space<hbm>> -> memref<128x64xf32, #tpu.memory_space<hbm>>
    %dma_wait3A_1809 = arith.constant 0 : i32
    %dma_wait3A_1810 = tpu.memref_slice %arg4[%add3A_1754, %dma_wait3A_1809] : memref<16384x64xf32, #tpu.memory_space<hbm>> -> memref<128x64xf32, #tpu.memory_space<hbm>>
    tpu.wait_dma2 semaphore(%arg13 : memref<!tpu.dma_semaphore, #tpu.memory_space<semaphore_mem>>) src(%arg11 : memref<128x64xf32, #tpu.memory_space<vmem>>) dst(%dma_wait3A_1810 : memref<128x64xf32, #tpu.memory_space<hbm>>)
    %get3A_1811 = arith.constant 384 : index
    %get3A_1812 = tpu.vector_load %arg7[%get3A_1811] {strides = array<i32>} : memref<512xi32, #tpu.memory_space<vmem>>, vector<16xi32>,
    %get3A_1813 = arith.constant 400 : index
    %get3A_1814 = tpu.vector_load %arg7[%get3A_1813] {strides = array<i32>} : memref<512xi32, #tpu.memory_space<vmem>>, vector<16xi32>,
    %get3A_1815 = arith.constant 416 : index
    %get3A_1816 = tpu.vector_load %arg7[%get3A_1815] {strides = array<i32>} : memref<512xi32, #tpu.memory_space<vmem>>, vector<16xi32>,
    %get3A_1817 = arith.constant 432 : index
    %get3A_1818 = tpu.vector_load %arg7[%get3A_1817] {strides = array<i32>} : memref<512xi32, #tpu.memory_space<vmem>>, vector<16xi32>,
    %get3A_1819 = arith.constant 448 : index
    %get3A_1820 = tpu.vector_load %arg7[%get3A_1819] {strides = array<i32>} : memref<512xi32, #tpu.memory_space<vmem>>, vector<16xi32>,
    %get3A_1821 = arith.constant 464 : index
    %get3A_1822 = tpu.vector_load %arg7[%get3A_1821] {strides = array<i32>} : memref<512xi32, #tpu.memory_space<vmem>>, vector<16xi32>,
    %get3A_1823 = arith.constant 480 : index
    %get3A_1824 = tpu.vector_load %arg7[%get3A_1823] {strides = array<i32>} : memref<512xi32, #tpu.memory_space<vmem>>, vector<16xi32>,
    %get3A_1825 = arith.constant 496 : index
    %get3A_1826 = tpu.vector_load %arg7[%get3A_1825] {strides = array<i32>} : memref<512xi32, #tpu.memory_space<vmem>>, vector<16xi32>,
    %scan3A_1827 = arith.constant 0 : i32
    %scan3A_1828 = arith.constant 0 : i32
    %scan3A_1829 = arith.constant 64 : i32
    %scan3A_1830 = arith.addi %scan3A_1828, %scan3A_1829 : i32
    %scan3A_1831 = arith.constant 1 : i32
    scf.for %scan3A_1847 = %scan3A_1828 to %scan3A_1830 step %scan3A_1831  : i32 {
      %broadcast_in_dim3A = arith.constant 0 : i32
      %broadcast_in_dim3A_1848 = vector.broadcast %broadcast_in_dim3A : i32 to vector<16xi32>
      %add3A_1849 = vector.broadcast %scan3A_1847 : i32 to vector<16xi32>
      %add3A_1850 = arith.addi %broadcast_in_dim3A_1848, %add3A_1849 : vector<16xi32>
      %iota3A = tpu.iota {dimensions = array<i32: 0>} : vector<16xi32>
      %add3A_1851 = arith.constant 0 : i32
      %add3A_1852 = vector.broadcast %add3A_1851 : i32 to vector<16xi32>
      %add3A_1853 = arith.addi %iota3A, %add3A_1852 : vector<16xi32>
      %add3A_1854 = arith.addi %get3A_1812, %add3A_1850 : vector<16xi32>
      %gather3A = tpu.vector_load_idx %arg9[%add3A_1853, %add3A_1854] : memref<128x128xf32, #tpu.memory_space<vmem>>[vector<16xi32>, vector<16xi32>], vector<16xf32>,
      tpu.vector_store_idx %arg11[%add3A_1853, %add3A_1850], %gather3A : memref<128x64xf32, #tpu.memory_space<vmem>>[vector<16xi32>, vector<16xi32>], vector<16xf32>,
      %iota3A_1855 = tpu.iota {dimensions = array<i32: 0>} : vector<16xi32>
      %add3A_1856 = arith.constant 16 : i32
      %add3A_1857 = vector.broadcast %add3A_1856 : i32 to vector<16xi32>
      %add3A_1858 = arith.addi %iota3A_1855, %add3A_1857 : vector<16xi32>
      %add3A_1859 = arith.addi %get3A_1814, %add3A_1850 : vector<16xi32>
      %gather3A_1860 = tpu.vector_load_idx %arg9[%add3A_1858, %add3A_1859] : memref<128x128xf32, #tpu.memory_space<vmem>>[vector<16xi32>, vector<16xi32>], vector<16xf32>,
      tpu.vector_store_idx %arg11[%add3A_1858, %add3A_1850], %gather3A_1860 : memref<128x64xf32, #tpu.memory_space<vmem>>[vector<16xi32>, vector<16xi32>], vector<16xf32>,
      %iota3A_1861 = tpu.iota {dimensions = array<i32: 0>} : vector<16xi32>
      %add3A_1862 = arith.constant 32 : i32
      %add3A_1863 = vector.broadcast %add3A_1862 : i32 to vector<16xi32>
      %add3A_1864 = arith.addi %iota3A_1861, %add3A_1863 : vector<16xi32>
      %add3A_1865 = arith.addi %get3A_1816, %add3A_1850 : vector<16xi32>
      %gather3A_1866 = tpu.vector_load_idx %arg9[%add3A_1864, %add3A_1865] : memref<128x128xf32, #tpu.memory_space<vmem>>[vector<16xi32>, vector<16xi32>], vector<16xf32>,
      tpu.vector_store_idx %arg11[%add3A_1864, %add3A_1850], %gather3A_1866 : memref<128x64xf32, #tpu.memory_space<vmem>>[vector<16xi32>, vector<16xi32>], vector<16xf32>,
      %iota3A_1867 = tpu.iota {dimensions = array<i32: 0>} : vector<16xi32>
      %add3A_1868 = arith.constant 48 : i32
      %add3A_1869 = vector.broadcast %add3A_1868 : i32 to vector<16xi32>
      %add3A_1870 = arith.addi %iota3A_1867, %add3A_1869 : vector<16xi32>
      %add3A_1871 = arith.addi %get3A_1818, %add3A_1850 : vector<16xi32>
      %gather3A_1872 = tpu.vector_load_idx %arg9[%add3A_1870, %add3A_1871] : memref<128x128xf32, #tpu.memory_space<vmem>>[vector<16xi32>, vector<16xi32>], vector<16xf32>,
      tpu.vector_store_idx %arg11[%add3A_1870, %add3A_1850], %gather3A_1872 : memref<128x64xf32, #tpu.memory_space<vmem>>[vector<16xi32>, vector<16xi32>], vector<16xf32>,
      %iota3A_1873 = tpu.iota {dimensions = array<i32: 0>} : vector<16xi32>
      %add3A_1874 = arith.constant 64 : i32
      %add3A_1875 = vector.broadcast %add3A_1874 : i32 to vector<16xi32>
      %add3A_1876 = arith.addi %iota3A_1873, %add3A_1875 : vector<16xi32>
      %add3A_1877 = arith.addi %get3A_1820, %add3A_1850 : vector<16xi32>
      %gather3A_1878 = tpu.vector_load_idx %arg9[%add3A_1876, %add3A_1877] : memref<128x128xf32, #tpu.memory_space<vmem>>[vector<16xi32>, vector<16xi32>], vector<16xf32>,
      tpu.vector_store_idx %arg11[%add3A_1876, %add3A_1850], %gather3A_1878 : memref<128x64xf32, #tpu.memory_space<vmem>>[vector<16xi32>, vector<16xi32>], vector<16xf32>,
      %iota3A_1879 = tpu.iota {dimensions = array<i32: 0>} : vector<16xi32>
      %add3A_1880 = arith.constant 80 : i32
      %add3A_1881 = vector.broadcast %add3A_1880 : i32 to vector<16xi32>
      %add3A_1882 = arith.addi %iota3A_1879, %add3A_1881 : vector<16xi32>
      %add3A_1883 = arith.addi %get3A_1822, %add3A_1850 : vector<16xi32>
      %gather3A_1884 = tpu.vector_load_idx %arg9[%add3A_1882, %add3A_1883] : memref<128x128xf32, #tpu.memory_space<vmem>>[vector<16xi32>, vector<16xi32>], vector<16xf32>,
      tpu.vector_store_idx %arg11[%add3A_1882, %add3A_1850], %gather3A_1884 : memref<128x64xf32, #tpu.memory_space<vmem>>[vector<16xi32>, vector<16xi32>], vector<16xf32>,
      %iota3A_1885 = tpu.iota {dimensions = array<i32: 0>} : vector<16xi32>
      %add3A_1886 = arith.constant 96 : i32
      %add3A_1887 = vector.broadcast %add3A_1886 : i32 to vector<16xi32>
      %add3A_1888 = arith.addi %iota3A_1885, %add3A_1887 : vector<16xi32>
      %add3A_1889 = arith.addi %get3A_1824, %add3A_1850 : vector<16xi32>
      %gather3A_1890 = tpu.vector_load_idx %arg9[%add3A_1888, %add3A_1889] : memref<128x128xf32, #tpu.memory_space<vmem>>[vector<16xi32>, vector<16xi32>], vector<16xf32>,
      tpu.vector_store_idx %arg11[%add3A_1888, %add3A_1850], %gather3A_1890 : memref<128x64xf32, #tpu.memory_space<vmem>>[vector<16xi32>, vector<16xi32>], vector<16xf32>,
      %iota3A_1891 = tpu.iota {dimensions = array<i32: 0>} : vector<16xi32>
      %add3A_1892 = arith.constant 112 : i32
      %add3A_1893 = vector.broadcast %add3A_1892 : i32 to vector<16xi32>
      %add3A_1894 = arith.addi %iota3A_1891, %add3A_1893 : vector<16xi32>
      %add3A_1895 = arith.addi %get3A_1826, %add3A_1850 : vector<16xi32>
      %gather3A_1896 = tpu.vector_load_idx %arg9[%add3A_1894, %add3A_1895] : memref<128x128xf32, #tpu.memory_space<vmem>>[vector<16xi32>, vector<16xi32>], vector<16xf32>,
      tpu.vector_store_idx %arg11[%add3A_1894, %add3A_1850], %gather3A_1896 : memref<128x64xf32, #tpu.memory_space<vmem>>[vector<16xi32>, vector<16xi32>], vector<16xf32>,
    }
    %scan3A_1832 = arith.constant 64 : i32
    %add3A_1833 = arith.constant 384 : i32
    %add3A_1834 = arith.addi %mul3A_2, %add3A_1833 : i32
    %dma_start3A_1835 = arith.constant 0 : i32
    %dma_start3A_1836 = tpu.memref_slice %arg4[%add3A_1834, %dma_start3A_1835] : memref<16384x64xf32, #tpu.memory_space<hbm>> -> memref<128x64xf32, #tpu.memory_space<hbm>>
    %dma_start3A_1837 = arith.constant 0 : i32
    %dma_start3A_1838 = tpu.memref_slice %arg4[%add3A_1834, %dma_start3A_1837] : memref<16384x64xf32, #tpu.memory_space<hbm>> -> memref<128x64xf32, #tpu.memory_space<hbm>>
    tpu.enqueue_dma source(%arg11 : memref<128x64xf32, #tpu.memory_space<vmem>>) target(%dma_start3A_1838 : memref<128x64xf32, #tpu.memory_space<hbm>>) target_semaphore(%arg13 : memref<!tpu.dma_semaphore, #tpu.memory_space<semaphore_mem>>)
    %dma_wait3A_1839 = arith.constant 0 : i32
    %dma_wait3A_1840 = tpu.memref_slice %arg4[%add3A_1794, %dma_wait3A_1839] : memref<16384x64xf32, #tpu.memory_space<hbm>> -> memref<128x64xf32, #tpu.memory_space<hbm>>
    %dma_wait3A_1841 = arith.constant 0 : i32
    %dma_wait3A_1842 = tpu.memref_slice %arg4[%add3A_1794, %dma_wait3A_1841] : memref<16384x64xf32, #tpu.memory_space<hbm>> -> memref<128x64xf32, #tpu.memory_space<hbm>>
    tpu.wait_dma2 semaphore(%arg13 : memref<!tpu.dma_semaphore, #tpu.memory_space<semaphore_mem>>) src(%arg10 : memref<128x64xf32, #tpu.memory_space<vmem>>) dst(%dma_wait3A_1842 : memref<128x64xf32, #tpu.memory_space<hbm>>)
    %dma_wait3A_1843 = arith.constant 0 : i32
    %dma_wait3A_1844 = tpu.memref_slice %arg4[%add3A_1834, %dma_wait3A_1843] : memref<16384x64xf32, #tpu.memory_space<hbm>> -> memref<128x64xf32, #tpu.memory_space<hbm>>
    %dma_wait3A_1845 = arith.constant 0 : i32
    %dma_wait3A_1846 = tpu.memref_slice %arg4[%add3A_1834, %dma_wait3A_1845] : memref<16384x64xf32, #tpu.memory_space<hbm>> -> memref<128x64xf32, #tpu.memory_space<hbm>>
    tpu.wait_dma2 semaphore(%arg13 : memref<!tpu.dma_semaphore, #tpu.memory_space<semaphore_mem>>) src(%arg11 : memref<128x64xf32, #tpu.memory_space<vmem>>) dst(%dma_wait3A_1846 : memref<128x64xf32, #tpu.memory_space<hbm>>)
    return
  }
}

module attributes {stable_mosaic.version = 14 : i64} {
  func.func @_tail_body(%arg0: i32, %arg1: memref<64x128xf32, #tpu.memory_space<vmem>>, %arg2: memref<500032x128xf32, #tpu.memory_space<any>>, %arg3: memref<64x128xf32, #tpu.memory_space<vmem>>) attributes {dimension_semantics = [#tpu.dimension_semantics<arbitrary>], iteration_bounds = array<i64: 5>, scalar_prefetch = 0 : i64, scratch_operands = 0 : i64, tpu.core_type = #tpu.core_type<tc>, window_params = [{transform_indices = @transform_0, window_bounds = array<i64: 64, 128>}, {}, {transform_indices = @transform_2, window_bounds = array<i64: 64, 128>}]} {
    %get3A = arith.constant 0 : index
    %get3A_0 = arith.constant 0 : index
    %get3A_1 = vector.load %arg1[%get3A, %get3A_0] : memref<64x128xf32, #tpu.memory_space<vmem>>, vector<64x64xf32>
    %transpose3A = tpu.transpose %get3A_1, [1, 0] : vector<64x64xf32> -> vector<64x64xf32>
    %swap3A = arith.constant 0 : index
    %swap3A_2 = arith.constant 0 : index
    %swap3A_3 = vector.load %arg3[%swap3A, %swap3A_2] : memref<64x128xf32, #tpu.memory_space<vmem>>, vector<64x64xf32>
    tpu.vector_store %arg3[%swap3A, %swap3A_2], %transpose3A {strides = array<i32>} : memref<64x128xf32, #tpu.memory_space<vmem>>, vector<64x64xf32>,
    %get3A_4 = arith.constant 0 : index
    %get3A_5 = arith.constant 64 : index
    %get3A_6 = vector.load %arg1[%get3A_4, %get3A_5] : memref<64x128xf32, #tpu.memory_space<vmem>>, vector<64x64xf32>
    %transpose3A_7 = tpu.transpose %get3A_6, [1, 0] : vector<64x64xf32> -> vector<64x64xf32>
    %swap3A_8 = arith.constant 0 : index
    %swap3A_9 = arith.constant 64 : index
    %swap3A_10 = vector.load %arg3[%swap3A_8, %swap3A_9] : memref<64x128xf32, #tpu.memory_space<vmem>>, vector<64x64xf32>
    tpu.vector_store %arg3[%swap3A_8, %swap3A_9], %transpose3A_7 {strides = array<i32>} : memref<64x128xf32, #tpu.memory_space<vmem>>, vector<64x64xf32>,
    return
  }
  func.func @transform_0(%arg0: i32) -> (i32, i32) {
    %add3A = arith.constant 7808 : i32
    %add3A_0 = arith.addi %add3A, %arg0 : i32
    %c0_i32 = arith.constant 0 : i32
    %c0_i32_1 = arith.constant 0 : i32
    return %c0_i32, %add3A_0 : i32, i32
  }
  func.func @transform_2(%arg0: i32) -> (i32, i32) {
    %add3A = arith.constant 7808 : i32
    %add3A_0 = arith.addi %add3A, %arg0 : i32
    %c0_i32 = arith.constant 0 : i32
    %c0_i32_1 = arith.constant 0 : i32
    return %add3A_0, %c0_i32 : i32, i32
  }
}

module attributes {stable_mosaic.version = 14 : i64} {
  func.func @_transpose_body(%arg0: i32, %arg1: memref<64x8192xf32, #tpu.memory_space<vmem>>, %arg2: memref<64x8192xf32, #tpu.memory_space<vmem>>, %arg3: memref<8192x128xf32, #tpu.memory_space<vmem>>) attributes {dimension_semantics = [#tpu.dimension_semantics<arbitrary>], iteration_bounds = array<i64: 61>, scalar_prefetch = 0 : i64, scratch_operands = 0 : i64, tpu.core_type = #tpu.core_type<tc>, window_params = [{transform_indices = @transform_0, window_bounds = array<i64: 64, 8192>}, {transform_indices = @transform_1, window_bounds = array<i64: 64, 8192>}, {transform_indices = @transform_2, window_bounds = array<i64: 8192, 128>}]} {
    %get3A = arith.constant 0 : index
    %get3A_0 = arith.constant 0 : index
    %get3A_1 = vector.load %arg1[%get3A, %get3A_0] : memref<64x8192xf32, #tpu.memory_space<vmem>>, vector<64x8192xf32>
    %transpose3A = tpu.transpose %get3A_1, [1, 0] : vector<64x8192xf32> -> vector<8192x64xf32>
    %swap3A = arith.constant 0 : index
    %swap3A_2 = arith.constant 0 : index
    %swap3A_3 = vector.load %arg3[%swap3A, %swap3A_2] : memref<8192x128xf32, #tpu.memory_space<vmem>>, vector<8192x64xf32>
    tpu.vector_store %arg3[%swap3A, %swap3A_2], %transpose3A {strides = array<i32>} : memref<8192x128xf32, #tpu.memory_space<vmem>>, vector<8192x64xf32>,
    %get3A_4 = arith.constant 0 : index
    %get3A_5 = arith.constant 0 : index
    %get3A_6 = vector.load %arg2[%get3A_4, %get3A_5] : memref<64x8192xf32, #tpu.memory_space<vmem>>, vector<64x8192xf32>
    %transpose3A_7 = tpu.transpose %get3A_6, [1, 0] : vector<64x8192xf32> -> vector<8192x64xf32>
    %swap3A_8 = arith.constant 0 : index
    %swap3A_9 = arith.constant 64 : index
    %swap3A_10 = vector.load %arg3[%swap3A_8, %swap3A_9] : memref<8192x128xf32, #tpu.memory_space<vmem>>, vector<8192x64xf32>
    tpu.vector_store %arg3[%swap3A_8, %swap3A_9], %transpose3A_7 {strides = array<i32>} : memref<8192x128xf32, #tpu.memory_space<vmem>>, vector<8192x64xf32>,
    return
  }
  func.func @transform_0(%arg0: i32) -> (i32, i32) {
    %mul3A = arith.constant 2 : i32
    %mul3A_0 = arith.muli %mul3A, %arg0 : i32
    %c0_i32 = arith.constant 0 : i32
    %c0_i32_1 = arith.constant 0 : i32
    return %c0_i32, %mul3A_0 : i32, i32
  }
  func.func @transform_1(%arg0: i32) -> (i32, i32) {
    %mul3A = arith.constant 2 : i32
    %mul3A_0 = arith.muli %mul3A, %arg0 : i32
    %add3A = arith.constant 1 : i32
    %add3A_1 = arith.addi %mul3A_0, %add3A : i32
    %c0_i32 = arith.constant 0 : i32
    %c0_i32_2 = arith.constant 0 : i32
    return %c0_i32, %add3A_1 : i32, i32
  }
  func.func @transform_2(%arg0: i32) -> (i32, i32) {
    %c0_i32 = arith.constant 0 : i32
    %c0_i32_0 = arith.constant 0 : i32
    return %arg0, %c0_i32 : i32, i32
  }
}

</mosaic_0001>

<sc_bundles>
// kernel: kernel.5.cloned.1.call-start
scs
__scs_entry_jumppad:
0x0: {  	(pc) =	sbr.rel $0x88, $3  }
0x1: {  	(tag) =	ssettag $0x0;
	lr =	simm.s32 $0x1  }
0x2: {  	[smem:$0x3F9F] =	sst lr;
	_ =	strace $0xD0000000  }
0x3: {  	_ = 	snop  }
0x4: {  	_ = 	snop  }
0x5: {  	_ = 	snop  }
0x6: {  	_ = 	snop  }
0x7: {  	_ = 	snop  }
__scs_overlays_trampoline_lowered:
0x8: {  	[smem:$0x3FAE] =	sst s0  }
0x9: {  	[smem:$0x3FAF] =	sst s1  }
0xa: {  	[smem:$0x3FB0] =	sst s2  }
0xb: {  	[smem:$0x3FB1] =	sst s3  }
0xc: {  	[smem:$0x3FB2] =	sst s4  }
0xd: {  	[smem:$0x3FB3] =	sst s5  }
0xe: {  	[smem:$0x3FB4] =	sst s6  }
0xf: {  	[smem:$0x3FB5] =	sst s7  }
0x10: {  	[smem:$0x3FB6] =	sst s8  }
0x11: {  	[smem:$0x3FB7] =	sst s9;
	s0 =	simm.s32 @!p0 $0x0  }
0x12: {  	s1 =	sld [smem:$0x3F9D];
	s0 =	simm.s32 @p0 $0x1  }
0x13: {  	[smem:$0x3FB8] =	sst s0;
	s0 =	simm.s32 @!p1 $0x0  }
0x14: {  	s2 =	sld [smem:$0x3F9C];
	s0 =	simm.s32 @p1 $0x1  }
0x15: {  	[smem:$0x3FB9] =	sst s0;
	s0 =	simm.s32 @!p2 $0x0  }
0x16: {  	s3 =	sld [smem:$0x3FDB];
	s0 =	simm.s32 @p2 $0x1  }
0x17: {  	s4 =	simm.s32 $0x1BF5;
	[smem:$0x3FBB] =	sst s0  }
0x18: {  	s0 =	sld [smem:$0x3F9E];
	_ =	swait.ge [sflag:s4], $0x0  }
0x19: {  	s7 =	sld [smem:$0x3F9F]  }
0x1a: {  	s8 =	sadd.s32 $0xFFFFE003, lr  }
0x1b: {  	s9 =	sadd.s32 $0xFFFFFEF7, lr;
	s5 =	simm.s32 $0xFFFFFFFF;
	p2 =	slt.u32 s8, $0xFFFFF086  }
0x1c: {  	p1 =	slt.u32 s9, $0xF7A;
	s5 =	simm.s32 @!p2 $0x0  }
0x1d: {  	s5 =	simm.s32 @p1 $0x1;
	p0 =	seq.s32 s7, s2  }
0x1e: {  	s7 =	smul.u32 @!p0 $0xF7A, s2;
	p2 =	seq.s32 @!p0 s5, $0x0  }
0x1f: {  	s9 =	smul.u32 $0xF7A, s1;
	s8 =	simm.s32 @!p0 $0x1BF5;
	p2 =	por !p2, p0  }
0x20: {  	[sflag:s8] =	ssyncset.s32 @!p0 $0xFFFFF086;
	s6 =	sadd.s32 @!p0 s3, s7;
	s7 =	simm.s32 @!p0 $0x108  }
0x21: {  	s3 =	sadd.s32 s3, s9;
	s6 =	sadd.s32 @!p0 $0x88, s6;
	s7 =	simm.s32 @p2 $0x1082  }
0x22: {  	[simem:s7], [sflag:s8] =	dma.local @!p0 [hbm:s6], $0xF7A  }
0x23: {  	s9 =	sor.u32 $0xD0000000, s2;
	s6 =	simm.s32 $0x108;
	_ =	swait.ge @!p0 [sflag:s8], $0x0  }
0x24: {  	s3 =	sadd.s32 $0x88, s3;
	s6 =	simm.s32 @!p1 $0x1082;
	[sflag:s4] =	ssyncset.s32 $0xFFFFF086  }
0x25: {  	[simem:s6], [sflag:s4] =	dma.local [hbm:s3], $0xF7A  }
0x26: {  	[smem:$0x3F9F] =	sst s1;
	(tag) =	ssettag s2;
	_ =	strace s9  }
0x27: {  	s1 =	sld [smem:$0x3FAF]  }
0x28: {  	s2 =	sld [smem:$0x3FB0]  }
0x29: {  	s4 =	sld [smem:$0x3FB2]  }
0x2a: {  	p0 =	seq.s32 s5, $0x0;
	s5 =	sld [smem:$0x3FB3]  }
0x2b: {  	s6 =	sld [smem:$0x3FB4]  }
0x2c: {  	s7 =	sld [smem:$0x3FB5]  }
0x2d: {  	s3 =	simm.s32 $0x108;
	s8 =	sld [smem:$0x3FB6]  }
0x2e: {  	s3 =	simm.s32 @!p0 $0x1082;
	s9 =	sld [smem:$0x3FB7]  }
0x2f: {  	lr =	sadd.s32 s0, s3;
	s0 =	sld [smem:$0x3FAE]  }
0x30: {  	s3 =	sld [smem:$0x3FB1]  }
0x31: {  	[smem:$0x3FBA] =	sst s10  }
0x32: {  	s10 =	sld [smem:$0x3FB8];
	_ =	sdelay $0x3  }
0x33: {  	p0 =	seq.s32 s10, $0x1;
	s10 =	sld [smem:$0x3FBA];
	_ =	sdelay $0x3  }
0x34: {  	[smem:$0x3FBA] =	sst s10  }
0x35: {  	s10 =	sld [smem:$0x3FB9];
	_ =	sdelay $0x3  }
0x36: {  	p1 =	seq.s32 s10, $0x1;
	s10 =	sld [smem:$0x3FBA];
	_ =	sdelay $0x3  }
0x37: {  	[smem:$0x3FBA] =	sst s10  }
0x38: {  	s10 =	sld [smem:$0x3FBB]  }
0x39: {  	_ = 	snop;
	(pc) =	sbr.ind lr, $3  }
0x3a: {  	_ = 	snop  }
0x3b: {  	_ = 	snop  }
0x3c: {  	p2 =	seq.s32 s10, $0x1;
	s10 =	sld [smem:$0x3FBA]  }
0x3d: {  	_ =	shalt  }
0x3e: {  	_ =	shalt  }
0x3f: {  	_ =	shalt  }
0x40: {  	_ =	shalt  }
0x41: {  	_ =	shalt  }
0x42: {  	_ =	shalt  }
0x43: {  	_ =	shalt  }
0x44: {  	_ =	shalt  }
0x45: {  	_ =	shalt  }
0x46: {  	_ =	shalt  }
0x47: {  	_ =	shalt  }
0x48: {  	_ =	shalt  }
0x49: {  	_ =	shalt  }
0x4a: {  	_ =	shalt  }
0x4b: {  	_ =	shalt  }
0x4c: {  	_ =	shalt  }
0x4d: {  	_ =	shalt  }
0x4e: {  	_ =	shalt  }
0x4f: {  	_ =	shalt  }
0x50: {  	_ =	shalt  }
0x51: {  	_ =	shalt  }
0x52: {  	_ =	shalt  }
0x53: {  	_ =	shalt  }
0x54: {  	_ =	shalt  }
0x55: {  	_ =	shalt  }
0x56: {  	_ =	shalt  }
0x57: {  	_ =	shalt  }
0x58: {  	_ =	shalt  }
0x59: {  	_ =	shalt  }
0x5a: {  	_ =	shalt  }
0x5b: {  	_ =	shalt  }
0x5c: {  	_ =	shalt  }
0x5d: {  	_ =	shalt  }
0x5e: {  	_ =	shalt  }
0x5f: {  	_ =	shalt  }
0x60: {  	_ =	shalt  }
0x61: {  	_ =	shalt  }
0x62: {  	_ =	shalt  }
0x63: {  	_ =	shalt  }
0x64: {  	_ =	shalt  }
0x65: {  	_ =	shalt  }
0x66: {  	_ =	shalt  }
0x67: {  	_ =	shalt  }
0x68: {  	_ =	shalt  }
0x69: {  	_ =	shalt  }
0x6a: {  	_ =	shalt  }
0x6b: {  	_ =	shalt  }
0x6c: {  	_ =	shalt  }
0x6d: {  	_ =	shalt  }
0x6e: {  	_ =	shalt  }
0x6f: {  	_ =	shalt  }
0x70: {  	_ =	shalt  }
0x71: {  	_ =	shalt  }
0x72: {  	_ =	shalt  }
0x73: {  	_ =	shalt  }
0x74: {  	_ =	shalt  }
0x75: {  	_ =	shalt  }
0x76: {  	_ =	shalt  }
0x77: {  	_ =	shalt  }
0x78: {  	_ =	shalt  }
0x79: {  	_ =	shalt  }
0x7a: {  	_ =	shalt  }
0x7b: {  	_ =	shalt  }
0x7c: {  	_ =	shalt  }
0x7d: {  	_ =	shalt  }
0x7e: {  	_ =	shalt  }
0x7f: {  	_ =	shalt  }
0x80: {  	_ =	shalt  }
0x81: {  	_ =	shalt  }
0x82: {  	_ =	shalt  }
0x83: {  	_ =	shalt  }
0x84: {  	_ =	shalt  }
0x85: {  	_ =	shalt  }
0x86: {  	_ =	shalt  }
0x87: {  	_ =	shalt  }
.Lfunc_end0:
.L_simem_size_0:
called_computation_lowered:
.L_overlay_start_0:
0x88: {  	s2 =	sld [smem:$0x3FD9]  }
0x89: {  	s3 =	sld [smem:$0x3FFE];
	_ =	sdelay $0x1  }
0x8a: {  	s1 =	srdreg.scid  }
0x8b: {  	s0 =	sand.u32 $0x1, s1  }
0x8c: {  	s17 =	sshll.u32 s0, $0xA;
	s2 =	sadd.s32 s3, s2  }
0x8d: {  	s2 =	sadd.s32 s2, s17  }
0x8e: {  	[smem:$0x3FC6] =	sst s2  }
0x8f: {  	_ = 	snop  }
0x90: {  	s2 =	sld [smem:$0x3FC9];
	(tm) =	ssettm $0x1  }
0x91: {  	s18 =	sld [smem:$0x3FFB];
	_ =	sdelay $0x3  }
0x92: {  	_ =	strace s18  }
0x93: {  	s3 =	sld [smem:$0x3FFC];
	_ =	sdelay $0x3  }
0x94: {  	_ =	strace s3  }
0x95: {  	s3 =	sld [smem:$0x3FFD];
	_ =	sdelay $0x3  }
0x96: {  	_ =	strace s3  }
0x97: {  	_ =	strace $0x8FFFFFFF  }
0x98: {  	s19 =	sld [smem:$0x3FDB];
	_ =	sdelay $0x1  }
0x99: {  	s4 =	simm.s32 $_scs_section_size  }
0x9a: {  	s5 =	simm.s32 $_size__tile_overlayer_lowered;
	s6 =	simm.s32 $_tile_overlayer_lowered  }
0x9b: {  	s22 =	simm.s32 $0x1BFF;
	s21 =	sshll.u32 s6, $0x1;
	s3 =	sadd.s32 s4, s19  }
0x9c: {  	s7 =	simm.s32 $0x0;
	s20 =	sshll.u32 s5, $0x1;
	s5 =	sadd.s32 s21, s3  }
0x9d: {  	[timem:s7], [sflag:s22] =	dma.local [hbm:s5], s20  }
0x9e: {  	_ =	swait.ge [sflag:s22], s20  }
0x9f: {  	s4 =	ssub.s32 $0x0, s20;
	[sflag:s22] =	ssyncset.done $0x0  }
0xa0: {  	[sflag:s22] =	ssyncadd.s32 s4;
	_ =	sdelay $0x1  }
0xa1: {  	s23 =	simm.s32 $0x1B8B  }
0xa2: {  	_ =	swait.ge [sflag:s23], $0x1  }
0xa3: {  	[sflag:s23] =	ssyncset.done $0x0  }
0xa4: {  	s25 =	simm.s32 $0x1B8E;
	s24 =	sld [smem:$0x3FFE];
	[sflag:s23] =	ssyncadd.s32 $0xFFFFFFFF  }
0xa5: {  	s26 =	simm.s32 $execute0_lowered;
	[smem:$0x3FD2] =	sst s25  }
0xa6: {  	s5 =	sshll.u32 s26, $0x1;
	_ =	strace $0x80000046;
	[dreg:$0x1] =	wrdreg $0xFFFFFFFF  }
0xa7: {  	s28 =	simm.s32 $_size_execute0_lowered;
	s3 =	sadd.s32 s3, s5;
	[dreg:$0x0] =	wrdreg $0x0  }
0xa8: {  	s5 =	sshll.u32 s28, $0x1;
	[dreg:$0x2] =	wrdreg s3  }
0xa9: {  	[dreg:$0x3] =	wrdreg s5  }
0xaa: {  	[dreg:$0x4] =	wrdreg $0xC0  }
0xab: {  	_ =	task [dreg:s7], $0x5FFFF  }
0xac: {  	[dreg:$0x1] =	wrdreg $0xFFFFFFFF  }
0xad: {  	[dreg:$0x0] =	wrdreg $0x60  }
0xae: {  	[dreg:$0x2] =	wrdreg s2  }
0xaf: {  	[dreg:$0x3] =	wrdreg s24  }
0xb0: {  	[dreg:$0x4] =	wrdreg $0x9  }
0xb1: {  	_ =	task.clear_ibuf [dreg:s7], $0x5FFFF;
	_ =	strace $0x90000046  }
0xb2: {  	s29 =	simm.s32 $0x9;
	_ =	strace $0x80000048  }
0xb3: {  	_ =	swait.ge [sflag:s29], $0x1  }
0xb4: {  	[sflag:s29] =	ssyncadd.s32 $0xFFFFFFFF  }
0xb5: {  	_ =	strace $0x90000048  }
0xb6: {  	_ =	sfence  }
0xb7: {  	s30 =	sld [smem:$0x0];
	_ =	sdelay $0x2  }
0xb8: {  	s31 =	sshll.u32 s1, $0xD;
	s1 =	sshrl.u32 s1, $0x2  }
0xb9: {  	s3 =	sand.u32 $0x4000, s31;
	s1 =	sadd.s32 s1, s30  }
0xba: {  	s0 =	sor.u32 s3, s0;
	s1 =	sshll.u32 s1, $0x11  }
0xbb: {  	s0 =	sor.u32 s1, s0  }
0xbc: {  	s0 =	sadd.s32 $0x8F2B, s0  }
0xbd: {  	[sflag:s0] =	ssyncadd.remote.s32 $0x1  }
0xbe: {  	_ =	sfence.sel $0xFFFF  }
0xbf: {  	[dreg:$0x0] =	wrdreg $0xFFFFFFFF;
	(pc) =	sbr.abs _section_cstart, $3  }
0xc0: {  	[dreg:$0x1] =	wrdreg $0xFFFFFFFF  }
0xc1: {  	_ =	task.clear_ibuf [dreg:s7], $0x2FFFF;
	_ =	strace $0x9FFFFFFF  }
0xc2: {  	(tm) =	ssettm $0x7FFFFFFF  }
0xc3: {  	_ =	shalt  }
tec
execute0_lowered:
.L_overlay_start_1:
0x0: {  	(tag) =	ssettag $0x1  }
0x1: {  	s5 =	rddreg [dreg:$0x0]  }
0x2: {  	s4 =	rddreg [dreg:$0x1];
	s2 =	srdreg.scid  }
0x3: {  	s0 =	rddreg [dreg:$0x2];
	s1 =	stileid.u32  }
0x4: {  	s11 =	simm.s32 $0x80;
	s12 =	simm.s32 $0x200;
	s13 =	simm.s32 $0x600  }
0x5: {  	s14 =	simm.s32 $0x280;
	s15 =	simm.s32 $0x4600;
	s16 =	simm.s32 $0x1  }
0x6: {  	s17 =	simm.s32 $0x8600;
	s18 =	simm.s32 $0x300;
	s19 =	simm.s32 $0x2  }
0x7: {  	s20 =	simm.s32 $0xC600;
	s21 =	simm.s32 $0x380;
	s22 =	simm.s32 $0x3  }
0x8: {  	s23 =	simm.s32 $0x5;
	s24 =	simm.s32 $0x4;
	s3 =	sand.u32 $0x1, s2  }
0x9: {  	s2 =	simm.s32 $0x0;
	s6 =	sshll.u32 s1, $0xA;
	s7 =	sshll.u32 s3, $0x9  }
0xa: {  	v0 =	vlaneseq.u32;
	s25 =	simm.s32 $0x0;
	[smem:$0x7FF] =	sst s2;
	s6 =	sor.u32 s7, s6  }
0xb: {  	v0 =	vmul.u32 $0x80, v0;
	s8 =	ssub.s32 $0x2, s3;
	s3 =	sadd.s32 $0x400, s4;
	s7 =	sshll.u32 s6, $0x4  }
0xc: {  	_ =	strace $0x80000047;
	s31 =	sshrl.u32 s8, $0x1;
	s9 =	sadd.s32 s7, s4  }
0xd: {  	v1 =	vimm.s32 $0xD;
	v2 =	vor.u32 $0x800, v0;
	s10 =	ssub.s32 s8, s31;
	s6 =	sshrl.u32 s6, $0x3;
	s4 =	sadd.s32 $0x7A1800, s9  }
0xe: {  	v3 =	vor.u32 $0x1000, v0;
	v4 =	vor.u32 $0x1800, v0;
	v5 =	vor.u32 $0x2000, v0;
	s5 =	sadd.s32 s5, s6;
	s6 =	sadd.s32 $0x7A2000, s9;
	s7 =	sadd.s32 $0x7A2800, s9  }
0xf: {  	v6 =	vor.u32 $0x2800, v0;
	v7 =	vor.u32 $0x3000, v0;
	v8 =	vor.u32 $0x3800, v0;
	s8 =	sadd.s32 $0x7A3000, s9;
	s9 =	smax.u32 s10, $0x1;
	s10 =	simm.s32 $0x6  }
.LBB2_1:
0x10: {  	[tilespmem:s2], [sflag:$0x6] =	stream.linear.gather [hbm4b:s5+s2], $0x200, $0x38;
	[tilespmem:$0x10600] =	vst v63  }
0x11: {  	_ =	swait.ge [sflag:s10], $0x200  }
0x12: {  	[sflag:s10] =	ssyncset.done $0x0  }
0x13: {  	[sflag:s10] =	ssyncadd.s32 $0xFFFFFE00  }
0x14: {  	v10 =	vld [tilespmem:$0x0];
	_ =	sdelay $0x1  }
0x15: {  	v12 =	vld [tilespmem:$0x10]  }
0x16: {  	v21 =	vld [tilespmem:$0x50]  }
0x17: {  	v23 =	vld [tilespmem:$0x60]  }
0x18: {  	v63 =	vld [tilespmem:$0x70];
	v9 =	vadd.s32 $0xFFF0C000, v10;
	v11 =	vshrl.u32 v10, $0x1  }
0x19: {  	v13 =	vand.u32 $0x3F, v10;
	v14 =	vand.u32 $0x1FFF, v10;
	vm0 =	vgt.s32 v10, $0xF3FFF  }
0x1a: {  	v38 =	vld [tilespmem:$0x80];
	v15 =	vand.u32 $0x1FFF, v12;
	v16 =	vand.u32 $0x3F, v12;
	vm9 =	vgt.s32 v12, $0xF3FFF  }
0x1b: {  	v30 =	vld [tilespmem:$0x90];
	v24 =	vand.u32 $0x1FFF, v21;
	v25 =	vand.u32 $0x3F, v21;
	vm13 =	vgt.s32 v21, $0xF3FFF  }
0x1c: {  	v36 =	vshrl.u32 v23, $0x1;
	v26 =	vand.u32 $0x3F, v23;
	v27 =	vand.u32 $0x1FFF, v23  }
0x1d: {  	v50 =	vld [tilespmem:$0xA0];
	vm14 =	vgt.s32 v23, $0xF3FFF;
	v39 =	vshrl.u32 v63, $0x1;
	v40 =	vadd.s32 $0xFFF0C000, v63  }
0x1e: {  	v33 =	vld [tilespmem:$0xB0];
	v43 =	vand.u32 $0x1FFF, v63;
	v28 =	vand.u32 $0x3F, v63;
	vm15 =	vgt.s32 v63, $0xF3FFF  }
0x1f: {  	v44 =	vadd.s32 $0xFFF0C000, v38;
	v47 =	vshrl.u32 v38, $0x1;
	v31 =	vand.u32 $0x3F, v38  }
0x20: {  	v32 =	vand.u32 $0x1FFF, v38;
	vm4 =	vgt.s32 v38, $0xF3FFF;
	v52 =	vshrl.u32 v30, $0x1  }
0x21: {  	v53 =	vadd.s32 $0xFFF0C000, v30;
	v56 =	vand.u32 $0x1FFF, v30;
	v57 =	vand.u32 $0x3F, v30  }
0x22: {  	vm5 =	vgt.s32 v30, $0xF3FFF;
	v59 =	vadd.s32 $0xFFF0C000, v50;
	v61 =	vshrl.u32 v50, $0x1  }
0x23: {  	v34 =	vand.u32 $0x1FFF, v50;
	vm6 =	vgt.s32 v50, $0xF3FFF;
	vm7 =	vgt.s32 v33, $0xF3FFF  }
0x24: {  	v9 =	vshrl.u32 v9, $0x1;
	v11 =	vand.u32 $0x7FFFE000, v11;
	v41 =	vand.u32 $0x7FFFE000, v39  }
0x25: {  	v42 =	vshrl.u32 v40, $0x1;
	v29 =	vsel vm14, $0x6, v1;
	v45 =	vsel vm15, $0x6, v1  }
0x26: {  	v46 =	vshrl.u32 v44, $0x1;
	v51 =	vsel vm4, $0x6, v1;
	v54 =	vand.u32 $0x7FFFE000, v52  }
0x27: {  	v55 =	vshrl.u32 v53, $0x1;
	v58 =	vsel vm5, $0x6, v1;
	v9 =	vand.u32 $0x7FFFFFC0, v9  }
0x28: {  	v60 =	vshrl.u32 v59, $0x1;
	v9 =	vor.u32 v13, v9;
	v13 =	vsel vm0, $0x6, v1  }
0x29: {  	v11 =	vor.u32 v14, v11;
	v14 =	vadd.s32 $0xFFF0C000, v12;
	v10 =	vshrl.u32 v10, v13;
	v13 =	vld [tilespmem:$0x20]  }
0x2a: {  	v44 =	vadd.s32 $0xFFF0C000, v33;
	v14 =	vshrl.u32 v14, $0x1;
	v9 =	vadd.s32 $0x7A000, v9  }
0x2b: {  	v9 =	vsel vm0, v9, v11;
	v11 =	vshll.u32 v10, $0x6;
	v10 =	vshrl.u32 v12, $0x1  }
0x2c: {  	v35 =	vsel vm6, $0x6, v1;
	v14 =	vand.u32 $0x7FFFFFC0, v14;
	v10 =	vand.u32 $0x7FFFE000, v10  }
0x2d: {  	v14 =	vor.u32 v16, v14;
	v10 =	vor.u32 v15, v10;
	v15 =	vsel vm9, $0x6, v1  }
0x2e: {  	v14 =	vadd.s32 $0x7A000, v14;
	v12 =	vshrl.u32 v12, v15;
	v15 =	vadd.s32 $0xFFF0C000, v13  }
0x2f: {  	v10 =	vsel vm9, v14, v10;
	v12 =	vshll.u32 v12, $0x6;
	v14 =	vshrl.u32 v15, $0x1;
	v15 =	vld [tilespmem:$0x30]  }
0x30: {  	v16 =	vshrl.u32 v13, $0x1;
	v17 =	vand.u32 $0x3F, v13;
	v14 =	vand.u32 $0x7FFFFFC0, v14  }
0x31: {  	v18 =	vand.u32 $0x1FFF, v13;
	v16 =	vand.u32 $0x7FFFE000, v16;
	v14 =	vor.u32 v17, v14  }
0x32: {  	vm10 =	vgt.s32 v13, $0xF3FFF;
	v16 =	vor.u32 v18, v16;
	v17 =	vadd.s32 $0x7A000, v14  }
0x33: {  	v12 =	vand.u32 $0x40, v12;
	v14 =	vand.u32 $0x40, v11;
	v11 =	vsel vm10, v17, v16;
	v17 =	vld [tilespmem:$0x40]  }
0x34: {  	v16 =	vsel vm10, $0x6, v1;
	v19 =	vshrl.u32 v15, $0x1;
	v20 =	vadd.s32 $0xFFF0C000, v15  }
0x35: {  	v18 =	vshrl.u32 v13, v16;
	v13 =	vand.u32 $0x7FFFE000, v19;
	v16 =	vshrl.u32 v20, $0x1  }
0x36: {  	v19 =	vand.u32 $0x1FFF, v15;
	v20 =	vand.u32 $0x3F, v15;
	v16 =	vand.u32 $0x7FFFFFC0, v16  }
0x37: {  	vm11 =	vgt.s32 v15, $0xF3FFF;
	v13 =	vor.u32 v19, v13;
	v16 =	vor.u32 v20, v16  }
0x38: {  	v19 =	vsel vm11, $0x6, v1;
	v16 =	vadd.s32 $0x7A000, v16;
	v20 =	vadd.s32 $0xFFF0C000, v17  }
0x39: {  	v22 =	vand.u32 $0x1FFF, v17;
	vm12 =	vgt.s32 v17, $0xF3FFF;
	v13 =	vsel vm11, v16, v13  }
0x3a: {  	v16 =	vshrl.u32 v15, v19;
	v15 =	vshrl.u32 v20, $0x1;
	v19 =	vshrl.u32 v17, $0x1  }
0x3b: {  	v20 =	vand.u32 $0x3F, v17;
	v15 =	vand.u32 $0x7FFFFFC0, v15;
	v19 =	vand.u32 $0x7FFFE000, v19  }
0x3c: {  	v62 =	vsel vm12, $0x6, v1;
	v15 =	vor.u32 v20, v15;
	v19 =	vor.u32 v22, v19  }
0x3d: {  	v20 =	vadd.s32 $0xFFF0C000, v21;
	v22 =	vshrl.u32 v17, v62;
	v15 =	vadd.s32 $0x7A000, v15  }
0x3e: {  	v62 =	vand.u32 $0x3F, v50;
	v15 =	vsel vm12, v15, v19;
	v19 =	vshrl.u32 v21, $0x1  }
0x3f: {  	[tilespmem:$0x220] =	vst v11;
	v20 =	vshrl.u32 v20, $0x1;
	v11 =	vshll.u32 v22, $0x6;
	v19 =	vand.u32 $0x7FFFE000, v19  }
0x40: {  	v20 =	vand.u32 $0x7FFFFFC0, v20;
	v11 =	vand.u32 $0x40, v11;
	v17 =	vor.u32 v24, v19  }
0x41: {  	v19 =	vor.u32 v25, v20;
	v20 =	vadd.s32 $0xFFF0C000, v23;
	v25 =	vand.u32 $0x7FFFE000, v36  }
0x42: {  	v24 =	vor.u32 v56, v54;
	v19 =	vadd.s32 $0x7A000, v19;
	v20 =	vshrl.u32 v20, $0x1  }
0x43: {  	v17 =	vsel vm13, v19, v17;
	v19 =	vsel vm13, $0x6, v1;
	v20 =	vand.u32 $0x7FFFFFC0, v20  }
0x44: {  	v36 =	vand.u32 $0x1FFF, v33;
	v26 =	vor.u32 v26, v20;
	v20 =	vshrl.u32 v21, v19  }
0x45: {  	v19 =	vor.u32 v27, v25;
	v21 =	vor.u32 v43, v41;
	v27 =	vand.u32 $0x7FFFE000, v47  }
0x46: {  	v54 =	vld [tilespmem:$0xE0];
	v25 =	vand.u32 $0x7FFFFFC0, v55;
	v43 =	vshrl.u32 v33, $0x1;
	v37 =	vadd.s32 $0x7A000, v26  }
0x47: {  	v26 =	vand.u32 $0x7FFFFFC0, v42;
	v48 =	vor.u32 v32, v27;
	v27 =	vshrl.u32 v63, v45  }
0x48: {  	v25 =	vor.u32 v57, v25;
	v32 =	vshrl.u32 v44, $0x1;
	v19 =	vsel vm14, v37, v19  }
0x49: {  	v26 =	vor.u32 v28, v26;
	v28 =	vshrl.u32 v38, v51;
	v25 =	vadd.s32 $0x7A000, v25  }
0x4a: {  	v37 =	vand.u32 $0x7FFFFFC0, v32;
	v38 =	vand.u32 $0x3F, v33;
	v32 =	vshrl.u32 v50, v35  }
0x4b: {  	v44 =	vand.u32 $0x1FFF, v54;
	vm10 =	vgt.s32 v54, $0xF3FFF;
	v26 =	vadd.s32 $0x7A000, v26  }
0x4c: {  	v63 =	vld [tilespmem:$0xC0];
	v24 =	vsel vm5, v25, v24;
	v25 =	vand.u32 $0x7FFFFFC0, v60;
	v60 =	vadd.s32 $0xFFF0C000, v54  }
0x4d: {  	v42 =	vld [tilespmem:$0xF0];
	v21 =	vsel vm15, v26, v21;
	v26 =	vand.u32 $0x7FFFFFC0, v46;
	v25 =	vor.u32 v62, v25  }
0x4e: {  	v46 =	vor.u32 v38, v37;
	v62 =	vshrl.u32 v54, $0x1;
	v26 =	vor.u32 v31, v26  }
0x4f: {  	v31 =	vshrl.u32 v30, v58;
	v30 =	vand.u32 $0x7FFFE000, v61;
	v25 =	vadd.s32 $0x7A000, v25  }
0x50: {  	v49 =	vadd.s32 $0x7A000, v26;
	v26 =	vshrl.u32 v23, v29;
	v30 =	vor.u32 v34, v30  }
0x51: {  	v47 =	vadd.s32 $0xFFF0C000, v63;
	v50 =	vshrl.u32 v63, $0x1;
	v51 =	vand.u32 $0x3F, v63  }
0x52: {  	v39 =	vand.u32 $0x1FFF, v63;
	vm8 =	vgt.s32 v63, $0xF3FFF;
	vm11 =	vgt.s32 v42, $0xF3FFF  }
0x53: {  	[tilespmem:$0x250] =	vst v17;
	v17 =	vshll.u32 v31, $0x6;
	v23 =	vsel vm4, v49, v48;
	v25 =	vsel vm6, v25, v30  }
0x54: {  	v30 =	vand.u32 $0x7FFFE000, v43;
	v49 =	vsel vm7, $0x6, v1;
	v35 =	vshrl.u32 v47, $0x1  }
0x55: {  	v37 =	vand.u32 $0x7FFFE000, v50;
	v41 =	vsel vm8, $0x6, v1;
	v43 =	vand.u32 $0x3F, v54  }
0x56: {  	v50 =	vshrl.u32 v42, $0x1;
	v45 =	vor.u32 v36, v30;
	v30 =	vadd.s32 $0x7A000, v46  }
0x57: {  	v48 =	vld [tilespmem:$0xD0];
	v35 =	vand.u32 $0x7FFFFFC0, v35;
	v52 =	vor.u32 v39, v37;
	v39 =	vshrl.u32 v60, $0x1  }
0x58: {  	v29 =	vsel vm7, v30, v45;
	v38 =	vor.u32 v51, v35;
	v35 =	vshrl.u32 v33, v49  }
0x59: {  	v39 =	vand.u32 $0x7FFFFFC0, v39;
	v49 =	vsel vm10, $0x6, v1;
	v53 =	vadd.s32 $0x7A000, v38  }
0x5a: {  	v51 =	vadd.s32 $0xFFF0C000, v42;
	v39 =	vor.u32 v43, v39;
	v30 =	vsel vm8, v53, v52  }
0x5b: {  	v43 =	vadd.s32 $0x7A000, v39;
	v39 =	vshrl.u32 v63, v41;
	v52 =	vand.u32 $0x7FFFE000, v50  }
0x5c: {  	v45 =	vld [tilespmem:$0x110];
	v53 =	vshrl.u32 v51, $0x1;
	v55 =	vshrl.u32 v48, $0x1;
	v56 =	vadd.s32 $0xFFF0C000, v48  }
0x5d: {  	v59 =	vand.u32 $0x1FFF, v48;
	v40 =	vand.u32 $0x3F, v48;
	vm9 =	vgt.s32 v48, $0xF3FFF  }
0x5e: {  	v63 =	vld [tilespmem:$0x100];
	v38 =	vand.u32 $0x7FFFFFC0, v53;
	v57 =	vand.u32 $0x7FFFE000, v55;
	v58 =	vshrl.u32 v56, $0x1  }
0x5f: {  	v61 =	vsel vm9, $0x6, v1;
	v55 =	vand.u32 $0x3F, v42;
	v56 =	vsel vm11, $0x6, v1  }
0x60: {  	v37 =	vand.u32 $0x7FFFFFC0, v58;
	v33 =	vor.u32 v59, v57;
	v38 =	vor.u32 v55, v38  }
0x61: {  	vm13 =	vgt.s32 v45, $0xF3FFF;
	v37 =	vor.u32 v40, v37;
	v40 =	vand.u32 $0x7FFFE000, v62  }
0x62: {  	v38 =	vadd.s32 $0x7A000, v38;
	v62 =	vadd.s32 $0xFFF0C000, v45;
	v37 =	vadd.s32 $0x7A000, v37  }
0x63: {  	v40 =	vor.u32 v44, v40;
	v57 =	vadd.s32 $0xFFF0C000, v63;
	v59 =	vshrl.u32 v63, $0x1  }
0x64: {  	v60 =	vand.u32 $0x3F, v63;
	v46 =	vand.u32 $0x1FFF, v63;
	vm12 =	vgt.s32 v63, $0xF3FFF  }
0x65: {  	v44 =	vshrl.u32 v62, $0x1;
	v33 =	vsel vm9, v37, v33;
	v37 =	vshrl.u32 v48, v61  }
0x66: {  	v34 =	vsel vm10, v43, v40;
	v40 =	vshrl.u32 v54, v49;
	v54 =	vand.u32 $0x1FFF, v42  }
0x67: {  	v42 =	vshrl.u32 v42, v56;
	v58 =	vshrl.u32 v57, $0x1;
	v43 =	vand.u32 $0x7FFFE000, v59  }
0x68: {  	v61 =	vshrl.u32 v45, $0x1;
	v47 =	vsel vm12, $0x6, v1;
	v48 =	vand.u32 $0x1FFF, v45  }
0x69: {  	v44 =	vand.u32 $0x7FFFFFC0, v44;
	v49 =	vand.u32 $0x3F, v45;
	v36 =	vor.u32 v54, v52  }
0x6a: {  	v43 =	vor.u32 v46, v43;
	v46 =	vld [tilespmem:$0x120];
	v36 =	vsel vm11, v38, v36;
	v38 =	vand.u32 $0x7FFFFFC0, v58  }
0x6b: {  	[tilespmem:$0x2C0] =	vst v30;
	v47 =	vshrl.u32 v63, v47;
	v52 =	vor.u32 v49, v44;
	v38 =	vor.u32 v60, v38  }
0x6c: {  	v54 =	vsel vm13, $0x6, v1;
	v30 =	vshll.u32 v42, $0x6;
	[tilespmem:$0x2D0] =	vst v33;
	v33 =	vld [tilespmem:$0x1C0];
	v38 =	vadd.s32 $0x7A000, v38  }
0x6d: {  	v45 =	vshrl.u32 v45, v54;
	v38 =	vsel vm12, v38, v43;
	v43 =	vand.u32 $0x7FFFE000, v61  }
0x6e: {  	v54 =	vld [tilespmem:$0x150];
	v22 =	vand.u32 $0x40, v30;
	[tilespmem:$0x2F0] =	vst v36;
	v36 =	vshll.u32 v45, $0x6;
	v63 =	vor.u32 v48, v43  }
0x6f: {  	v43 =	vadd.s32 $0x7A000, v52;
	v53 =	vadd.s32 $0xFFF0C000, v46;
	v55 =	vshrl.u32 v46, $0x1  }
0x70: {  	v48 =	vld [tilespmem:$0x130];
	v50 =	vand.u32 $0x3F, v46;
	v51 =	vand.u32 $0x1FFF, v46;
	vm14 =	vgt.s32 v46, $0xF3FFF  }
0x71: {  	v45 =	vand.u32 $0x3F, v33;
	vm12 =	vgt.s32 v33, $0xF3FFF;
	v41 =	vsel vm13, v43, v63  }
0x72: {  	v44 =	vshrl.u32 v53, $0x1;
	v49 =	vand.u32 $0x7FFFE000, v55;
	v53 =	vsel vm14, $0x6, v1  }
0x73: {  	vm5 =	vgt.s32 v54, $0xF3FFF;
	v44 =	vand.u32 $0x7FFFFFC0, v44;
	[tilespmem:$0x310] =	vst v41;
	v41 =	vadd.s32 $0xFFF0C000, v33  }
0x74: {  	v56 =	vor.u32 v51, v49;
	v49 =	vld [tilespmem:$0x140];
	v44 =	vor.u32 v50, v44;
	v42 =	vshrl.u32 v41, $0x1  }
0x75: {  	v44 =	vadd.s32 $0x7A000, v44;
	v57 =	vshrl.u32 v48, $0x1;
	v58 =	vadd.s32 $0xFFF0C000, v48  }
0x76: {  	v43 =	vsel vm14, v44, v56;
	v61 =	vand.u32 $0x1FFF, v48;
	v52 =	vand.u32 $0x3F, v48  }
0x77: {  	vm15 =	vgt.s32 v48, $0xF3FFF;
	v59 =	vand.u32 $0x7FFFE000, v57;
	v60 =	vshrl.u32 v58, $0x1  }
0x78: {  	v63 =	vsel vm15, $0x6, v1;
	[tilespmem:$0x320] =	vst v43;
	v43 =	vand.u32 $0x1FFF, v33;
	v50 =	vand.u32 $0x7FFFFFC0, v60  }
0x79: {  	v44 =	vor.u32 v61, v59;
	v62 =	vadd.s32 $0xFFF0C000, v49;
	v58 =	vshrl.u32 v49, $0x1  }
0x7a: {  	v55 =	vand.u32 $0x3F, v49;
	v56 =	vand.u32 $0x1FFF, v49;
	vm4 =	vgt.s32 v49, $0xF3FFF  }
0x7b: {  	v48 =	vshrl.u32 v48, v63;
	v61 =	vshrl.u32 v54, $0x1;
	v50 =	vor.u32 v52, v50  }
0x7c: {  	v51 =	vshrl.u32 v62, $0x1;
	v52 =	vand.u32 $0x7FFFE000, v58;
	v60 =	vsel vm4, $0x6, v1  }
0x7d: {  	v62 =	vadd.s32 $0xFFF0C000, v54;
	v63 =	vand.u32 $0x7FFFE000, v61;
	v61 =	vand.u32 $0x1FFF, v54  }
0x7e: {  	v48 =	vshll.u32 v48, $0x6;
	v58 =	vsel vm12, $0x6, v1;
	v50 =	vadd.s32 $0x7A000, v50  }
0x7f: {  	v51 =	vand.u32 $0x7FFFFFC0, v51;
	v59 =	vor.u32 v56, v52;
	v52 =	vshrl.u32 v46, v53;
	v53 =	vld [tilespmem:$0x160]  }
0x80: {  	[tilespmem:$0x4F0] =	vst v22;
	v22 =	vand.u32 $0x40, v48;
	v44 =	vsel vm15, v50, v44;
	v51 =	vor.u32 v55, v51  }
0x81: {  	v50 =	vshrl.u32 v49, v60;
	v60 =	vshrl.u32 v62, $0x1;
	v51 =	vadd.s32 $0x7A000, v51  }
0x82: {  	v62 =	vand.u32 $0x3F, v54;
	v55 =	vld [tilespmem:$0x170];
	v46 =	vsel vm4, v51, v59;
	v51 =	vand.u32 $0x7FFFFFC0, v60  }
0x83: {  	v49 =	vor.u32 v61, v63;
	v63 =	vsel vm5, $0x6, v1;
	v51 =	vor.u32 v62, v51  }
0x84: {  	v51 =	vadd.s32 $0x7A000, v51;
	v60 =	vadd.s32 $0xFFF0C000, v53;
	v62 =	vshrl.u32 v53, $0x1  }
0x85: {  	v57 =	vand.u32 $0x3F, v53;
	vm6 =	vgt.s32 v53, $0xF3FFF;
	v49 =	vsel vm5, v51, v49  }
0x86: {  	v51 =	vshrl.u32 v54, v63;
	v61 =	vshrl.u32 v60, $0x1;
	v56 =	vand.u32 $0x7FFFE000, v62  }
0x87: {  	[tilespmem:$0x200] =	vst v9;
	v63 =	vand.u32 $0x1FFF, v53;
	v60 =	vshll.u32 v18, $0x6;
	v9 =	vshrl.u32 v55, $0x1  }
0x88: {  	[tilespmem:$0x400] =	vst v14;
	v62 =	vadd.s32 $0xFFF0C000, v55;
	v14 =	vand.u32 $0x1FFF, v55;
	vm7 =	vgt.s32 v55, $0xF3FFF  }
0x89: {  	v54 =	vand.u32 $0x7FFFFFC0, v61;
	v56 =	vor.u32 v63, v56;
	v61 =	vsel vm6, $0x6, v1;
	v63 =	vld [tilespmem:$0x180]  }
0x8a: {  	[tilespmem:$0x410] =	vst v12;
	v9 =	vand.u32 $0x7FFFE000, v9;
	v12 =	vand.u32 $0x40, v60;
	v54 =	vor.u32 v57, v54  }
0x8b: {  	v53 =	vshrl.u32 v53, v61;
	v9 =	vor.u32 v14, v9;
	v54 =	vadd.s32 $0x7A000, v54  }
0x8c: {  	v14 =	vand.u32 $0x3F, v55;
	v18 =	vsel vm6, v54, v56;
	v54 =	vshrl.u32 v62, $0x1  }
0x8d: {  	[tilespmem:$0x210] =	vst v10;
	v57 =	vshll.u32 v53, $0x6;
	v10 =	vand.u32 $0x7FFFFFC0, v54;
	v54 =	vshll.u32 v51, $0x6  }
0x8e: {  	[tilespmem:$0x230] =	vst v13;
	v10 =	vor.u32 v14, v10;
	v14 =	vshll.u32 v16, $0x6;
	v13 =	vshrl.u32 v63, $0x1  }
0x8f: {  	[tilespmem:$0x240] =	vst v15;
	v15 =	vand.u32 $0x3F, v63;
	v16 =	vshll.u32 v27, $0x6;
	vm8 =	vgt.s32 v63, $0xF3FFF  }
0x90: {  	v27 =	vshll.u32 v37, $0x6;
	v37 =	vshll.u32 v52, $0x6;
	v52 =	vshll.u32 v50, $0x6  }
0x91: {  	[tilespmem:$0x420] =	vst v12;
	v56 =	vand.u32 $0x40, v54;
	v10 =	vadd.s32 $0x7A000, v10;
	v12 =	vand.u32 $0x40, v14  }
0x92: {  	[tilespmem:$0x300] =	vst v38;
	v14 =	vadd.s32 $0xFFF0C000, v63;
	v38 =	vand.u32 $0x40, v37;
	v9 =	vsel vm7, v10, v9  }
0x93: {  	v10 =	vsel vm7, $0x6, v1;
	[tilespmem:$0x430] =	vst v12;
	v12 =	vand.u32 $0x7FFFE000, v13;
	v13 =	vshrl.u32 v14, $0x1  }
0x94: {  	v14 =	vand.u32 $0x1FFF, v63;
	v10 =	vshrl.u32 v55, v10;
	v13 =	vand.u32 $0x7FFFFFC0, v13  }
0x95: {  	[tilespmem:$0x440] =	vst v11;
	v11 =	vor.u32 v14, v12;
	v12 =	vshll.u32 v20, $0x6;
	v55 =	vand.u32 $0x40, v52  }
0x96: {  	[tilespmem:$0x260] =	vst v19;
	v13 =	vor.u32 v15, v13;
	v12 =	vand.u32 $0x40, v12;
	v15 =	vshll.u32 v26, $0x6  }
0x97: {  	v14 =	vld [tilespmem:$0x190];
	v10 =	vshll.u32 v10, $0x6;
	[tilespmem:$0x450] =	vst v12;
	v12 =	vand.u32 $0x40, v15;
	v15 =	vand.u32 $0x40, v16  }
0x98: {  	[tilespmem:$0x2A0] =	vst v25;
	v20 =	vld [tilespmem:$0x1A0];
	v16 =	vshll.u32 v28, $0x6;
	v13 =	vadd.s32 $0x7A000, v13;
	v28 =	vshll.u32 v40, $0x6  }
0x99: {  	[tilespmem:$0x2B0] =	vst v29;
	v40 =	vshrl.u32 v33, $0x1;
	v10 =	vand.u32 $0x40, v10;
	v16 =	vand.u32 $0x40, v16  }
0x9a: {  	[tilespmem:$0x460] =	vst v12;
	v11 =	vsel vm8, v13, v11;
	v12 =	vsel vm8, $0x6, v1;
	v29 =	vand.u32 $0x40, v28  }
0x9b: {  	v12 =	vshrl.u32 v63, v12;
	[tilespmem:$0x480] =	vst v16;
	v16 =	vand.u32 $0x40, v17;
	v17 =	vshll.u32 v32, $0x6  }
0x9c: {  	[tilespmem:$0x470] =	vst v15;
	v13 =	vshrl.u32 v14, $0x1;
	v19 =	vadd.s32 $0xFFF0C000, v14;
	v15 =	vand.u32 $0x1FFF, v14  }
0x9d: {  	vm9 =	vgt.s32 v14, $0xF3FFF;
	[tilespmem:$0x490] =	vst v16;
	v16 =	vand.u32 $0x40, v17;
	v25 =	vadd.s32 $0xFFF0C000, v20  }
0x9e: {  	v26 =	vand.u32 $0x3F, v20;
	vm10 =	vgt.s32 v20, $0xF3FFF;
	v12 =	vshll.u32 v12, $0x6  }
0x9f: {  	v13 =	vand.u32 $0x7FFFE000, v13;
	v19 =	vshrl.u32 v19, $0x1;
	[tilespmem:$0x4A0] =	vst v16;
	v16 =	vshrl.u32 v25, $0x1  }
0xa0: {  	[tilespmem:$0x570] =	vst v10;
	v25 =	vand.u32 $0x40, v57;
	v10 =	vand.u32 $0x40, v12;
	v13 =	vor.u32 v15, v13  }
0xa1: {  	[tilespmem:$0x290] =	vst v24;
	v15 =	vand.u32 $0x7FFFFFC0, v19;
	v19 =	vand.u32 $0x3F, v14;
	v16 =	vand.u32 $0x7FFFFFC0, v16  }
0xa2: {  	[tilespmem:$0x270] =	vst v21;
	v15 =	vor.u32 v19, v15;
	v19 =	vshll.u32 v35, $0x6;
	v16 =	vor.u32 v26, v16  }
0xa3: {  	[tilespmem:$0x280] =	vst v23;
	v63 =	vld [tilespmem:$0x1E0];
	v15 =	vadd.s32 $0x7A000, v15;
	v17 =	vand.u32 $0x40, v19;
	v19 =	vshrl.u32 v20, $0x1  }
0xa4: {  	v13 =	vsel vm9, v15, v13;
	v15 =	vsel vm9, $0x6, v1;
	[tilespmem:$0x4B0] =	vst v17;
	v17 =	vshll.u32 v39, $0x6  }
0xa5: {  	[tilespmem:$0x2E0] =	vst v34;
	v14 =	vshrl.u32 v14, v15;
	v15 =	vand.u32 $0x7FFFE000, v19;
	v19 =	vand.u32 $0x1FFF, v20  }
0xa6: {  	[tilespmem:$0x530] =	vst v22;
	v16 =	vadd.s32 $0x7A000, v16;
	v17 =	vand.u32 $0x40, v17;
	v15 =	vor.u32 v19, v15;
	v19 =	vld [tilespmem:$0x1B0]  }
0xa7: {  	[tilespmem:$0x4C0] =	vst v17;
	v17 =	vand.u32 $0x40, v27;
	v15 =	vsel vm10, v16, v15;
	v16 =	vsel vm10, $0x6, v1  }
0xa8: {  	vm14 =	vgt.s32 v63, $0xF3FFF;
	[tilespmem:$0x4D0] =	vst v17;
	v17 =	vshll.u32 v47, $0x6;
	v47 =	vld [tilespmem:$0x1D0];
	v16 =	vshrl.u32 v20, v16  }
0xa9: {  	[tilespmem:$0x380] =	vst v11;
	v12 =	vshll.u32 v14, $0x6;
	v17 =	vand.u32 $0x40, v17;
	v14 =	vshll.u32 v16, $0x6  }
0xaa: {  	v11 =	vand.u32 $0x40, v12;
	[tilespmem:$0x500] =	vst v17;
	v17 =	vand.u32 $0x40, v36;
	v12 =	vand.u32 $0x40, v14  }
0xab: {  	[tilespmem:$0x330] =	vst v44;
	v20 =	vshrl.u32 v19, $0x1;
	v31 =	vadd.s32 $0xFFF0C000, v19;
	v32 =	vand.u32 $0x1FFF, v19  }
0xac: {  	[tilespmem:$0x340] =	vst v46;
	v35 =	vand.u32 $0x3F, v19;
	vm11 =	vgt.s32 v19, $0xF3FFF;
	v20 =	vand.u32 $0x7FFFE000, v20  }
0xad: {  	[tilespmem:$0x350] =	vst v49;
	v23 =	vshrl.u32 v31, $0x1;
	v39 =	vsel vm11, $0x6, v1;
	v59 =	vadd.s32 $0xFFF0C000, v47  }
0xae: {  	[tilespmem:$0x360] =	vst v18;
	v60 =	vshrl.u32 v47, $0x1;
	v61 =	vand.u32 $0x3F, v47;
	v62 =	vand.u32 $0x1FFF, v47  }
0xaf: {  	[tilespmem:$0x550] =	vst v56;
	vm13 =	vgt.s32 v47, $0xF3FFF;
	v20 =	vor.u32 v32, v20;
	v34 =	vand.u32 $0x7FFFFFC0, v23  }
0xb0: {  	[tilespmem:$0x510] =	vst v17;
	v17 =	vshrl.u32 v19, v39;
	v19 =	vand.u32 $0x7FFFE000, v40;
	v21 =	vor.u32 v35, v34  }
0xb1: {  	[tilespmem:$0x520] =	vst v38;
	v22 =	vshrl.u32 v59, $0x1;
	v18 =	vand.u32 $0x7FFFE000, v60;
	v21 =	vadd.s32 $0x7A000, v21  }
0xb2: {  	[tilespmem:$0x370] =	vst v9;
	v16 =	vsel vm13, $0x6, v1;
	v20 =	vsel vm11, v21, v20;
	v21 =	vand.u32 $0x7FFFFFC0, v42  }
0xb3: {  	[tilespmem:$0x540] =	vst v55;
	v19 =	vor.u32 v43, v19;
	v22 =	vand.u32 $0x7FFFFFC0, v22;
	v21 =	vor.u32 v45, v21  }
0xb4: {  	[tilespmem:$0x4E0] =	vst v29;
	v18 =	vor.u32 v62, v18;
	v14 =	vshll.u32 v17, $0x6;
	v21 =	vadd.s32 $0x7A000, v21  }
0xb5: {  	[tilespmem:$0x560] =	vst v25;
	v22 =	vor.u32 v61, v22;
	v19 =	vsel vm12, v21, v19;
	v21 =	vshrl.u32 v33, v58  }
0xb6: {  	[tilespmem:$0x580] =	vst v10;
	v17 =	vld [tilespmem:$0x1F0];
	v10 =	vand.u32 $0x40, v14;
	v22 =	vadd.s32 $0x7A000, v22;
	v14 =	vshll.u32 v21, $0x6  }
0xb7: {  	[tilespmem:$0x390] =	vst v13;
	v13 =	vand.u32 $0x40, v14;
	v14 =	vshrl.u32 v47, v16;
	v16 =	vadd.s32 $0xFFF0C000, v63  }
0xb8: {  	[tilespmem:$0x590] =	vst v11;
	v9 =	vsel vm13, v22, v18;
	v11 =	vshll.u32 v14, $0x6;
	v16 =	vshrl.u32 v16, $0x1  }
0xb9: {  	[tilespmem:$0x3A0] =	vst v15;
	v14 =	vshrl.u32 v63, $0x1;
	v15 =	vand.u32 $0x7FFFFFC0, v16;
	v16 =	vand.u32 $0x3F, v63  }
0xba: {  	[tilespmem:$0x5A0] =	vst v12;
	v14 =	vand.u32 $0x7FFFE000, v14;
	v12 =	vor.u32 v16, v15;
	v15 =	vand.u32 $0x1FFF, v63  }
0xbb: {  	[tilespmem:$0x5B0] =	vst v10;
	vm15 =	vgt.s32 v17, $0xF3FFF;
	v14 =	vor.u32 v15, v14;
	v12 =	vadd.s32 $0x7A000, v12  }
0xbc: {  	[tilespmem:$0x3B0] =	vst v20;
	v10 =	vand.u32 $0x40, v11;
	v15 =	vsel vm14, $0x6, v1;
	v11 =	vsel vm14, v12, v14  }
0xbd: {  	[tilespmem:$0x5C0] =	vst v13;
	v12 =	vshrl.u32 v63, v15;
	v14 =	vshrl.u32 v17, $0x1;
	v15 =	vadd.s32 $0xFFF0C000, v17  }
0xbe: {  	[tilespmem:$0x5D0] =	vst v10;
	v10 =	vand.u32 $0x1FFF, v17;
	v13 =	vand.u32 $0x7FFFE000, v14;
	v14 =	vshrl.u32 v15, $0x1  }
0xbf: {  	[tilespmem:$0x3D0] =	vst v9;
	v12 =	vshll.u32 v12, $0x6;
	v9 =	vand.u32 $0x7FFFFFC0, v14;
	v14 =	vand.u32 $0x3F, v17  }
0xc0: {  	[tilespmem:$0x3C0] =	vst v19;
	v12 =	vand.u32 $0x40, v12;
	v9 =	vor.u32 v14, v9;
	v14 =	vsel vm15, $0x6, v1  }
0xc1: {  	[tilespmem:$0x3E0] =	vst v11;
	v10 =	vor.u32 v10, v13;
	v9 =	vadd.s32 $0x7A000, v9;
	v11 =	vshrl.u32 v17, v14  }
0xc2: {  	[tilespmem:$0x5E0] =	vst v12;
	v9 =	vsel vm15, v9, v10;
	v10 =	vshll.u32 v11, $0x6  }
0xc3: {  	[tilespmem:$0x3F0] =	vst v9;
	v9 =	vand.u32 $0x40, v10  }
0xc4: {  	[tilespmem:$0x5F0] =	vst v9  }
0xc5: {  	[tilespmem:s13], [sflag:$0x1] =	stream.indirect.gather [hbm4b:s3+s11], $0x80, s12, s11, $0xb8;
	[tilespmem:$0x10600] =	vst v63  }
0xc6: {  	_ = 	snop  }
0xc7: {  	[tilespmem:s15], [sflag:$0x2] =	stream.indirect.gather [hbm4b:s3+s11], $0x80, s14, s11, $0xb8;
	[tilespmem:$0x10600] =	vst v63  }
0xc8: {  	_ =	swait.ge [sflag:s16], $0x4000  }
0xc9: {  	[sflag:s16] =	ssyncset.done $0x0  }
0xca: {  	[sflag:s16] =	ssyncadd.s32 $0xFFFFC000  }
0xcb: {  	v16 =	vld [tilespmem:$0x400];
	_ =	sdelay $0x4  }
0xcc: {  	v9 =	vadd.s32 s2, v16  }
0xcd: {  	v15 =	vld [tilespmem:$0x410];
	v9 =	vadd.s32 v0, v9;
	_ =	sdelay $0x3  }
0xce: {  	v14 =	vld [tilespmem:$0x420]  }
0xcf: {  	v18 =	vor.u32 s2, v0;
	v17 =	vld.idx.msk [tilespmem:v9+s13+$0x0], $0xffff;
	v9 =	vadd.s32 s2, v15  }
0xd0: {  	v13 =	vld [tilespmem:$0x430];
	v19 =	vadd.s32 v2, v9  }
0xd1: {  	v12 =	vld [tilespmem:$0x440]  }
0xd2: {  	v11 =	vld [tilespmem:$0x450]  }
0xd3: {  	v10 =	vld [tilespmem:$0x460]  }
0xd4: {  	v9 =	vld [tilespmem:$0x470];
	[tilespmem:v18+s17+$0x0] =	vst.idx.msk $0xffff, v17  }
0xd5: {  	v18 =	vor.u32 s2, v2;
	v17 =	vld.idx.msk [tilespmem:v19+s13+$0x0], $0xffff;
	v19 =	vadd.s32 s2, v14  }
0xd6: {  	v19 =	vadd.s32 v3, v19;
	_ =	sdelay $0x3  }
0xd7: {  	[tilespmem:v18+s17+$0x0] =	vst.idx.msk $0xffff, v17  }
0xd8: {  	v18 =	vor.u32 s2, v3;
	v17 =	vld.idx.msk [tilespmem:v19+s13+$0x0], $0xffff;
	v19 =	vadd.s32 s2, v13  }
0xd9: {  	v19 =	vadd.s32 v4, v19;
	_ =	sdelay $0x3  }
0xda: {  	[tilespmem:v18+s17+$0x0] =	vst.idx.msk $0xffff, v17  }
0xdb: {  	v18 =	vor.u32 s2, v4;
	v17 =	vld.idx.msk [tilespmem:v19+s13+$0x0], $0xffff;
	v19 =	vadd.s32 s2, v12  }
0xdc: {  	v19 =	vadd.s32 v5, v19;
	_ =	sdelay $0x3  }
0xdd: {  	[tilespmem:v18+s17+$0x0] =	vst.idx.msk $0xffff, v17  }
0xde: {  	v18 =	vor.u32 s2, v5;
	v17 =	vld.idx.msk [tilespmem:v19+s13+$0x0], $0xffff;
	v19 =	vadd.s32 s2, v11  }
0xdf: {  	v19 =	vadd.s32 v6, v19;
	_ =	sdelay $0x3  }
0xe0: {  	[tilespmem:v18+s17+$0x0] =	vst.idx.msk $0xffff, v17  }
0xe1: {  	v18 =	vor.u32 s2, v6;
	v17 =	vld.idx.msk [tilespmem:v19+s13+$0x0], $0xffff;
	v19 =	vadd.s32 s2, v10  }
0xe2: {  	v19 =	vadd.s32 v7, v19;
	_ =	sdelay $0x3  }
0xe3: {  	[tilespmem:v18+s17+$0x0] =	vst.idx.msk $0xffff, v17  }
0xe4: {  	v18 =	vor.u32 s2, v7;
	v17 =	vld.idx.msk [tilespmem:v19+s13+$0x0], $0xffff;
	v19 =	vadd.s32 s2, v9  }
0xe5: {  	v19 =	vadd.s32 v8, v19;
	_ =	sdelay $0x3  }
0xe6: {  	s26 =	simm.s32 $0x1;
	[tilespmem:v18+s17+$0x0] =	vst.idx.msk $0xffff, v17  }
0xe7: {  	s28 =	simm.s32 $0x2;
	v18 =	vor.u32 s2, v8;
	v17 =	vld.idx.msk [tilespmem:v19+s13+$0x0], $0xffff;
	v19 =	vadd.s32 s26, v16  }
.LBB2_2:
0xe8: {  	p0 =	sne.s32 s28, $0x3F;
	v19 =	vadd.s32 v0, v19;
	_ =	sdelay $0x3  }
0xe9: {  	[tilespmem:v18+s17+$0x0] =	vst.idx.msk $0xffff, v17  }
0xea: {  	v17 =	vld.idx.msk [tilespmem:v19+s13+$0x0], $0xffff  }
0xeb: {  	v18 =	vor.u32 s26, v0;
	v19 =	vadd.s32 s26, v15  }
0xec: {  	v19 =	vadd.s32 v2, v19;
	_ =	sdelay $0x3  }
0xed: {  	[tilespmem:v18+s17+$0x0] =	vst.idx.msk $0xffff, v17  }
0xee: {  	v17 =	vld.idx.msk [tilespmem:v19+s13+$0x0], $0xffff  }
0xef: {  	v18 =	vor.u32 s26, v2;
	v19 =	vadd.s32 s26, v14  }
0xf0: {  	v19 =	vadd.s32 v3, v19;
	_ =	sdelay $0x3  }
0xf1: {  	[tilespmem:v18+s17+$0x0] =	vst.idx.msk $0xffff, v17  }
0xf2: {  	v17 =	vld.idx.msk [tilespmem:v19+s13+$0x0], $0xffff  }
0xf3: {  	v18 =	vor.u32 s26, v3;
	v19 =	vadd.s32 s26, v13  }
0xf4: {  	v19 =	vadd.s32 v4, v19;
	_ =	sdelay $0x3  }
0xf5: {  	[tilespmem:v18+s17+$0x0] =	vst.idx.msk $0xffff, v17  }
0xf6: {  	v17 =	vld.idx.msk [tilespmem:v19+s13+$0x0], $0xffff  }
0xf7: {  	v18 =	vor.u32 s26, v4;
	v19 =	vadd.s32 s26, v12  }
0xf8: {  	v19 =	vadd.s32 v5, v19;
	_ =	sdelay $0x3  }
0xf9: {  	[tilespmem:v18+s17+$0x0] =	vst.idx.msk $0xffff, v17  }
0xfa: {  	v17 =	vld.idx.msk [tilespmem:v19+s13+$0x0], $0xffff  }
0xfb: {  	v18 =	vor.u32 s26, v5;
	v19 =	vadd.s32 s26, v11  }
0xfc: {  	v19 =	vadd.s32 v6, v19;
	_ =	sdelay $0x3  }
0xfd: {  	[tilespmem:v18+s17+$0x0] =	vst.idx.msk $0xffff, v17  }
0xfe: {  	v17 =	vld.idx.msk [tilespmem:v19+s13+$0x0], $0xffff  }
0xff: {  	v18 =	vor.u32 s26, v6;
	v19 =	vadd.s32 s26, v10  }
0x100: {  	v19 =	vadd.s32 v7, v19;
	_ =	sdelay $0x3  }
0x101: {  	[tilespmem:v18+s17+$0x0] =	vst.idx.msk $0xffff, v17  }
0x102: {  	v17 =	vld.idx.msk [tilespmem:v19+s13+$0x0], $0xffff  }
0x103: {  	v18 =	vor.u32 s26, v7;
	v19 =	vadd.s32 s26, v9  }
0x104: {  	v19 =	vadd.s32 v8, v19;
	_ =	sdelay $0x1  }
.Ltmp0:
0x105: {  	(pc) =	sbr.rel @p0 .LBB2_2-.Ltmp0, $4  }
0x106: {  	_ = 	snop  }
0x107: {  	[tilespmem:v18+s17+$0x0] =	vst.idx.msk $0xffff, v17  }
0x108: {  	v17 =	vld.idx.msk [tilespmem:v19+s13+$0x0], $0xffff  }
0x109: {  	v18 =	vor.u32 s26, v8;
	s26 =	smov.u32 s28;
	v19 =	vadd.s32 s28, v16;
	s28 =	sadd.s32 $0x1, s28  }
0x10a: {  	v16 =	vadd.s32 v0, v19;
	_ =	sdelay $0x3  }
0x10b: {  	[tilespmem:v18+s17+$0x0] =	vst.idx.msk $0xffff, v17  }
0x10c: {  	v15 =	vadd.s32 s26, v15;
	v17 =	vor.u32 s26, v0;
	v16 =	vld.idx.msk [tilespmem:v16+s13+$0x0], $0xffff  }
0x10d: {  	v15 =	vadd.s32 v2, v15;
	_ =	sdelay $0x3  }
0x10e: {  	[tilespmem:v17+s17+$0x0] =	vst.idx.msk $0xffff, v16  }
0x10f: {  	v14 =	vadd.s32 s26, v14;
	v16 =	vor.u32 s26, v2;
	v15 =	vld.idx.msk [tilespmem:v15+s13+$0x0], $0xffff  }
0x110: {  	v14 =	vadd.s32 v3, v14;
	_ =	sdelay $0x3  }
0x111: {  	[tilespmem:v16+s17+$0x0] =	vst.idx.msk $0xffff, v15  }
0x112: {  	v13 =	vadd.s32 s26, v13;
	v15 =	vor.u32 s26, v3;
	v14 =	vld.idx.msk [tilespmem:v14+s13+$0x0], $0xffff  }
0x113: {  	v13 =	vadd.s32 v4, v13;
	_ =	sdelay $0x3  }
0x114: {  	[tilespmem:v15+s17+$0x0] =	vst.idx.msk $0xffff, v14  }
0x115: {  	v12 =	vadd.s32 s26, v12;
	v14 =	vor.u32 s26, v4;
	v13 =	vld.idx.msk [tilespmem:v13+s13+$0x0], $0xffff  }
0x116: {  	v12 =	vadd.s32 v5, v12;
	_ =	sdelay $0x3  }
0x117: {  	[tilespmem:v14+s17+$0x0] =	vst.idx.msk $0xffff, v13  }
0x118: {  	v11 =	vadd.s32 s26, v11;
	v13 =	vor.u32 s26, v5;
	v12 =	vld.idx.msk [tilespmem:v12+s13+$0x0], $0xffff  }
0x119: {  	v11 =	vadd.s32 v6, v11;
	_ =	sdelay $0x3  }
0x11a: {  	[tilespmem:v13+s17+$0x0] =	vst.idx.msk $0xffff, v12  }
0x11b: {  	v10 =	vadd.s32 s26, v10;
	v12 =	vor.u32 s26, v6;
	v11 =	vld.idx.msk [tilespmem:v11+s13+$0x0], $0xffff  }
0x11c: {  	v10 =	vadd.s32 v7, v10;
	_ =	sdelay $0x3  }
0x11d: {  	[tilespmem:v12+s17+$0x0] =	vst.idx.msk $0xffff, v11  }
0x11e: {  	v9 =	vadd.s32 s26, v9;
	v11 =	vor.u32 s26, v7;
	v10 =	vld.idx.msk [tilespmem:v10+s13+$0x0], $0xffff  }
0x11f: {  	v9 =	vadd.s32 v8, v9;
	_ =	sdelay $0x3  }
0x120: {  	[tilespmem:v11+s17+$0x0] =	vst.idx.msk $0xffff, v10  }
0x121: {  	v10 =	vor.u32 s26, v8;
	v9 =	vld.idx.msk [tilespmem:v9+s13+$0x0], $0xffff;
	_ =	sdelay $0x4  }
0x122: {  	[tilespmem:v10+s17+$0x0] =	vst.idx.msk $0xffff, v9  }
0x123: {  	[tilespmem:s13], [sflag:$0x3] =	stream.indirect.gather [hbm4b:s3+s11], $0x80, s18, s11, $0xb8;
	[tilespmem:$0x10600] =	vst v63  }
0x124: {  	s29 =	simm.s32 $0x0  }
0x125: {  	[hbm4b:s4+s29] =	stream.linear.scatter [tilespmem:s17], [sflag:$0x5], $0x4000, $0x38;
	[tilespmem:$0x10600] =	vst v63  }
0x126: {  	_ =	swait.ge [sflag:s19], $0x4000  }
0x127: {  	[sflag:s19] =	ssyncset.done $0x0  }
0x128: {  	[sflag:s19] =	ssyncadd.s32 $0xFFFFC000  }
0x129: {  	v16 =	vld [tilespmem:$0x480];
	_ =	sdelay $0x4  }
0x12a: {  	v9 =	vadd.s32 s29, v16  }
0x12b: {  	v15 =	vld [tilespmem:$0x490];
	v9 =	vadd.s32 v0, v9;
	_ =	sdelay $0x3  }
0x12c: {  	v14 =	vld [tilespmem:$0x4A0]  }
0x12d: {  	v18 =	vor.u32 s29, v0;
	v17 =	vld.idx.msk [tilespmem:v9+s15+$0x0], $0xffff;
	v9 =	vadd.s32 s29, v15  }
0x12e: {  	v13 =	vld [tilespmem:$0x4B0];
	v19 =	vadd.s32 v2, v9  }
0x12f: {  	v12 =	vld [tilespmem:$0x4C0]  }
0x130: {  	v11 =	vld [tilespmem:$0x4D0]  }
0x131: {  	v10 =	vld [tilespmem:$0x4E0]  }
0x132: {  	v9 =	vld [tilespmem:$0x4F0];
	[tilespmem:v18+s20+$0x0] =	vst.idx.msk $0xffff, v17  }
0x133: {  	v18 =	vor.u32 s29, v2;
	v17 =	vld.idx.msk [tilespmem:v19+s15+$0x0], $0xffff;
	v19 =	vadd.s32 s29, v14  }
0x134: {  	v19 =	vadd.s32 v3, v19;
	_ =	sdelay $0x3  }
0x135: {  	[tilespmem:v18+s20+$0x0] =	vst.idx.msk $0xffff, v17  }
0x136: {  	v18 =	vor.u32 s29, v3;
	v17 =	vld.idx.msk [tilespmem:v19+s15+$0x0], $0xffff;
	v19 =	vadd.s32 s29, v13  }
0x137: {  	v19 =	vadd.s32 v4, v19;
	_ =	sdelay $0x3  }
0x138: {  	[tilespmem:v18+s20+$0x0] =	vst.idx.msk $0xffff, v17  }
0x139: {  	v18 =	vor.u32 s29, v4;
	v17 =	vld.idx.msk [tilespmem:v19+s15+$0x0], $0xffff;
	v19 =	vadd.s32 s29, v12  }
0x13a: {  	v19 =	vadd.s32 v5, v19;
	_ =	sdelay $0x3  }
0x13b: {  	[tilespmem:v18+s20+$0x0] =	vst.idx.msk $0xffff, v17  }
0x13c: {  	v18 =	vor.u32 s29, v5;
	v17 =	vld.idx.msk [tilespmem:v19+s15+$0x0], $0xffff;
	v19 =	vadd.s32 s29, v11  }
0x13d: {  	v19 =	vadd.s32 v6, v19;
	_ =	sdelay $0x3  }
0x13e: {  	[tilespmem:v18+s20+$0x0] =	vst.idx.msk $0xffff, v17  }
0x13f: {  	v18 =	vor.u32 s29, v6;
	v17 =	vld.idx.msk [tilespmem:v19+s15+$0x0], $0xffff;
	v19 =	vadd.s32 s29, v10  }
0x140: {  	v19 =	vadd.s32 v7, v19;
	_ =	sdelay $0x3  }
0x141: {  	[tilespmem:v18+s20+$0x0] =	vst.idx.msk $0xffff, v17  }
0x142: {  	v18 =	vor.u32 s29, v7;
	v17 =	vld.idx.msk [tilespmem:v19+s15+$0x0], $0xffff;
	v19 =	vadd.s32 s29, v9  }
0x143: {  	v19 =	vadd.s32 v8, v19;
	_ =	sdelay $0x3  }
0x144: {  	s26 =	simm.s32 $0x1;
	[tilespmem:v18+s20+$0x0] =	vst.idx.msk $0xffff, v17  }
0x145: {  	s28 =	simm.s32 $0x2;
	v18 =	vor.u32 s29, v8;
	v17 =	vld.idx.msk [tilespmem:v19+s15+$0x0], $0xffff;
	v19 =	vadd.s32 s26, v16  }
.LBB2_4:
0x146: {  	p0 =	sne.s32 s28, $0x3F;
	v19 =	vadd.s32 v0, v19;
	_ =	sdelay $0x3  }
0x147: {  	[tilespmem:v18+s20+$0x0] =	vst.idx.msk $0xffff, v17  }
0x148: {  	v17 =	vld.idx.msk [tilespmem:v19+s15+$0x0], $0xffff  }
0x149: {  	v18 =	vor.u32 s26, v0;
	v19 =	vadd.s32 s26, v15  }
0x14a: {  	v19 =	vadd.s32 v2, v19;
	_ =	sdelay $0x3  }
0x14b: {  	[tilespmem:v18+s20+$0x0] =	vst.idx.msk $0xffff, v17  }
0x14c: {  	v17 =	vld.idx.msk [tilespmem:v19+s15+$0x0], $0xffff  }
0x14d: {  	v18 =	vor.u32 s26, v2;
	v19 =	vadd.s32 s26, v14  }
0x14e: {  	v19 =	vadd.s32 v3, v19;
	_ =	sdelay $0x3  }
0x14f: {  	[tilespmem:v18+s20+$0x0] =	vst.idx.msk $0xffff, v17  }
0x150: {  	v17 =	vld.idx.msk [tilespmem:v19+s15+$0x0], $0xffff  }
0x151: {  	v18 =	vor.u32 s26, v3;
	v19 =	vadd.s32 s26, v13  }
0x152: {  	v19 =	vadd.s32 v4, v19;
	_ =	sdelay $0x3  }
0x153: {  	[tilespmem:v18+s20+$0x0] =	vst.idx.msk $0xffff, v17  }
0x154: {  	v17 =	vld.idx.msk [tilespmem:v19+s15+$0x0], $0xffff  }
0x155: {  	v18 =	vor.u32 s26, v4;
	v19 =	vadd.s32 s26, v12  }
0x156: {  	v19 =	vadd.s32 v5, v19;
	_ =	sdelay $0x3  }
0x157: {  	[tilespmem:v18+s20+$0x0] =	vst.idx.msk $0xffff, v17  }
0x158: {  	v17 =	vld.idx.msk [tilespmem:v19+s15+$0x0], $0xffff  }
0x159: {  	v18 =	vor.u32 s26, v5;
	v19 =	vadd.s32 s26, v11  }
0x15a: {  	v19 =	vadd.s32 v6, v19;
	_ =	sdelay $0x3  }
0x15b: {  	[tilespmem:v18+s20+$0x0] =	vst.idx.msk $0xffff, v17  }
0x15c: {  	v17 =	vld.idx.msk [tilespmem:v19+s15+$0x0], $0xffff  }
0x15d: {  	v18 =	vor.u32 s26, v6;
	v19 =	vadd.s32 s26, v10  }
0x15e: {  	v19 =	vadd.s32 v7, v19;
	_ =	sdelay $0x3  }
0x15f: {  	[tilespmem:v18+s20+$0x0] =	vst.idx.msk $0xffff, v17  }
0x160: {  	v17 =	vld.idx.msk [tilespmem:v19+s15+$0x0], $0xffff  }
0x161: {  	v18 =	vor.u32 s26, v7;
	v19 =	vadd.s32 s26, v9  }
0x162: {  	v19 =	vadd.s32 v8, v19;
	_ =	sdelay $0x1  }
.Ltmp1:
0x163: {  	(pc) =	sbr.rel @p0 .LBB2_4-.Ltmp1, $4  }
0x164: {  	_ = 	snop  }
0x165: {  	[tilespmem:v18+s20+$0x0] =	vst.idx.msk $0xffff, v17  }
0x166: {  	v17 =	vld.idx.msk [tilespmem:v19+s15+$0x0], $0xffff  }
0x167: {  	v18 =	vor.u32 s26, v8;
	s26 =	smov.u32 s28;
	v19 =	vadd.s32 s28, v16;
	s28 =	sadd.s32 $0x1, s28  }
0x168: {  	v16 =	vadd.s32 v0, v19;
	_ =	sdelay $0x3  }
0x169: {  	[tilespmem:v18+s20+$0x0] =	vst.idx.msk $0xffff, v17  }
0x16a: {  	v15 =	vadd.s32 s26, v15;
	v17 =	vor.u32 s26, v0;
	v16 =	vld.idx.msk [tilespmem:v16+s15+$0x0], $0xffff  }
0x16b: {  	v15 =	vadd.s32 v2, v15;
	_ =	sdelay $0x3  }
0x16c: {  	[tilespmem:v17+s20+$0x0] =	vst.idx.msk $0xffff, v16  }
0x16d: {  	v14 =	vadd.s32 s26, v14;
	v16 =	vor.u32 s26, v2;
	v15 =	vld.idx.msk [tilespmem:v15+s15+$0x0], $0xffff  }
0x16e: {  	v14 =	vadd.s32 v3, v14;
	_ =	sdelay $0x3  }
0x16f: {  	[tilespmem:v16+s20+$0x0] =	vst.idx.msk $0xffff, v15  }
0x170: {  	v13 =	vadd.s32 s26, v13;
	v15 =	vor.u32 s26, v3;
	v14 =	vld.idx.msk [tilespmem:v14+s15+$0x0], $0xffff  }
0x171: {  	v13 =	vadd.s32 v4, v13;
	_ =	sdelay $0x3  }
0x172: {  	[tilespmem:v15+s20+$0x0] =	vst.idx.msk $0xffff, v14  }
0x173: {  	v12 =	vadd.s32 s26, v12;
	v14 =	vor.u32 s26, v4;
	v13 =	vld.idx.msk [tilespmem:v13+s15+$0x0], $0xffff  }
0x174: {  	v12 =	vadd.s32 v5, v12;
	_ =	sdelay $0x3  }
0x175: {  	[tilespmem:v14+s20+$0x0] =	vst.idx.msk $0xffff, v13  }
0x176: {  	v11 =	vadd.s32 s26, v11;
	v13 =	vor.u32 s26, v5;
	v12 =	vld.idx.msk [tilespmem:v12+s15+$0x0], $0xffff  }
0x177: {  	v11 =	vadd.s32 v6, v11;
	_ =	sdelay $0x3  }
0x178: {  	[tilespmem:v13+s20+$0x0] =	vst.idx.msk $0xffff, v12  }
0x179: {  	v10 =	vadd.s32 s26, v10;
	v12 =	vor.u32 s26, v6;
	v11 =	vld.idx.msk [tilespmem:v11+s15+$0x0], $0xffff  }
0x17a: {  	v10 =	vadd.s32 v7, v10;
	_ =	sdelay $0x3  }
0x17b: {  	[tilespmem:v12+s20+$0x0] =	vst.idx.msk $0xffff, v11  }
0x17c: {  	v9 =	vadd.s32 s26, v9;
	v11 =	vor.u32 s26, v7;
	v10 =	vld.idx.msk [tilespmem:v10+s15+$0x0], $0xffff  }
0x17d: {  	v9 =	vadd.s32 v8, v9;
	_ =	sdelay $0x3  }
0x17e: {  	[tilespmem:v11+s20+$0x0] =	vst.idx.msk $0xffff, v10  }
0x17f: {  	v10 =	vor.u32 s26, v8;
	v9 =	vld.idx.msk [tilespmem:v9+s15+$0x0], $0xffff;
	_ =	sdelay $0x4  }
0x180: {  	[tilespmem:v10+s20+$0x0] =	vst.idx.msk $0xffff, v9  }
0x181: {  	[tilespmem:s15], [sflag:$0x4] =	stream.indirect.gather [hbm4b:s3+s11], $0x80, s21, s11, $0xb8;
	[tilespmem:$0x10600] =	vst v63  }
0x182: {  	s29 =	simm.s32 $0x0  }
0x183: {  	[hbm4b:s6+s29] =	stream.linear.scatter [tilespmem:s20], [sflag:$0x5], $0x4000, $0x38;
	[tilespmem:$0x10600] =	vst v63  }
0x184: {  	_ =	swait.ge [sflag:s22], $0x4000  }
0x185: {  	[sflag:s22] =	ssyncset.done $0x0  }
0x186: {  	[sflag:s22] =	ssyncadd.s32 $0xFFFFC000  }
0x187: {  	_ =	swait.ge [sflag:s23], $0x4000  }
0x188: {  	[sflag:s23] =	ssyncset.done $0x0  }
0x189: {  	[sflag:s23] =	ssyncadd.s32 $0xFFFFC000  }
0x18a: {  	v16 =	vld [tilespmem:$0x500];
	_ =	sdelay $0x4  }
0x18b: {  	v9 =	vadd.s32 s29, v16  }
0x18c: {  	v15 =	vld [tilespmem:$0x510];
	v9 =	vadd.s32 v0, v9;
	_ =	sdelay $0x3  }
0x18d: {  	v14 =	vld [tilespmem:$0x520]  }
0x18e: {  	v18 =	vor.u32 s29, v0;
	v17 =	vld.idx.msk [tilespmem:v9+s13+$0x0], $0xffff;
	v9 =	vadd.s32 s29, v15  }
0x18f: {  	v13 =	vld [tilespmem:$0x530];
	v19 =	vadd.s32 v2, v9  }
0x190: {  	v12 =	vld [tilespmem:$0x540]  }
0x191: {  	v11 =	vld [tilespmem:$0x550]  }
0x192: {  	v10 =	vld [tilespmem:$0x560]  }
0x193: {  	v9 =	vld [tilespmem:$0x570];
	[tilespmem:v18+s17+$0x0] =	vst.idx.msk $0xffff, v17  }
0x194: {  	v18 =	vor.u32 s29, v2;
	v17 =	vld.idx.msk [tilespmem:v19+s13+$0x0], $0xffff;
	v19 =	vadd.s32 s29, v14  }
0x195: {  	v19 =	vadd.s32 v3, v19;
	_ =	sdelay $0x3  }
0x196: {  	[tilespmem:v18+s17+$0x0] =	vst.idx.msk $0xffff, v17  }
0x197: {  	v18 =	vor.u32 s29, v3;
	v17 =	vld.idx.msk [tilespmem:v19+s13+$0x0], $0xffff;
	v19 =	vadd.s32 s29, v13  }
0x198: {  	v19 =	vadd.s32 v4, v19;
	_ =	sdelay $0x3  }
0x199: {  	[tilespmem:v18+s17+$0x0] =	vst.idx.msk $0xffff, v17  }
0x19a: {  	v18 =	vor.u32 s29, v4;
	v17 =	vld.idx.msk [tilespmem:v19+s13+$0x0], $0xffff;
	v19 =	vadd.s32 s29, v12  }
0x19b: {  	v19 =	vadd.s32 v5, v19;
	_ =	sdelay $0x3  }
0x19c: {  	[tilespmem:v18+s17+$0x0] =	vst.idx.msk $0xffff, v17  }
0x19d: {  	v18 =	vor.u32 s29, v5;
	v17 =	vld.idx.msk [tilespmem:v19+s13+$0x0], $0xffff;
	v19 =	vadd.s32 s29, v11  }
0x19e: {  	v19 =	vadd.s32 v6, v19;
	_ =	sdelay $0x3  }
0x19f: {  	[tilespmem:v18+s17+$0x0] =	vst.idx.msk $0xffff, v17  }
0x1a0: {  	v18 =	vor.u32 s29, v6;
	v17 =	vld.idx.msk [tilespmem:v19+s13+$0x0], $0xffff;
	v19 =	vadd.s32 s29, v10  }
0x1a1: {  	v19 =	vadd.s32 v7, v19;
	_ =	sdelay $0x3  }
0x1a2: {  	[tilespmem:v18+s17+$0x0] =	vst.idx.msk $0xffff, v17  }
0x1a3: {  	v18 =	vor.u32 s29, v7;
	v17 =	vld.idx.msk [tilespmem:v19+s13+$0x0], $0xffff;
	v19 =	vadd.s32 s29, v9  }
0x1a4: {  	v19 =	vadd.s32 v8, v19;
	_ =	sdelay $0x3  }
0x1a5: {  	s26 =	simm.s32 $0x1;
	[tilespmem:v18+s17+$0x0] =	vst.idx.msk $0xffff, v17  }
0x1a6: {  	s28 =	simm.s32 $0x2;
	v18 =	vor.u32 s29, v8;
	v17 =	vld.idx.msk [tilespmem:v19+s13+$0x0], $0xffff;
	v19 =	vadd.s32 s26, v16  }
.LBB2_6:
0x1a7: {  	p0 =	sne.s32 s28, $0x3F;
	v19 =	vadd.s32 v0, v19;
	_ =	sdelay $0x3  }
0x1a8: {  	[tilespmem:v18+s17+$0x0] =	vst.idx.msk $0xffff, v17  }
0x1a9: {  	v17 =	vld.idx.msk [tilespmem:v19+s13+$0x0], $0xffff  }
0x1aa: {  	v18 =	vor.u32 s26, v0;
	v19 =	vadd.s32 s26, v15  }
0x1ab: {  	v19 =	vadd.s32 v2, v19;
	_ =	sdelay $0x3  }
0x1ac: {  	[tilespmem:v18+s17+$0x0] =	vst.idx.msk $0xffff, v17  }
0x1ad: {  	v17 =	vld.idx.msk [tilespmem:v19+s13+$0x0], $0xffff  }
0x1ae: {  	v18 =	vor.u32 s26, v2;
	v19 =	vadd.s32 s26, v14  }
0x1af: {  	v19 =	vadd.s32 v3, v19;
	_ =	sdelay $0x3  }
0x1b0: {  	[tilespmem:v18+s17+$0x0] =	vst.idx.msk $0xffff, v17  }
0x1b1: {  	v17 =	vld.idx.msk [tilespmem:v19+s13+$0x0], $0xffff  }
0x1b2: {  	v18 =	vor.u32 s26, v3;
	v19 =	vadd.s32 s26, v13  }
0x1b3: {  	v19 =	vadd.s32 v4, v19;
	_ =	sdelay $0x3  }
0x1b4: {  	[tilespmem:v18+s17+$0x0] =	vst.idx.msk $0xffff, v17  }
0x1b5: {  	v17 =	vld.idx.msk [tilespmem:v19+s13+$0x0], $0xffff  }
0x1b6: {  	v18 =	vor.u32 s26, v4;
	v19 =	vadd.s32 s26, v12  }
0x1b7: {  	v19 =	vadd.s32 v5, v19;
	_ =	sdelay $0x3  }
0x1b8: {  	[tilespmem:v18+s17+$0x0] =	vst.idx.msk $0xffff, v17  }
0x1b9: {  	v17 =	vld.idx.msk [tilespmem:v19+s13+$0x0], $0xffff  }
0x1ba: {  	v18 =	vor.u32 s26, v5;
	v19 =	vadd.s32 s26, v11  }
0x1bb: {  	v19 =	vadd.s32 v6, v19;
	_ =	sdelay $0x3  }
0x1bc: {  	[tilespmem:v18+s17+$0x0] =	vst.idx.msk $0xffff, v17  }
0x1bd: {  	v17 =	vld.idx.msk [tilespmem:v19+s13+$0x0], $0xffff  }
0x1be: {  	v18 =	vor.u32 s26, v6;
	v19 =	vadd.s32 s26, v10  }
0x1bf: {  	v19 =	vadd.s32 v7, v19;
	_ =	sdelay $0x3  }
0x1c0: {  	[tilespmem:v18+s17+$0x0] =	vst.idx.msk $0xffff, v17  }
0x1c1: {  	v17 =	vld.idx.msk [tilespmem:v19+s13+$0x0], $0xffff  }
0x1c2: {  	v18 =	vor.u32 s26, v7;
	v19 =	vadd.s32 s26, v9  }
0x1c3: {  	v19 =	vadd.s32 v8, v19;
	_ =	sdelay $0x1  }
.Ltmp2:
0x1c4: {  	(pc) =	sbr.rel @p0 .LBB2_6-.Ltmp2, $4  }
0x1c5: {  	_ = 	snop  }
0x1c6: {  	[tilespmem:v18+s17+$0x0] =	vst.idx.msk $0xffff, v17  }
0x1c7: {  	v17 =	vld.idx.msk [tilespmem:v19+s13+$0x0], $0xffff  }
0x1c8: {  	v18 =	vor.u32 s26, v8;
	s26 =	smov.u32 s28;
	v19 =	vadd.s32 s28, v16;
	s28 =	sadd.s32 $0x1, s28  }
0x1c9: {  	v16 =	vadd.s32 v0, v19;
	_ =	sdelay $0x3  }
0x1ca: {  	[tilespmem:v18+s17+$0x0] =	vst.idx.msk $0xffff, v17  }
0x1cb: {  	v15 =	vadd.s32 s26, v15;
	v17 =	vor.u32 s26, v0;
	v16 =	vld.idx.msk [tilespmem:v16+s13+$0x0], $0xffff  }
0x1cc: {  	v15 =	vadd.s32 v2, v15;
	_ =	sdelay $0x3  }
0x1cd: {  	[tilespmem:v17+s17+$0x0] =	vst.idx.msk $0xffff, v16  }
0x1ce: {  	v14 =	vadd.s32 s26, v14;
	v16 =	vor.u32 s26, v2;
	v15 =	vld.idx.msk [tilespmem:v15+s13+$0x0], $0xffff  }
0x1cf: {  	v14 =	vadd.s32 v3, v14;
	_ =	sdelay $0x3  }
0x1d0: {  	[tilespmem:v16+s17+$0x0] =	vst.idx.msk $0xffff, v15  }
0x1d1: {  	v13 =	vadd.s32 s26, v13;
	v15 =	vor.u32 s26, v3;
	v14 =	vld.idx.msk [tilespmem:v14+s13+$0x0], $0xffff  }
0x1d2: {  	v13 =	vadd.s32 v4, v13;
	_ =	sdelay $0x3  }
0x1d3: {  	[tilespmem:v15+s17+$0x0] =	vst.idx.msk $0xffff, v14  }
0x1d4: {  	v12 =	vadd.s32 s26, v12;
	v14 =	vor.u32 s26, v4;
	v13 =	vld.idx.msk [tilespmem:v13+s13+$0x0], $0xffff  }
0x1d5: {  	v12 =	vadd.s32 v5, v12;
	_ =	sdelay $0x3  }
0x1d6: {  	[tilespmem:v14+s17+$0x0] =	vst.idx.msk $0xffff, v13  }
0x1d7: {  	v11 =	vadd.s32 s26, v11;
	v13 =	vor.u32 s26, v5;
	v12 =	vld.idx.msk [tilespmem:v12+s13+$0x0], $0xffff  }
0x1d8: {  	v11 =	vadd.s32 v6, v11;
	_ =	sdelay $0x3  }
0x1d9: {  	[tilespmem:v13+s17+$0x0] =	vst.idx.msk $0xffff, v12  }
0x1da: {  	v10 =	vadd.s32 s26, v10;
	v12 =	vor.u32 s26, v6;
	v11 =	vld.idx.msk [tilespmem:v11+s13+$0x0], $0xffff  }
0x1db: {  	v10 =	vadd.s32 v7, v10;
	_ =	sdelay $0x3  }
0x1dc: {  	[tilespmem:v12+s17+$0x0] =	vst.idx.msk $0xffff, v11  }
0x1dd: {  	v9 =	vadd.s32 s26, v9;
	v11 =	vor.u32 s26, v7;
	v10 =	vld.idx.msk [tilespmem:v10+s13+$0x0], $0xffff  }
0x1de: {  	v9 =	vadd.s32 v8, v9;
	_ =	sdelay $0x3  }
0x1df: {  	[tilespmem:v11+s17+$0x0] =	vst.idx.msk $0xffff, v10  }
0x1e0: {  	v10 =	vor.u32 s26, v8;
	v9 =	vld.idx.msk [tilespmem:v9+s13+$0x0], $0xffff;
	_ =	sdelay $0x4  }
0x1e1: {  	s29 =	simm.s32 $0x0;
	[tilespmem:v10+s17+$0x0] =	vst.idx.msk $0xffff, v9  }
0x1e2: {  	[hbm4b:s7+s29] =	stream.linear.scatter [tilespmem:s17], [sflag:$0x5], $0x4000, $0x38;
	[tilespmem:$0x10600] =	vst v63  }
0x1e3: {  	_ =	swait.ge [sflag:s24], $0x4000  }
0x1e4: {  	[sflag:s24] =	ssyncset.done $0x0  }
0x1e5: {  	[sflag:s24] =	ssyncadd.s32 $0xFFFFC000  }
0x1e6: {  	_ =	swait.ge [sflag:s23], $0x4000  }
0x1e7: {  	[sflag:s23] =	ssyncset.done $0x0  }
0x1e8: {  	[sflag:s23] =	ssyncadd.s32 $0xFFFFC000  }
0x1e9: {  	v16 =	vld [tilespmem:$0x580];
	_ =	sdelay $0x4  }
0x1ea: {  	v9 =	vadd.s32 s29, v16  }
0x1eb: {  	v15 =	vld [tilespmem:$0x590];
	v9 =	vadd.s32 v0, v9;
	_ =	sdelay $0x3  }
0x1ec: {  	v14 =	vld [tilespmem:$0x5A0]  }
0x1ed: {  	v18 =	vor.u32 s29, v0;
	v17 =	vld.idx.msk [tilespmem:v9+s15+$0x0], $0xffff;
	v9 =	vadd.s32 s29, v15  }
0x1ee: {  	v13 =	vld [tilespmem:$0x5B0];
	v19 =	vadd.s32 v2, v9  }
0x1ef: {  	v12 =	vld [tilespmem:$0x5C0]  }
0x1f0: {  	v11 =	vld [tilespmem:$0x5D0]  }
0x1f1: {  	v10 =	vld [tilespmem:$0x5E0]  }
0x1f2: {  	v9 =	vld [tilespmem:$0x5F0];
	[tilespmem:v18+s20+$0x0] =	vst.idx.msk $0xffff, v17  }
0x1f3: {  	v18 =	vor.u32 s29, v2;
	v17 =	vld.idx.msk [tilespmem:v19+s15+$0x0], $0xffff;
	v19 =	vadd.s32 s29, v14  }
0x1f4: {  	v19 =	vadd.s32 v3, v19;
	_ =	sdelay $0x3  }
0x1f5: {  	[tilespmem:v18+s20+$0x0] =	vst.idx.msk $0xffff, v17  }
0x1f6: {  	v18 =	vor.u32 s29, v3;
	v17 =	vld.idx.msk [tilespmem:v19+s15+$0x0], $0xffff;
	v19 =	vadd.s32 s29, v13  }
0x1f7: {  	v19 =	vadd.s32 v4, v19;
	_ =	sdelay $0x3  }
0x1f8: {  	[tilespmem:v18+s20+$0x0] =	vst.idx.msk $0xffff, v17  }
0x1f9: {  	v18 =	vor.u32 s29, v4;
	v17 =	vld.idx.msk [tilespmem:v19+s15+$0x0], $0xffff;
	v19 =	vadd.s32 s29, v12  }
0x1fa: {  	v19 =	vadd.s32 v5, v19;
	_ =	sdelay $0x3  }
0x1fb: {  	[tilespmem:v18+s20+$0x0] =	vst.idx.msk $0xffff, v17  }
0x1fc: {  	v18 =	vor.u32 s29, v5;
	v17 =	vld.idx.msk [tilespmem:v19+s15+$0x0], $0xffff;
	v19 =	vadd.s32 s29, v11  }
0x1fd: {  	v19 =	vadd.s32 v6, v19;
	_ =	sdelay $0x3  }
0x1fe: {  	[tilespmem:v18+s20+$0x0] =	vst.idx.msk $0xffff, v17  }
0x1ff: {  	v18 =	vor.u32 s29, v6;
	v17 =	vld.idx.msk [tilespmem:v19+s15+$0x0], $0xffff;
	v19 =	vadd.s32 s29, v10  }
0x200: {  	v19 =	vadd.s32 v7, v19;
	_ =	sdelay $0x3  }
0x201: {  	[tilespmem:v18+s20+$0x0] =	vst.idx.msk $0xffff, v17  }
0x202: {  	v18 =	vor.u32 s29, v7;
	v17 =	vld.idx.msk [tilespmem:v19+s15+$0x0], $0xffff;
	v19 =	vadd.s32 s29, v9  }
0x203: {  	v19 =	vadd.s32 v8, v19;
	_ =	sdelay $0x3  }
0x204: {  	s26 =	simm.s32 $0x1;
	[tilespmem:v18+s20+$0x0] =	vst.idx.msk $0xffff, v17  }
0x205: {  	s28 =	simm.s32 $0x2;
	v18 =	vor.u32 s29, v8;
	v17 =	vld.idx.msk [tilespmem:v19+s15+$0x0], $0xffff;
	v19 =	vadd.s32 s26, v16  }
.LBB2_8:
0x206: {  	p0 =	sne.s32 s28, $0x3F;
	v19 =	vadd.s32 v0, v19;
	_ =	sdelay $0x3  }
0x207: {  	[tilespmem:v18+s20+$0x0] =	vst.idx.msk $0xffff, v17  }
0x208: {  	v17 =	vld.idx.msk [tilespmem:v19+s15+$0x0], $0xffff  }
0x209: {  	v18 =	vor.u32 s26, v0;
	v19 =	vadd.s32 s26, v15  }
0x20a: {  	v19 =	vadd.s32 v2, v19;
	_ =	sdelay $0x3  }
0x20b: {  	[tilespmem:v18+s20+$0x0] =	vst.idx.msk $0xffff, v17  }
0x20c: {  	v17 =	vld.idx.msk [tilespmem:v19+s15+$0x0], $0xffff  }
0x20d: {  	v18 =	vor.u32 s26, v2;
	v19 =	vadd.s32 s26, v14  }
0x20e: {  	v19 =	vadd.s32 v3, v19;
	_ =	sdelay $0x3  }
0x20f: {  	[tilespmem:v18+s20+$0x0] =	vst.idx.msk $0xffff, v17  }
0x210: {  	v17 =	vld.idx.msk [tilespmem:v19+s15+$0x0], $0xffff  }
0x211: {  	v18 =	vor.u32 s26, v3;
	v19 =	vadd.s32 s26, v13  }
0x212: {  	v19 =	vadd.s32 v4, v19;
	_ =	sdelay $0x3  }
0x213: {  	[tilespmem:v18+s20+$0x0] =	vst.idx.msk $0xffff, v17  }
0x214: {  	v17 =	vld.idx.msk [tilespmem:v19+s15+$0x0], $0xffff  }
0x215: {  	v18 =	vor.u32 s26, v4;
	v19 =	vadd.s32 s26, v12  }
0x216: {  	v19 =	vadd.s32 v5, v19;
	_ =	sdelay $0x3  }
0x217: {  	[tilespmem:v18+s20+$0x0] =	vst.idx.msk $0xffff, v17  }
0x218: {  	v17 =	vld.idx.msk [tilespmem:v19+s15+$0x0], $0xffff  }
0x219: {  	v18 =	vor.u32 s26, v5;
	v19 =	vadd.s32 s26, v11  }
0x21a: {  	v19 =	vadd.s32 v6, v19;
	_ =	sdelay $0x3  }
0x21b: {  	[tilespmem:v18+s20+$0x0] =	vst.idx.msk $0xffff, v17  }
0x21c: {  	v17 =	vld.idx.msk [tilespmem:v19+s15+$0x0], $0xffff  }
0x21d: {  	v18 =	vor.u32 s26, v6;
	v19 =	vadd.s32 s26, v10  }
0x21e: {  	v19 =	vadd.s32 v7, v19;
	_ =	sdelay $0x3  }
0x21f: {  	[tilespmem:v18+s20+$0x0] =	vst.idx.msk $0xffff, v17  }
0x220: {  	v17 =	vld.idx.msk [tilespmem:v19+s15+$0x0], $0xffff  }
0x221: {  	v18 =	vor.u32 s26, v7;
	v19 =	vadd.s32 s26, v9  }
0x222: {  	v19 =	vadd.s32 v8, v19;
	_ =	sdelay $0x1  }
.Ltmp3:
0x223: {  	(pc) =	sbr.rel @p0 .LBB2_8-.Ltmp3, $4  }
0x224: {  	_ = 	snop  }
0x225: {  	[tilespmem:v18+s20+$0x0] =	vst.idx.msk $0xffff, v17  }
0x226: {  	v17 =	vld.idx.msk [tilespmem:v19+s15+$0x0], $0xffff  }
0x227: {  	v18 =	vor.u32 s26, v8;
	s26 =	smov.u32 s28;
	v19 =	vadd.s32 s28, v16;
	s28 =	sadd.s32 $0x1, s28  }
0x228: {  	v16 =	vadd.s32 v0, v19;
	_ =	sdelay $0x3  }
0x229: {  	[tilespmem:v18+s20+$0x0] =	vst.idx.msk $0xffff, v17  }
0x22a: {  	v58 =	vor.u32 s26, v0;
	v15 =	vadd.s32 s26, v15;
	v16 =	vld.idx.msk [tilespmem:v16+s15+$0x0], $0xffff  }
0x22b: {  	v15 =	vadd.s32 v2, v15;
	_ =	sdelay $0x3  }
0x22c: {  	[tilespmem:v58+s20+$0x0] =	vst.idx.msk $0xffff, v16  }
0x22d: {  	v59 =	vor.u32 s26, v2;
	v14 =	vadd.s32 s26, v14;
	v15 =	vld.idx.msk [tilespmem:v15+s15+$0x0], $0xffff  }
0x22e: {  	v14 =	vadd.s32 v3, v14;
	_ =	sdelay $0x3  }
0x22f: {  	[tilespmem:v59+s20+$0x0] =	vst.idx.msk $0xffff, v15  }
0x230: {  	v60 =	vor.u32 s26, v3;
	v13 =	vadd.s32 s26, v13;
	v14 =	vld.idx.msk [tilespmem:v14+s15+$0x0], $0xffff  }
0x231: {  	v13 =	vadd.s32 v4, v13;
	_ =	sdelay $0x3  }
0x232: {  	[tilespmem:v60+s20+$0x0] =	vst.idx.msk $0xffff, v14  }
0x233: {  	v61 =	vor.u32 s26, v4;
	v12 =	vadd.s32 s26, v12;
	v13 =	vld.idx.msk [tilespmem:v13+s15+$0x0], $0xffff  }
0x234: {  	v12 =	vadd.s32 v5, v12;
	_ =	sdelay $0x3  }
0x235: {  	[tilespmem:v61+s20+$0x0] =	vst.idx.msk $0xffff, v13  }
0x236: {  	v62 =	vor.u32 s26, v5;
	v11 =	vadd.s32 s26, v11;
	v12 =	vld.idx.msk [tilespmem:v12+s15+$0x0], $0xffff  }
0x237: {  	v11 =	vadd.s32 v6, v11;
	_ =	sdelay $0x3  }
0x238: {  	[tilespmem:v62+s20+$0x0] =	vst.idx.msk $0xffff, v12  }
0x239: {  	v63 =	vor.u32 s26, v6;
	v10 =	vadd.s32 s26, v10;
	v11 =	vld.idx.msk [tilespmem:v11+s15+$0x0], $0xffff  }
0x23a: {  	v10 =	vadd.s32 v7, v10;
	_ =	sdelay $0x3  }
0x23b: {  	[tilespmem:v63+s20+$0x0] =	vst.idx.msk $0xffff, v11  }
0x23c: {  	v9 =	vadd.s32 s26, v9;
	v11 =	vor.u32 s26, v7;
	v10 =	vld.idx.msk [tilespmem:v10+s15+$0x0], $0xffff  }
0x23d: {  	v9 =	vadd.s32 v8, v9;
	_ =	sdelay $0x3  }
0x23e: {  	[tilespmem:v11+s20+$0x0] =	vst.idx.msk $0xffff, v10  }
0x23f: {  	v10 =	vor.u32 s26, v8;
	v9 =	vld.idx.msk [tilespmem:v9+s15+$0x0], $0xffff;
	_ =	sdelay $0x4  }
0x240: {  	s25 =	sadd.s32 $0x1, s25;
	[tilespmem:v10+s20+$0x0] =	vst.idx.msk $0xffff, v9  }
0x241: {  	[hbm4b:s8+s2] =	stream.linear.scatter [tilespmem:s20], [sflag:$0x5], $0x4000, $0x38;
	[tilespmem:$0x10600] =	vst v63  }
0x242: {  	p0 =	sne.s32 s25, s9;
	_ =	swait.ge [sflag:s23], $0x4000  }
.Ltmp4:
0x243: {  	[sflag:s23] =	ssyncset.done $0x0;
	(pc) =	sbr.rel @p0 .LBB2_1-.Ltmp4, $4  }
0x244: {  	[sflag:s23] =	ssyncadd.s32 $0xFFFFC000  }
0x245: {  	_ =	swait.ge [sflag:s23], $0x4000  }
0x246: {  	[sflag:s23] =	ssyncset.done $0x0  }
0x247: {  	[sflag:s23] =	ssyncadd.s32 $0xFFFFC000  }
0x248: {  	_ =	sfence.sel $0x180000  }
0x249: {  	[bflag:$0x0] =	sbarrier.arrive $0xFFFF  }
0x24a: {  	p0 =	sne.s32 s1, $0x0;
	_ =	strace $0x90000047  }
0x24b: {  	s0 =	sadd.s32 @!p0 $0x100000, s0;
	[bflag:$0x2] =	sbarrier.arrive $0xFFFF  }
0x24c: {  	[sflag:s0] =	ssyncadd.tile.s32 @!p0 $0x1;
	_ =	shalt  }
.Lfunc_end2:
_tile_overlayer_lowered:
.L_overlay_start_2:
0x24d: {  	(tag) =	ssettag $0x2  }
0x24e: {  	s0 =	rddreg [dreg:$0x0];
	s2 =	stileid.u32  }
0x24f: {  	s1 =	rddreg [dreg:$0x1];
	p0 =	sne.s32 s2, $0x0  }
0x250: {  	s3 =	rddreg [dreg:$0x2];
	[bflag:$0x3] =	sbarrier.arrive $0xFFFF;
	s2 =	simm.s32 @!p0 $0x1C06  }
0x251: {  	[timem:s3], [sflag:s2] =	dma.local @!p0 [hbm:s0], s1  }
0x252: {  	s0 =	simm.s32 @!p0 $0x6  }
0x253: {  	_ =	swait.ge @!p0 [sflag:s0], s1  }
0x254: {  	s1 =	ssub.s32 @!p0 $0x0, s1;
	[sflag:s0] =	ssyncset.done @!p0 $0x0  }
0x255: {  	[sflag:s0] =	ssyncadd.s32 @!p0 s1  }
0x256: {  	[bflag:$0x3] =	sbarrier.arrive $0xFFFF  }
0x257: {  	_ =	shalt  }

</sc_bundles>
